<compile_context>
chip_gen: v7x
topology: tpu7x:2x2x1
jax: 0.10.2.dev20260603
libtpu: 0.0.44.dev20260713+nightly
codegen_flags: <defaults>
</compile_context>

<pallas_src>
import functools

import jax
import jax.numpy as jnp
from jax import lax
from jax.experimental import pallas as pl
from jax.experimental.pallas import tpu as pltpu
from jax.experimental.pallas import tpu_sc as plsc

HIDDEN_DIM = 32
MAX_NORM = 1.0
VOCAB = 1000000

B_ROWS = 16384 * 26
NC, NS, LANES = 2, 16, 16
NW = NC * NS

_mesh = plsc.VectorSubcoreMesh(core_axis_name="c", subcore_axis_name="s")

TCOLS = 512
OROWS = TCOLS // 4
FULL_BLOCKS = 1952
BLK_PER_W = FULL_BLOCKS // NW


@functools.partial(
    pl.kernel,
    out_type=jax.ShapeDtypeStruct((VOCAB // 4, 128), jnp.float32),
    mesh=_mesh,
    compiler_params=pltpu.CompilerParams(needs_layout_passes=False,
                                         use_tc_tiling_on_sc=True),
    scratch_types=[
        pltpu.VMEM((HIDDEN_DIM, TCOLS + 1), jnp.float32),
        pltpu.VMEM((HIDDEN_DIM, TCOLS + 1), jnp.float32),
        pltpu.VMEM((OROWS, 128), jnp.float32),
        pltpu.VMEM((OROWS, 128), jnp.float32),
        pltpu.SemaphoreType.DMA,
        pltpu.SemaphoreType.DMA,
        pltpu.SemaphoreType.DMA,
        pltpu.SemaphoreType.DMA,
    ],
)
def _transpose_sc(tt_hbm, tail4_hbm, t4_hbm, ibuf_a, ibuf_b, obuf_a, obuf_b,
                  sem_la, sem_lb, sem_sa, sem_sb):
    wid = lax.axis_index("s") * NC + lax.axis_index("c")

    def col0(b):
        return pl.multiple_of((wid * BLK_PER_W + b) * TCOLS, TCOLS)

    def load_desc(b, ibuf, sem, ncols=TCOLS):
        return pltpu.make_async_copy(
            tt_hbm.at[pl.ds(0, HIDDEN_DIM), pl.ds(col0(b), ncols)],
            ibuf.at[pl.ds(0, HIDDEN_DIM), pl.ds(0, ncols)], sem)

    def store_desc(b, obuf, sem, nrows=OROWS):
        return pltpu.make_async_copy(
            obuf.at[pl.ds(0, nrows)],
            t4_hbm.at[pl.ds(pl.multiple_of(col0(b) // 4, OROWS), nrows)],
            sem)

    dvec0 = lax.iota(jnp.int32, LANES)
    dvec1 = dvec0 + LANES

    def do_block(ibuf, obuf, nrows=OROWS):
        @pl.loop(0, nrows, unroll=8)
        def _row(i):
            cb = i * 4
            for k in range(8):
                dvec = dvec1 if (k % 2) else dvec0
                col = jnp.full((LANES,), 0, jnp.int32) + (cb + k // 2)
                obuf[i, pl.ds(k * LANES, LANES)] = plsc.load_gather(
                    ibuf, [dvec, col])

    bufs = ((ibuf_a, obuf_a, sem_la, sem_sa),
            (ibuf_b, obuf_b, sem_lb, sem_sb))

    load_desc(0, ibuf_a, sem_la).start()
    load_desc(1, ibuf_b, sem_lb).start()

    @pl.loop(0, BLK_PER_W // 2)
    def _super(s):
        for p, (ibuf, obuf, sem_l, sem_s) in enumerate(bufs):
            b = s * 2 + p

            @pl.when(s >= 1)
            def _():
                store_desc(b - 2, obuf, sem_s).wait()

            load_desc(b, ibuf, sem_l).wait()
            do_block(ibuf, obuf)
            store_desc(b, obuf, sem_s).start()

            @pl.when(b + 2 < BLK_PER_W)
            def _():
                load_desc(b + 2, ibuf, sem_l).start()

    b_last = BLK_PER_W - 1
    load_desc(b_last, ibuf_a, sem_la).wait()
    store_desc(b_last - 2, obuf_a, sem_sa).wait()
    do_block(ibuf_a, obuf_a)
    store_desc(b_last, obuf_a, sem_sa).start()
    store_desc(b_last - 1, obuf_b, sem_sb).wait()
    store_desc(b_last, obuf_a, sem_sa).wait()

    @pl.when(wid == 0)
    def _():
        pltpu.make_async_copy(
            tt_hbm.at[pl.ds(0, HIDDEN_DIM), pl.ds(FULL_BLOCKS * TCOLS,
                                                  TCOLS)],
            ibuf_b.at[pl.ds(0, HIDDEN_DIM), pl.ds(0, TCOLS)],
            sem_lb).start()
        pltpu.make_async_copy(
            tt_hbm.at[pl.ds(0, HIDDEN_DIM), pl.ds(FULL_BLOCKS * TCOLS,
                                                  TCOLS)],
            ibuf_b.at[pl.ds(0, HIDDEN_DIM), pl.ds(0, TCOLS)],
            sem_lb).wait()
        do_block(ibuf_b, obuf_b)
        pltpu.make_async_copy(
            obuf_b, t4_hbm.at[pl.ds(FULL_BLOCKS * TCOLS // 4, OROWS)],
            sem_sb).start()
        pltpu.make_async_copy(
            obuf_b, t4_hbm.at[pl.ds(FULL_BLOCKS * TCOLS // 4, OROWS)],
            sem_sb).wait()

    @pl.when(wid == NW - 1)
    def _():
        pltpu.sync_copy(tail4_hbm, obuf_b.at[pl.ds(0, 16)])
        pltpu.sync_copy(obuf_b.at[pl.ds(0, 16)],
                        t4_hbm.at[pl.ds((VOCAB - 64) // 4, 16)])


ROWS_PER_W = B_ROWS // NW
CHUNK = 512
GROUPS = CHUNK // 128
NCHUNKS = ROWS_PER_W // CHUNK
IDX_ROWS = ROWS_PER_W // 128


@functools.partial(
    pl.kernel,
    out_type=jax.ShapeDtypeStruct((B_ROWS, HIDDEN_DIM), jnp.float32),
    mesh=_mesh,
    compiler_params=pltpu.CompilerParams(needs_layout_passes=False,
                                         use_tc_tiling_on_sc=False),
    scratch_types=[
        pltpu.VMEM((IDX_ROWS, 128), jnp.int32),
        pltpu.VMEM((CHUNK, HIDDEN_DIM), jnp.float32),
        pltpu.VMEM((CHUNK, HIDDEN_DIM), jnp.float32),
        pltpu.VMEM((CHUNK, HIDDEN_DIM), jnp.float32),
        pltpu.VMEM((CHUNK, HIDDEN_DIM), jnp.float32),
        pltpu.SemaphoreType.DMA,
        pltpu.SemaphoreType.DMA,
        pltpu.SemaphoreType.DMA,
        pltpu.SemaphoreType.DMA,
    ],
)
def _hubs_sc(x_hbm, tbl_hbm, out_hbm, idx_all,
             rows_a, rows_b, outv_a, outv_b,
             sem_ga, sem_gb, sem_oa, sem_ob):
    wid = lax.axis_index("s") * NC + lax.axis_index("c")
    base = wid * ROWS_PER_W

    pltpu.sync_copy(x_hbm.at[pl.ds(pl.multiple_of(wid * IDX_ROWS, 8),
                                   IDX_ROWS)], idx_all)

    def fire_gathers(c, rows, sem):
        for j in range(GROUPS):
            pltpu.async_copy(tbl_hbm.at[idx_all.at[c * GROUPS + j]],
                             rows.at[pl.ds(j * 128, 128)], sem)

    def wait_gathers(c, rows, sem):
        for j in range(GROUPS):
            pltpu.make_async_copy(tbl_hbm.at[idx_all.at[c * GROUPS + j]],
                                  rows.at[pl.ds(j * 128, 128)], sem).wait()

    def out_slice(c):
        return out_hbm.at[pl.ds(base + c * CHUNK, CHUNK)]

    bufs = ((rows_a, outv_a, sem_ga, sem_oa),
            (rows_b, outv_b, sem_gb, sem_ob))

    fire_gathers(0, rows_a, sem_ga)
    fire_gathers(1, rows_b, sem_gb)

    @pl.loop(0, NCHUNKS // 2)
    def _super(s):
        for p, (rows, outv, sem_g, sem_o) in enumerate(bufs):
            c = s * 2 + p

            @pl.when(s >= 1)
            def _():
                pltpu.make_async_copy(outv, out_slice(c - 2), sem_o).wait()

            wait_gathers(c, rows, sem_g)

            @pl.loop(0, CHUNK // LANES, unroll=1)
            def _blk(i):
                lane = lax.iota(jnp.int32, LANES)
                row_idx = i * LANES + lane
                acc = [jnp.zeros((LANES,), jnp.float32) for _ in range(4)]
                vals = []
                for d in range(HIDDEN_DIM):
                    colv = (lane + d) & (HIDDEN_DIM - 1)
                    vd = plsc.load_gather(rows, [row_idx, colv])
                    vals.append(vd)
                    acc[d % 4] = acc[d % 4] + vd * vd
                ss = (acc[0] + acc[1]) + (acc[2] + acc[3])
                bi = plsc.bitcast(ss, jnp.int32)
                y = plsc.bitcast(jnp.int32(0x5F3759DF) - (bi >> 1),
                                 jnp.float32)
                y = y * (1.5 - 0.5 * ss * y * y)
                y = y * (1.5 - 0.5 * ss * y * y)
                scale = jnp.where(ss > MAX_NORM * MAX_NORM, y,
                                  jnp.float32(1.0))
                for d in range(HIDDEN_DIM):
                    colv = (lane + d) & (HIDDEN_DIM - 1)
                    plsc.store_scatter(outv, [row_idx, colv],
                                       vals[d] * scale)

            pltpu.async_copy(outv, out_slice(c), sem_o)

            @pl.when(s < NCHUNKS // 2 - 1)
            def _():
                fire_gathers(c + 2, rows, sem_g)

    pltpu.make_async_copy(outv_a, out_slice(NCHUNKS - 2), sem_oa).wait()
    pltpu.make_async_copy(outv_b, out_slice(NCHUNKS - 1), sem_ob).wait()


def kernel(x, table):
    x2d = x.reshape(-1).astype(jnp.int32).reshape(B_ROWS // 128, 128)
    out = _hubs_sc(x2d, table)
    return out.reshape(x.shape[0], x.shape[1], HIDDEN_DIM)

# --- scband reference (transcript-rebuilt; emitter-appended) ---
"""Pipeline reference for scband-hubs-84164179132674 (READ-ONLY COPY).

The authoritative reference and input builder live on the scoring server;
editing this copy changes nothing except your own understanding.
"""

import jax, jax.numpy as jnp
import numpy as np

N = 2000
NUM_CELLS = 500
HIDDEN_DIM = 32
VOCAB = N * NUM_CELLS
MAX_NORM = 1.0

def setup_inputs(seed: int = 0) -> dict:
    key = jax.random.key(seed)
    k1, k2 = jax.random.split(key)
    x = jax.random.randint(k1, (16384, 26), 0, VOCAB, dtype=jnp.int64)
    # nn.Embedding default init: N(0, 1)
    table = jax.random.normal(k2, (VOCAB, HIDDEN_DIM), dtype=jnp.float32)
    return {"x": x, "table": table}

def reference(x, table):
    # hubs.embed: nn.Embedding(N*num_cells, hidden_dim, sparse=True, max_norm=1)(x)
    # torch renormalizes (in-place, no-grad) any looked-up row whose L2 norm
    # exceeds max_norm: w = w * max_norm / (norm + 1e-7), then gathers.
    g = jnp.take(table, x, axis=0)  # [B, F, D]
    n = jnp.linalg.norm(g, axis=-1, keepdims=True)
    scale = jnp.where(n > MAX_NORM, MAX_NORM / (n + 1e-7), 1.0)
    return g * scale

if __name__ == "__main__":
    import jax
    _d = setup_inputs()
    print(jax.jit(kernel)(*tuple(_d.values())))

</pallas_src>

<mosaic_0001>
#map = affine_map<(d0, d1) -> (0, 0)>
module attributes {stable_mosaic.version = 14 : i64} {
  func.func @_hubs_sc(%arg0: i32, %arg1: i32, %arg2: memref<3328x128xi32, #tpu.memory_space<hbm>>, %arg3: memref<1000000x32xf32, #tpu.memory_space<hbm>>, %arg4: memref<425984x32xf32, #tpu.memory_space<hbm>>, %arg5: memref<104x128xi32, #tpu.memory_space<vmem>>, %arg6: memref<512x32xf32, #tpu.memory_space<vmem>>, %arg7: memref<512x32xf32, #tpu.memory_space<vmem>>, %arg8: memref<512x32xf32, #tpu.memory_space<vmem>>, %arg9: memref<512x32xf32, #tpu.memory_space<vmem>>, %arg10: memref<!tpu.dma_semaphore, #tpu.memory_space<semaphore_mem>>, %arg11: memref<!tpu.dma_semaphore, #tpu.memory_space<semaphore_mem>>, %arg12: memref<!tpu.dma_semaphore, #tpu.memory_space<semaphore_mem>>, %arg13: memref<!tpu.dma_semaphore, #tpu.memory_space<semaphore_mem>>) attributes {dimension_semantics = [#tpu.dimension_semantics<core_parallel>, #tpu.dimension_semantics<subcore_parallel>], iteration_bounds = array<i64: 2, 16>, scalar_prefetch = 0 : i64, scratch_operands = 9 : i64, tpu.core_type = #tpu.core_type<sc_vector_subcore>, window_params = [{transform_indices = #map}, {transform_indices = #map}, {transform_indices = #map}]} {
    %mul3A = arith.constant 2 : i32
    %mul3A_0 = arith.muli %arg1, %mul3A : i32
    %add3A = arith.addi %mul3A_0, %arg0 : i32
    %mul3A_1 = arith.constant 13312 : i32
    %mul3A_2 = arith.muli %add3A, %mul3A_1 : i32
    %mul3A_3 = arith.constant 104 : i32
    %mul3A_4 = arith.muli %add3A, %mul3A_3 : i32
    %multiple_of3A = tpu.assume_multiple %mul3A_4, 8 : i32
    "tpu.region"() ({
      %run_scoped3A = tpu.sem_alloc : memref<!tpu.dma_semaphore, #tpu.memory_space<semaphore_mem>>
      %dma_start3A_99 = arith.constant 0 : i32
      %dma_start3A_100 = tpu.memref_slice %arg2[%multiple_of3A, %dma_start3A_99] : memref<3328x128xi32, #tpu.memory_space<hbm>> -> memref<104x128xi32, #tpu.memory_space<hbm>>
      %dma_start3A_101 = arith.constant 0 : i32
      %dma_start3A_102 = tpu.memref_slice %arg2[%multiple_of3A, %dma_start3A_101] : memref<3328x128xi32, #tpu.memory_space<hbm>> -> memref<104x128xi32, #tpu.memory_space<hbm>>
      tpu.enqueue_dma source(%dma_start3A_102 : memref<104x128xi32, #tpu.memory_space<hbm>>) target(%arg5 : memref<104x128xi32, #tpu.memory_space<vmem>>) target_semaphore(%run_scoped3A : memref<!tpu.dma_semaphore, #tpu.memory_space<semaphore_mem>>)
      %dma_wait3A_103 = arith.constant 0 : i32
      %dma_wait3A_104 = tpu.memref_slice %arg2[%multiple_of3A, %dma_wait3A_103] : memref<3328x128xi32, #tpu.memory_space<hbm>> -> memref<104x128xi32, #tpu.memory_space<hbm>>
      %dma_wait3A_105 = arith.constant 0 : i32
      %dma_wait3A_106 = tpu.memref_slice %arg2[%multiple_of3A, %dma_wait3A_105] : memref<3328x128xi32, #tpu.memory_space<hbm>> -> memref<104x128xi32, #tpu.memory_space<hbm>>
      tpu.wait_dma2 semaphore(%run_scoped3A : memref<!tpu.dma_semaphore, #tpu.memory_space<semaphore_mem>>) src(%dma_wait3A_106 : memref<104x128xi32, #tpu.memory_space<hbm>>) dst(%arg5 : memref<104x128xi32, #tpu.memory_space<vmem>>)
      tpu.yield
    }) : () -> ()
    %dma_start3A = arith.constant 0 : i32
    %dma_start3A_5 = arith.constant 0 : i32
    %dma_start3A_6 = arith.constant 0 : i32
    %dma_start3A_7 = tpu.memref_slice %arg6[%dma_start3A_5, %dma_start3A_6] : memref<512x32xf32, #tpu.memory_space<vmem>> -> memref<128x32xf32, #tpu.memory_space<vmem>>
    %dma_start3A_8 = arith.constant 0 : i32
    %dma_start3A_9 = tpu.memref_slice %arg5[%dma_start3A, %dma_start3A_8] : memref<104x128xi32, #tpu.memory_space<vmem>> -> memref<1x128xi32, #tpu.memory_space<vmem>>
    %dma_start3A_10 = tpu.memref_squeeze %dma_start3A_9 : memref<1x128xi32, #tpu.memory_space<vmem>> -> memref<128xi32, #tpu.memory_space<vmem>>
    %dma_start3A_11 = arith.constant 0 : i32
    %dma_start3A_12 = arith.constant 0 : i32
    %dma_start3A_13 = tpu.memref_slice %arg3[%dma_start3A_11, %dma_start3A_12] : memref<1000000x32xf32, #tpu.memory_space<hbm>> -> memref<1000000x32xf32, #tpu.memory_space<hbm>>
    tpu.enqueue_indirect_dma source(%dma_start3A_13 : memref<1000000x32xf32, #tpu.memory_space<hbm>>) target(%dma_start3A_7 : memref<128x32xf32, #tpu.memory_space<vmem>>) offsets(%dma_start3A_10 : memref<128xi32, #tpu.memory_space<vmem>>) semaphore(%arg10 : memref<!tpu.dma_semaphore, #tpu.memory_space<semaphore_mem>>)
    %dma_start3A_14 = arith.constant 1 : i32
    %dma_start3A_15 = arith.constant 128 : i32
    %dma_start3A_16 = arith.constant 0 : i32
    %dma_start3A_17 = tpu.memref_slice %arg6[%dma_start3A_15, %dma_start3A_16] : memref<512x32xf32, #tpu.memory_space<vmem>> -> memref<128x32xf32, #tpu.memory_space<vmem>>
    %dma_start3A_18 = arith.constant 0 : i32
    %dma_start3A_19 = tpu.memref_slice %arg5[%dma_start3A_14, %dma_start3A_18] : memref<104x128xi32, #tpu.memory_space<vmem>> -> memref<1x128xi32, #tpu.memory_space<vmem>>
    %dma_start3A_20 = tpu.memref_squeeze %dma_start3A_19 : memref<1x128xi32, #tpu.memory_space<vmem>> -> memref<128xi32, #tpu.memory_space<vmem>>
    %dma_start3A_21 = arith.constant 0 : i32
    %dma_start3A_22 = arith.constant 0 : i32
    %dma_start3A_23 = tpu.memref_slice %arg3[%dma_start3A_21, %dma_start3A_22] : memref<1000000x32xf32, #tpu.memory_space<hbm>> -> memref<1000000x32xf32, #tpu.memory_space<hbm>>
    tpu.enqueue_indirect_dma source(%dma_start3A_23 : memref<1000000x32xf32, #tpu.memory_space<hbm>>) target(%dma_start3A_17 : memref<128x32xf32, #tpu.memory_space<vmem>>) offsets(%dma_start3A_20 : memref<128xi32, #tpu.memory_space<vmem>>) semaphore(%arg10 : memref<!tpu.dma_semaphore, #tpu.memory_space<semaphore_mem>>)
    %dma_start3A_24 = arith.constant 2 : i32
    %dma_start3A_25 = arith.constant 256 : i32
    %dma_start3A_26 = arith.constant 0 : i32
    %dma_start3A_27 = tpu.memref_slice %arg6[%dma_start3A_25, %dma_start3A_26] : memref<512x32xf32, #tpu.memory_space<vmem>> -> memref<128x32xf32, #tpu.memory_space<vmem>>
    %dma_start3A_28 = arith.constant 0 : i32
    %dma_start3A_29 = tpu.memref_slice %arg5[%dma_start3A_24, %dma_start3A_28] : memref<104x128xi32, #tpu.memory_space<vmem>> -> memref<1x128xi32, #tpu.memory_space<vmem>>
    %dma_start3A_30 = tpu.memref_squeeze %dma_start3A_29 : memref<1x128xi32, #tpu.memory_space<vmem>> -> memref<128xi32, #tpu.memory_space<vmem>>
    %dma_start3A_31 = arith.constant 0 : i32
    %dma_start3A_32 = arith.constant 0 : i32
    %dma_start3A_33 = tpu.memref_slice %arg3[%dma_start3A_31, %dma_start3A_32] : memref<1000000x32xf32, #tpu.memory_space<hbm>> -> memref<1000000x32xf32, #tpu.memory_space<hbm>>
    tpu.enqueue_indirect_dma source(%dma_start3A_33 : memref<1000000x32xf32, #tpu.memory_space<hbm>>) target(%dma_start3A_27 : memref<128x32xf32, #tpu.memory_space<vmem>>) offsets(%dma_start3A_30 : memref<128xi32, #tpu.memory_space<vmem>>) semaphore(%arg10 : memref<!tpu.dma_semaphore, #tpu.memory_space<semaphore_mem>>)
    %dma_start3A_34 = arith.constant 3 : i32
    %dma_start3A_35 = arith.constant 384 : i32
    %dma_start3A_36 = arith.constant 0 : i32
    %dma_start3A_37 = tpu.memref_slice %arg6[%dma_start3A_35, %dma_start3A_36] : memref<512x32xf32, #tpu.memory_space<vmem>> -> memref<128x32xf32, #tpu.memory_space<vmem>>
    %dma_start3A_38 = arith.constant 0 : i32
    %dma_start3A_39 = tpu.memref_slice %arg5[%dma_start3A_34, %dma_start3A_38] : memref<104x128xi32, #tpu.memory_space<vmem>> -> memref<1x128xi32, #tpu.memory_space<vmem>>
    %dma_start3A_40 = tpu.memref_squeeze %dma_start3A_39 : memref<1x128xi32, #tpu.memory_space<vmem>> -> memref<128xi32, #tpu.memory_space<vmem>>
    %dma_start3A_41 = arith.constant 0 : i32
    %dma_start3A_42 = arith.constant 0 : i32
    %dma_start3A_43 = tpu.memref_slice %arg3[%dma_start3A_41, %dma_start3A_42] : memref<1000000x32xf32, #tpu.memory_space<hbm>> -> memref<1000000x32xf32, #tpu.memory_space<hbm>>
    tpu.enqueue_indirect_dma source(%dma_start3A_43 : memref<1000000x32xf32, #tpu.memory_space<hbm>>) target(%dma_start3A_37 : memref<128x32xf32, #tpu.memory_space<vmem>>) offsets(%dma_start3A_40 : memref<128xi32, #tpu.memory_space<vmem>>) semaphore(%arg10 : memref<!tpu.dma_semaphore, #tpu.memory_space<semaphore_mem>>)
    %dma_start3A_44 = arith.constant 4 : i32
    %dma_start3A_45 = arith.constant 0 : i32
    %dma_start3A_46 = arith.constant 0 : i32
    %dma_start3A_47 = tpu.memref_slice %arg7[%dma_start3A_45, %dma_start3A_46] : memref<512x32xf32, #tpu.memory_space<vmem>> -> memref<128x32xf32, #tpu.memory_space<vmem>>
    %dma_start3A_48 = arith.constant 0 : i32
    %dma_start3A_49 = tpu.memref_slice %arg5[%dma_start3A_44, %dma_start3A_48] : memref<104x128xi32, #tpu.memory_space<vmem>> -> memref<1x128xi32, #tpu.memory_space<vmem>>
    %dma_start3A_50 = tpu.memref_squeeze %dma_start3A_49 : memref<1x128xi32, #tpu.memory_space<vmem>> -> memref<128xi32, #tpu.memory_space<vmem>>
    %dma_start3A_51 = arith.constant 0 : i32
    %dma_start3A_52 = arith.constant 0 : i32
    %dma_start3A_53 = tpu.memref_slice %arg3[%dma_start3A_51, %dma_start3A_52] : memref<1000000x32xf32, #tpu.memory_space<hbm>> -> memref<1000000x32xf32, #tpu.memory_space<hbm>>
    tpu.enqueue_indirect_dma source(%dma_start3A_53 : memref<1000000x32xf32, #tpu.memory_space<hbm>>) target(%dma_start3A_47 : memref<128x32xf32, #tpu.memory_space<vmem>>) offsets(%dma_start3A_50 : memref<128xi32, #tpu.memory_space<vmem>>) semaphore(%arg11 : memref<!tpu.dma_semaphore, #tpu.memory_space<semaphore_mem>>)
    %dma_start3A_54 = arith.constant 5 : i32
    %dma_start3A_55 = arith.constant 128 : i32
    %dma_start3A_56 = arith.constant 0 : i32
    %dma_start3A_57 = tpu.memref_slice %arg7[%dma_start3A_55, %dma_start3A_56] : memref<512x32xf32, #tpu.memory_space<vmem>> -> memref<128x32xf32, #tpu.memory_space<vmem>>
    %dma_start3A_58 = arith.constant 0 : i32
    %dma_start3A_59 = tpu.memref_slice %arg5[%dma_start3A_54, %dma_start3A_58] : memref<104x128xi32, #tpu.memory_space<vmem>> -> memref<1x128xi32, #tpu.memory_space<vmem>>
    %dma_start3A_60 = tpu.memref_squeeze %dma_start3A_59 : memref<1x128xi32, #tpu.memory_space<vmem>> -> memref<128xi32, #tpu.memory_space<vmem>>
    %dma_start3A_61 = arith.constant 0 : i32
    %dma_start3A_62 = arith.constant 0 : i32
    %dma_start3A_63 = tpu.memref_slice %arg3[%dma_start3A_61, %dma_start3A_62] : memref<1000000x32xf32, #tpu.memory_space<hbm>> -> memref<1000000x32xf32, #tpu.memory_space<hbm>>
    tpu.enqueue_indirect_dma source(%dma_start3A_63 : memref<1000000x32xf32, #tpu.memory_space<hbm>>) target(%dma_start3A_57 : memref<128x32xf32, #tpu.memory_space<vmem>>) offsets(%dma_start3A_60 : memref<128xi32, #tpu.memory_space<vmem>>) semaphore(%arg11 : memref<!tpu.dma_semaphore, #tpu.memory_space<semaphore_mem>>)
    %dma_start3A_64 = arith.constant 6 : i32
    %dma_start3A_65 = arith.constant 256 : i32
    %dma_start3A_66 = arith.constant 0 : i32
    %dma_start3A_67 = tpu.memref_slice %arg7[%dma_start3A_65, %dma_start3A_66] : memref<512x32xf32, #tpu.memory_space<vmem>> -> memref<128x32xf32, #tpu.memory_space<vmem>>
    %dma_start3A_68 = arith.constant 0 : i32
    %dma_start3A_69 = tpu.memref_slice %arg5[%dma_start3A_64, %dma_start3A_68] : memref<104x128xi32, #tpu.memory_space<vmem>> -> memref<1x128xi32, #tpu.memory_space<vmem>>
    %dma_start3A_70 = tpu.memref_squeeze %dma_start3A_69 : memref<1x128xi32, #tpu.memory_space<vmem>> -> memref<128xi32, #tpu.memory_space<vmem>>
    %dma_start3A_71 = arith.constant 0 : i32
    %dma_start3A_72 = arith.constant 0 : i32
    %dma_start3A_73 = tpu.memref_slice %arg3[%dma_start3A_71, %dma_start3A_72] : memref<1000000x32xf32, #tpu.memory_space<hbm>> -> memref<1000000x32xf32, #tpu.memory_space<hbm>>
    tpu.enqueue_indirect_dma source(%dma_start3A_73 : memref<1000000x32xf32, #tpu.memory_space<hbm>>) target(%dma_start3A_67 : memref<128x32xf32, #tpu.memory_space<vmem>>) offsets(%dma_start3A_70 : memref<128xi32, #tpu.memory_space<vmem>>) semaphore(%arg11 : memref<!tpu.dma_semaphore, #tpu.memory_space<semaphore_mem>>)
    %dma_start3A_74 = arith.constant 7 : i32
    %dma_start3A_75 = arith.constant 384 : i32
    %dma_start3A_76 = arith.constant 0 : i32
    %dma_start3A_77 = tpu.memref_slice %arg7[%dma_start3A_75, %dma_start3A_76] : memref<512x32xf32, #tpu.memory_space<vmem>> -> memref<128x32xf32, #tpu.memory_space<vmem>>
    %dma_start3A_78 = arith.constant 0 : i32
    %dma_start3A_79 = tpu.memref_slice %arg5[%dma_start3A_74, %dma_start3A_78] : memref<104x128xi32, #tpu.memory_space<vmem>> -> memref<1x128xi32, #tpu.memory_space<vmem>>
    %dma_start3A_80 = tpu.memref_squeeze %dma_start3A_79 : memref<1x128xi32, #tpu.memory_space<vmem>> -> memref<128xi32, #tpu.memory_space<vmem>>
    %dma_start3A_81 = arith.constant 0 : i32
    %dma_start3A_82 = arith.constant 0 : i32
    %dma_start3A_83 = tpu.memref_slice %arg3[%dma_start3A_81, %dma_start3A_82] : memref<1000000x32xf32, #tpu.memory_space<hbm>> -> memref<1000000x32xf32, #tpu.memory_space<hbm>>
    tpu.enqueue_indirect_dma source(%dma_start3A_83 : memref<1000000x32xf32, #tpu.memory_space<hbm>>) target(%dma_start3A_77 : memref<128x32xf32, #tpu.memory_space<vmem>>) offsets(%dma_start3A_80 : memref<128xi32, #tpu.memory_space<vmem>>) semaphore(%arg11 : memref<!tpu.dma_semaphore, #tpu.memory_space<semaphore_mem>>)
    %scan3A = arith.constant 0 : i32
    %scan3A_84 = arith.constant 13 : i32
    %scan3A_85 = arith.addi %scan3A, %scan3A_84 : i32
    %scan3A_86 = arith.constant 1 : i32
    scf.for %scan3A_99 = %scan3A to %scan3A_85 step %scan3A_86  : i32 {
      %mul3A_100 = arith.constant 1 : i32
      %mul3A_101 = arith.muli %scan3A_99, %mul3A_100 : i32
      %add3A_102 = arith.constant 0 : i32
      %add3A_103 = arith.addi %add3A_102, %mul3A_101 : i32
      %mul3A_104 = arith.constant 2 : i32
      %mul3A_105 = arith.muli %add3A_103, %mul3A_104 : i32
      %add3A_106 = arith.constant 0 : i32
      %add3A_107 = arith.addi %mul3A_105, %add3A_106 : i32
      %ge3A = arith.constant 1 : i32
      %ge3A_108 = arith.cmpi sge, %add3A_103, %ge3A : i32
      %convert_element_type3A = arith.extui %ge3A_108 : i1 to i32
      %cond3A = arith.constant 0 : i32
      %cond3A_109 = arith.cmpi ne, %convert_element_type3A, %cond3A : i32
      scf.if %cond3A_109 {
        %sub3A = arith.constant 2 : i32
        %sub3A_256 = arith.subi %add3A_107, %sub3A : i32
        %mul3A_257 = arith.constant 512 : i32
        %mul3A_258 = arith.muli %sub3A_256, %mul3A_257 : i32
        %add3A_259 = arith.addi %mul3A_2, %mul3A_258 : i32
        %dma_wait3A_260 = arith.constant 0 : i32
        %dma_wait3A_261 = tpu.memref_slice %arg4[%add3A_259, %dma_wait3A_260] : memref<425984x32xf32, #tpu.memory_space<hbm>> -> memref<512x32xf32, #tpu.memory_space<hbm>>
        %dma_wait3A_262 = arith.constant 0 : i32
        %dma_wait3A_263 = tpu.memref_slice %arg4[%add3A_259, %dma_wait3A_262] : memref<425984x32xf32, #tpu.memory_space<hbm>> -> memref<512x32xf32, #tpu.memory_space<hbm>>
        tpu.wait_dma2 semaphore(%arg12 : memref<!tpu.dma_semaphore, #tpu.memory_space<semaphore_mem>>) src(%arg8 : memref<512x32xf32, #tpu.memory_space<vmem>>) dst(%dma_wait3A_263 : memref<512x32xf32, #tpu.memory_space<hbm>>)
      } else {
      }
      %mul3A_110 = arith.constant 4 : i32
      %mul3A_111 = arith.muli %add3A_107, %mul3A_110 : i32
      %add3A_112 = arith.constant 0 : i32
      %add3A_113 = arith.addi %mul3A_111, %add3A_112 : i32
      %dma_wait3A_114 = arith.constant 0 : i32
      %dma_wait3A_115 = arith.constant 0 : i32
      %dma_wait3A_116 = tpu.memref_slice %arg6[%dma_wait3A_114, %dma_wait3A_115] : memref<512x32xf32, #tpu.memory_space<vmem>> -> memref<128x32xf32, #tpu.memory_space<vmem>>
      %dma_wait3A_117 = arith.constant 0 : i32
      %dma_wait3A_118 = tpu.memref_slice %arg5[%add3A_113, %dma_wait3A_117] : memref<104x128xi32, #tpu.memory_space<vmem>> -> memref<1x128xi32, #tpu.memory_space<vmem>>
      %dma_wait3A_119 = tpu.memref_squeeze %dma_wait3A_118 : memref<1x128xi32, #tpu.memory_space<vmem>> -> memref<128xi32, #tpu.memory_space<vmem>>
      %dma_wait3A_120 = arith.constant 0 : i32
      %dma_wait3A_121 = arith.constant 0 : i32
      %dma_wait3A_122 = tpu.memref_slice %arg3[%dma_wait3A_120, %dma_wait3A_121] : memref<1000000x32xf32, #tpu.memory_space<hbm>> -> memref<1000000x32xf32, #tpu.memory_space<hbm>>
      tpu.wait_indirect_dma semaphore(%arg10 : memref<!tpu.dma_semaphore, #tpu.memory_space<semaphore_mem>>) src(%dma_wait3A_122 : memref<1000000x32xf32, #tpu.memory_space<hbm>>) dst(%dma_wait3A_116 : memref<128x32xf32, #tpu.memory_space<vmem>>)
      %mul3A_123 = arith.constant 4 : i32
      %mul3A_124 = arith.muli %add3A_107, %mul3A_123 : i32
      %add3A_125 = arith.constant 1 : i32
      %add3A_126 = arith.addi %mul3A_124, %add3A_125 : i32
      %dma_wait3A_127 = arith.constant 128 : i32
      %dma_wait3A_128 = arith.constant 0 : i32
      %dma_wait3A_129 = tpu.memref_slice %arg6[%dma_wait3A_127, %dma_wait3A_128] : memref<512x32xf32, #tpu.memory_space<vmem>> -> memref<128x32xf32, #tpu.memory_space<vmem>>
      %dma_wait3A_130 = arith.constant 0 : i32
      %dma_wait3A_131 = tpu.memref_slice %arg5[%add3A_126, %dma_wait3A_130] : memref<104x128xi32, #tpu.memory_space<vmem>> -> memref<1x128xi32, #tpu.memory_space<vmem>>
      %dma_wait3A_132 = tpu.memref_squeeze %dma_wait3A_131 : memref<1x128xi32, #tpu.memory_space<vmem>> -> memref<128xi32, #tpu.memory_space<vmem>>
      %dma_wait3A_133 = arith.constant 0 : i32
      %dma_wait3A_134 = arith.constant 0 : i32
      %dma_wait3A_135 = tpu.memref_slice %arg3[%dma_wait3A_133, %dma_wait3A_134] : memref<1000000x32xf32, #tpu.memory_space<hbm>> -> memref<1000000x32xf32, #tpu.memory_space<hbm>>
      tpu.wait_indirect_dma semaphore(%arg10 : memref<!tpu.dma_semaphore, #tpu.memory_space<semaphore_mem>>) src(%dma_wait3A_135 : memref<1000000x32xf32, #tpu.memory_space<hbm>>) dst(%dma_wait3A_129 : memref<128x32xf32, #tpu.memory_space<vmem>>)
      %mul3A_136 = arith.constant 4 : i32
      %mul3A_137 = arith.muli %add3A_107, %mul3A_136 : i32
      %add3A_138 = arith.constant 2 : i32
      %add3A_139 = arith.addi %mul3A_137, %add3A_138 : i32
      %dma_wait3A_140 = arith.constant 256 : i32
      %dma_wait3A_141 = arith.constant 0 : i32
      %dma_wait3A_142 = tpu.memref_slice %arg6[%dma_wait3A_140, %dma_wait3A_141] : memref<512x32xf32, #tpu.memory_space<vmem>> -> memref<128x32xf32, #tpu.memory_space<vmem>>
      %dma_wait3A_143 = arith.constant 0 : i32
      %dma_wait3A_144 = tpu.memref_slice %arg5[%add3A_139, %dma_wait3A_143] : memref<104x128xi32, #tpu.memory_space<vmem>> -> memref<1x128xi32, #tpu.memory_space<vmem>>
      %dma_wait3A_145 = tpu.memref_squeeze %dma_wait3A_144 : memref<1x128xi32, #tpu.memory_space<vmem>> -> memref<128xi32, #tpu.memory_space<vmem>>
      %dma_wait3A_146 = arith.constant 0 : i32
      %dma_wait3A_147 = arith.constant 0 : i32
      %dma_wait3A_148 = tpu.memref_slice %arg3[%dma_wait3A_146, %dma_wait3A_147] : memref<1000000x32xf32, #tpu.memory_space<hbm>> -> memref<1000000x32xf32, #tpu.memory_space<hbm>>
      tpu.wait_indirect_dma semaphore(%arg10 : memref<!tpu.dma_semaphore, #tpu.memory_space<semaphore_mem>>) src(%dma_wait3A_148 : memref<1000000x32xf32, #tpu.memory_space<hbm>>) dst(%dma_wait3A_142 : memref<128x32xf32, #tpu.memory_space<vmem>>)
      %mul3A_149 = arith.constant 4 : i32
      %mul3A_150 = arith.muli %add3A_107, %mul3A_149 : i32
      %add3A_151 = arith.constant 3 : i32
      %add3A_152 = arith.addi %mul3A_150, %add3A_151 : i32
      %dma_wait3A_153 = arith.constant 384 : i32
      %dma_wait3A_154 = arith.constant 0 : i32
      %dma_wait3A_155 = tpu.memref_slice %arg6[%dma_wait3A_153, %dma_wait3A_154] : memref<512x32xf32, #tpu.memory_space<vmem>> -> memref<128x32xf32, #tpu.memory_space<vmem>>
      %dma_wait3A_156 = arith.constant 0 : i32
      %dma_wait3A_157 = tpu.memref_slice %arg5[%add3A_152, %dma_wait3A_156] : memref<104x128xi32, #tpu.memory_space<vmem>> -> memref<1x128xi32, #tpu.memory_space<vmem>>
      %dma_wait3A_158 = tpu.memref_squeeze %dma_wait3A_157 : memref<1x128xi32, #tpu.memory_space<vmem>> -> memref<128xi32, #tpu.memory_space<vmem>>
      %dma_wait3A_159 = arith.constant 0 : i32
      %dma_wait3A_160 = arith.constant 0 : i32
      %dma_wait3A_161 = tpu.memref_slice %arg3[%dma_wait3A_159, %dma_wait3A_160] : memref<1000000x32xf32, #tpu.memory_space<hbm>> -> memref<1000000x32xf32, #tpu.memory_space<hbm>>
      tpu.wait_indirect_dma semaphore(%arg10 : memref<!tpu.dma_semaphore, #tpu.memory_space<semaphore_mem>>) src(%dma_wait3A_161 : memref<1000000x32xf32, #tpu.memory_space<hbm>>) dst(%dma_wait3A_155 : memref<128x32xf32, #tpu.memory_space<vmem>>)
      %scan3A_162 = arith.constant 0 : i32
      %scan3A_163 = arith.constant 32 : i32
      %scan3A_164 = arith.addi %scan3A_162, %scan3A_163 : i32
      %scan3A_165 = arith.constant 1 : i32
      scf.for %scan3A_256 = %scan3A_162 to %scan3A_164 step %scan3A_165  : i32 {
        %mul3A_257 = arith.constant 1 : i32
        %mul3A_258 = arith.muli %scan3A_256, %mul3A_257 : i32
        %add3A_259 = arith.constant 0 : i32
        %add3A_260 = arith.addi %add3A_259, %mul3A_258 : i32
        %iota3A = tpu.iota {dimensions = array<i32: 0>} : vector<16xi32>
        %mul3A_261 = arith.constant 16 : i32
        %mul3A_262 = arith.muli %add3A_260, %mul3A_261 : i32
        %add3A_263 = vector.broadcast %mul3A_262 : i32 to vector<16xi32>
        %add3A_264 = arith.addi %add3A_263, %iota3A : vector<16xi32>
        %broadcast_in_dim3A = arith.constant 0.000000e+00 : f32
        %broadcast_in_dim3A_265 = vector.broadcast %broadcast_in_dim3A : f32 to vector<16xf32>
        %broadcast_in_dim3A_266 = arith.constant 0.000000e+00 : f32
        %broadcast_in_dim3A_267 = vector.broadcast %broadcast_in_dim3A_266 : f32 to vector<16xf32>
        %broadcast_in_dim3A_268 = arith.constant 0.000000e+00 : f32
        %broadcast_in_dim3A_269 = vector.broadcast %broadcast_in_dim3A_268 : f32 to vector<16xf32>
        %broadcast_in_dim3A_270 = arith.constant 0.000000e+00 : f32
        %broadcast_in_dim3A_271 = vector.broadcast %broadcast_in_dim3A_270 : f32 to vector<16xf32>
        %add3A_272 = arith.constant 0 : i32
        %add3A_273 = vector.broadcast %add3A_272 : i32 to vector<16xi32>
        %add3A_274 = arith.addi %iota3A, %add3A_273 : vector<16xi32>
        %and3A = arith.constant 31 : i32
        %and3A_275 = vector.broadcast %and3A : i32 to vector<16xi32>
        %and3A_276 = arith.andi %add3A_274, %and3A_275 : vector<16xi32>
        %gather3A = tpu.vector_load_idx %arg6[%add3A_264, %and3A_276] : memref<512x32xf32, #tpu.memory_space<vmem>>[vector<16xi32>, vector<16xi32>], vector<16xf32>,
        %mul3A_277 = arith.mulf %gather3A, %gather3A : vector<16xf32>
        %add3A_278 = arith.addf %broadcast_in_dim3A_265, %mul3A_277 : vector<16xf32>
        %add3A_279 = arith.constant 1 : i32
        %add3A_280 = vector.broadcast %add3A_279 : i32 to vector<16xi32>
        %add3A_281 = arith.addi %iota3A, %add3A_280 : vector<16xi32>
        %and3A_282 = arith.constant 31 : i32
        %and3A_283 = vector.broadcast %and3A_282 : i32 to vector<16xi32>
        %and3A_284 = arith.andi %add3A_281, %and3A_283 : vector<16xi32>
        %gather3A_285 = tpu.vector_load_idx %arg6[%add3A_264, %and3A_284] : memref<512x32xf32, #tpu.memory_space<vmem>>[vector<16xi32>, vector<16xi32>], vector<16xf32>,
        %mul3A_286 = arith.mulf %gather3A_285, %gather3A_285 : vector<16xf32>
        %add3A_287 = arith.addf %broadcast_in_dim3A_267, %mul3A_286 : vector<16xf32>
        %add3A_288 = arith.constant 2 : i32
        %add3A_289 = vector.broadcast %add3A_288 : i32 to vector<16xi32>
        %add3A_290 = arith.addi %iota3A, %add3A_289 : vector<16xi32>
        %and3A_291 = arith.constant 31 : i32
        %and3A_292 = vector.broadcast %and3A_291 : i32 to vector<16xi32>
        %and3A_293 = arith.andi %add3A_290, %and3A_292 : vector<16xi32>
        %gather3A_294 = tpu.vector_load_idx %arg6[%add3A_264, %and3A_293] : memref<512x32xf32, #tpu.memory_space<vmem>>[vector<16xi32>, vector<16xi32>], vector<16xf32>,
        %mul3A_295 = arith.mulf %gather3A_294, %gather3A_294 : vector<16xf32>
        %add3A_296 = arith.addf %broadcast_in_dim3A_269, %mul3A_295 : vector<16xf32>
        %add3A_297 = arith.constant 3 : i32
        %add3A_298 = vector.broadcast %add3A_297 : i32 to vector<16xi32>
        %add3A_299 = arith.addi %iota3A, %add3A_298 : vector<16xi32>
        %and3A_300 = arith.constant 31 : i32
        %and3A_301 = vector.broadcast %and3A_300 : i32 to vector<16xi32>
        %and3A_302 = arith.andi %add3A_299, %and3A_301 : vector<16xi32>
        %gather3A_303 = tpu.vector_load_idx %arg6[%add3A_264, %and3A_302] : memref<512x32xf32, #tpu.memory_space<vmem>>[vector<16xi32>, vector<16xi32>], vector<16xf32>,
        %mul3A_304 = arith.mulf %gather3A_303, %gather3A_303 : vector<16xf32>
        %add3A_305 = arith.addf %broadcast_in_dim3A_271, %mul3A_304 : vector<16xf32>
        %add3A_306 = arith.constant 4 : i32
        %add3A_307 = vector.broadcast %add3A_306 : i32 to vector<16xi32>
        %add3A_308 = arith.addi %iota3A, %add3A_307 : vector<16xi32>
        %and3A_309 = arith.constant 31 : i32
        %and3A_310 = vector.broadcast %and3A_309 : i32 to vector<16xi32>
        %and3A_311 = arith.andi %add3A_308, %and3A_310 : vector<16xi32>
        %gather3A_312 = tpu.vector_load_idx %arg6[%add3A_264, %and3A_311] : memref<512x32xf32, #tpu.memory_space<vmem>>[vector<16xi32>, vector<16xi32>], vector<16xf32>,
        %mul3A_313 = arith.mulf %gather3A_312, %gather3A_312 : vector<16xf32>
        %add3A_314 = arith.addf %add3A_278, %mul3A_313 : vector<16xf32>
        %add3A_315 = arith.constant 5 : i32
        %add3A_316 = vector.broadcast %add3A_315 : i32 to vector<16xi32>
        %add3A_317 = arith.addi %iota3A, %add3A_316 : vector<16xi32>
        %and3A_318 = arith.constant 31 : i32
        %and3A_319 = vector.broadcast %and3A_318 : i32 to vector<16xi32>
        %and3A_320 = arith.andi %add3A_317, %and3A_319 : vector<16xi32>
        %gather3A_321 = tpu.vector_load_idx %arg6[%add3A_264, %and3A_320] : memref<512x32xf32, #tpu.memory_space<vmem>>[vector<16xi32>, vector<16xi32>], vector<16xf32>,
        %mul3A_322 = arith.mulf %gather3A_321, %gather3A_321 : vector<16xf32>
        %add3A_323 = arith.addf %add3A_287, %mul3A_322 : vector<16xf32>
        %add3A_324 = arith.constant 6 : i32
        %add3A_325 = vector.broadcast %add3A_324 : i32 to vector<16xi32>
        %add3A_326 = arith.addi %iota3A, %add3A_325 : vector<16xi32>
        %and3A_327 = arith.constant 31 : i32
        %and3A_328 = vector.broadcast %and3A_327 : i32 to vector<16xi32>
        %and3A_329 = arith.andi %add3A_326, %and3A_328 : vector<16xi32>
        %gather3A_330 = tpu.vector_load_idx %arg6[%add3A_264, %and3A_329] : memref<512x32xf32, #tpu.memory_space<vmem>>[vector<16xi32>, vector<16xi32>], vector<16xf32>,
        %mul3A_331 = arith.mulf %gather3A_330, %gather3A_330 : vector<16xf32>
        %add3A_332 = arith.addf %add3A_296, %mul3A_331 : vector<16xf32>
        %add3A_333 = arith.constant 7 : i32
        %add3A_334 = vector.broadcast %add3A_333 : i32 to vector<16xi32>
        %add3A_335 = arith.addi %iota3A, %add3A_334 : vector<16xi32>
        %and3A_336 = arith.constant 31 : i32
        %and3A_337 = vector.broadcast %and3A_336 : i32 to vector<16xi32>
        %and3A_338 = arith.andi %add3A_335, %and3A_337 : vector<16xi32>
        %gather3A_339 = tpu.vector_load_idx %arg6[%add3A_264, %and3A_338] : memref<512x32xf32, #tpu.memory_space<vmem>>[vector<16xi32>, vector<16xi32>], vector<16xf32>,
        %mul3A_340 = arith.mulf %gather3A_339, %gather3A_339 : vector<16xf32>
        %add3A_341 = arith.addf %add3A_305, %mul3A_340 : vector<16xf32>
        %add3A_342 = arith.constant 8 : i32
        %add3A_343 = vector.broadcast %add3A_342 : i32 to vector<16xi32>
        %add3A_344 = arith.addi %iota3A, %add3A_343 : vector<16xi32>
        %and3A_345 = arith.constant 31 : i32
        %and3A_346 = vector.broadcast %and3A_345 : i32 to vector<16xi32>
        %and3A_347 = arith.andi %add3A_344, %and3A_346 : vector<16xi32>
        %gather3A_348 = tpu.vector_load_idx %arg6[%add3A_264, %and3A_347] : memref<512x32xf32, #tpu.memory_space<vmem>>[vector<16xi32>, vector<16xi32>], vector<16xf32>,
        %mul3A_349 = arith.mulf %gather3A_348, %gather3A_348 : vector<16xf32>
        %add3A_350 = arith.addf %add3A_314, %mul3A_349 : vector<16xf32>
        %add3A_351 = arith.constant 9 : i32
        %add3A_352 = vector.broadcast %add3A_351 : i32 to vector<16xi32>
        %add3A_353 = arith.addi %iota3A, %add3A_352 : vector<16xi32>
        %and3A_354 = arith.constant 31 : i32
        %and3A_355 = vector.broadcast %and3A_354 : i32 to vector<16xi32>
        %and3A_356 = arith.andi %add3A_353, %and3A_355 : vector<16xi32>
        %gather3A_357 = tpu.vector_load_idx %arg6[%add3A_264, %and3A_356] : memref<512x32xf32, #tpu.memory_space<vmem>>[vector<16xi32>, vector<16xi32>], vector<16xf32>,
        %mul3A_358 = arith.mulf %gather3A_357, %gather3A_357 : vector<16xf32>
        %add3A_359 = arith.addf %add3A_323, %mul3A_358 : vector<16xf32>
        %add3A_360 = arith.constant 10 : i32
        %add3A_361 = vector.broadcast %add3A_360 : i32 to vector<16xi32>
        %add3A_362 = arith.addi %iota3A, %add3A_361 : vector<16xi32>
        %and3A_363 = arith.constant 31 : i32
        %and3A_364 = vector.broadcast %and3A_363 : i32 to vector<16xi32>
        %and3A_365 = arith.andi %add3A_362, %and3A_364 : vector<16xi32>
        %gather3A_366 = tpu.vector_load_idx %arg6[%add3A_264, %and3A_365] : memref<512x32xf32, #tpu.memory_space<vmem>>[vector<16xi32>, vector<16xi32>], vector<16xf32>,
        %mul3A_367 = arith.mulf %gather3A_366, %gather3A_366 : vector<16xf32>
        %add3A_368 = arith.addf %add3A_332, %mul3A_367 : vector<16xf32>
        %add3A_369 = arith.constant 11 : i32
        %add3A_370 = vector.broadcast %add3A_369 : i32 to vector<16xi32>
        %add3A_371 = arith.addi %iota3A, %add3A_370 : vector<16xi32>
        %and3A_372 = arith.constant 31 : i32
        %and3A_373 = vector.broadcast %and3A_372 : i32 to vector<16xi32>
        %and3A_374 = arith.andi %add3A_371, %and3A_373 : vector<16xi32>
        %gather3A_375 = tpu.vector_load_idx %arg6[%add3A_264, %and3A_374] : memref<512x32xf32, #tpu.memory_space<vmem>>[vector<16xi32>, vector<16xi32>], vector<16xf32>,
        %mul3A_376 = arith.mulf %gather3A_375, %gather3A_375 : vector<16xf32>
        %add3A_377 = arith.addf %add3A_341, %mul3A_376 : vector<16xf32>
        %add3A_378 = arith.constant 12 : i32
        %add3A_379 = vector.broadcast %add3A_378 : i32 to vector<16xi32>
        %add3A_380 = arith.addi %iota3A, %add3A_379 : vector<16xi32>
        %and3A_381 = arith.constant 31 : i32
        %and3A_382 = vector.broadcast %and3A_381 : i32 to vector<16xi32>
        %and3A_383 = arith.andi %add3A_380, %and3A_382 : vector<16xi32>
        %gather3A_384 = tpu.vector_load_idx %arg6[%add3A_264, %and3A_383] : memref<512x32xf32, #tpu.memory_space<vmem>>[vector<16xi32>, vector<16xi32>], vector<16xf32>,
        %mul3A_385 = arith.mulf %gather3A_384, %gather3A_384 : vector<16xf32>
        %add3A_386 = arith.addf %add3A_350, %mul3A_385 : vector<16xf32>
        %add3A_387 = arith.constant 13 : i32
        %add3A_388 = vector.broadcast %add3A_387 : i32 to vector<16xi32>
        %add3A_389 = arith.addi %iota3A, %add3A_388 : vector<16xi32>
        %and3A_390 = arith.constant 31 : i32
        %and3A_391 = vector.broadcast %and3A_390 : i32 to vector<16xi32>
        %and3A_392 = arith.andi %add3A_389, %and3A_391 : vector<16xi32>
        %gather3A_393 = tpu.vector_load_idx %arg6[%add3A_264, %and3A_392] : memref<512x32xf32, #tpu.memory_space<vmem>>[vector<16xi32>, vector<16xi32>], vector<16xf32>,
        %mul3A_394 = arith.mulf %gather3A_393, %gather3A_393 : vector<16xf32>
        %add3A_395 = arith.addf %add3A_359, %mul3A_394 : vector<16xf32>
        %add3A_396 = arith.constant 14 : i32
        %add3A_397 = vector.broadcast %add3A_396 : i32 to vector<16xi32>
        %add3A_398 = arith.addi %iota3A, %add3A_397 : vector<16xi32>
        %and3A_399 = arith.constant 31 : i32
        %and3A_400 = vector.broadcast %and3A_399 : i32 to vector<16xi32>
        %and3A_401 = arith.andi %add3A_398, %and3A_400 : vector<16xi32>
        %gather3A_402 = tpu.vector_load_idx %arg6[%add3A_264, %and3A_401] : memref<512x32xf32, #tpu.memory_space<vmem>>[vector<16xi32>, vector<16xi32>], vector<16xf32>,
        %mul3A_403 = arith.mulf %gather3A_402, %gather3A_402 : vector<16xf32>
        %add3A_404 = arith.addf %add3A_368, %mul3A_403 : vector<16xf32>
        %add3A_405 = arith.constant 15 : i32
        %add3A_406 = vector.broadcast %add3A_405 : i32 to vector<16xi32>
        %add3A_407 = arith.addi %iota3A, %add3A_406 : vector<16xi32>
        %and3A_408 = arith.constant 31 : i32
        %and3A_409 = vector.broadcast %and3A_408 : i32 to vector<16xi32>
        %and3A_410 = arith.andi %add3A_407, %and3A_409 : vector<16xi32>
        %gather3A_411 = tpu.vector_load_idx %arg6[%add3A_264, %and3A_410] : memref<512x32xf32, #tpu.memory_space<vmem>>[vector<16xi32>, vector<16xi32>], vector<16xf32>,
        %mul3A_412 = arith.mulf %gather3A_411, %gather3A_411 : vector<16xf32>
        %add3A_413 = arith.addf %add3A_377, %mul3A_412 : vector<16xf32>
        %add3A_414 = arith.constant 16 : i32
        %add3A_415 = vector.broadcast %add3A_414 : i32 to vector<16xi32>
        %add3A_416 = arith.addi %iota3A, %add3A_415 : vector<16xi32>
        %and3A_417 = arith.constant 31 : i32
        %and3A_418 = vector.broadcast %and3A_417 : i32 to vector<16xi32>
        %and3A_419 = arith.andi %add3A_416, %and3A_418 : vector<16xi32>
        %gather3A_420 = tpu.vector_load_idx %arg6[%add3A_264, %and3A_419] : memref<512x32xf32, #tpu.memory_space<vmem>>[vector<16xi32>, vector<16xi32>], vector<16xf32>,
        %mul3A_421 = arith.mulf %gather3A_420, %gather3A_420 : vector<16xf32>
        %add3A_422 = arith.addf %add3A_386, %mul3A_421 : vector<16xf32>
        %add3A_423 = arith.constant 17 : i32
        %add3A_424 = vector.broadcast %add3A_423 : i32 to vector<16xi32>
        %add3A_425 = arith.addi %iota3A, %add3A_424 : vector<16xi32>
        %and3A_426 = arith.constant 31 : i32
        %and3A_427 = vector.broadcast %and3A_426 : i32 to vector<16xi32>
        %and3A_428 = arith.andi %add3A_425, %and3A_427 : vector<16xi32>
        %gather3A_429 = tpu.vector_load_idx %arg6[%add3A_264, %and3A_428] : memref<512x32xf32, #tpu.memory_space<vmem>>[vector<16xi32>, vector<16xi32>], vector<16xf32>,
        %mul3A_430 = arith.mulf %gather3A_429, %gather3A_429 : vector<16xf32>
        %add3A_431 = arith.addf %add3A_395, %mul3A_430 : vector<16xf32>
        %add3A_432 = arith.constant 18 : i32
        %add3A_433 = vector.broadcast %add3A_432 : i32 to vector<16xi32>
        %add3A_434 = arith.addi %iota3A, %add3A_433 : vector<16xi32>
        %and3A_435 = arith.constant 31 : i32
        %and3A_436 = vector.broadcast %and3A_435 : i32 to vector<16xi32>
        %and3A_437 = arith.andi %add3A_434, %and3A_436 : vector<16xi32>
        %gather3A_438 = tpu.vector_load_idx %arg6[%add3A_264, %and3A_437] : memref<512x32xf32, #tpu.memory_space<vmem>>[vector<16xi32>, vector<16xi32>], vector<16xf32>,
        %mul3A_439 = arith.mulf %gather3A_438, %gather3A_438 : vector<16xf32>
        %add3A_440 = arith.addf %add3A_404, %mul3A_439 : vector<16xf32>
        %add3A_441 = arith.constant 19 : i32
        %add3A_442 = vector.broadcast %add3A_441 : i32 to vector<16xi32>
        %add3A_443 = arith.addi %iota3A, %add3A_442 : vector<16xi32>
        %and3A_444 = arith.constant 31 : i32
        %and3A_445 = vector.broadcast %and3A_444 : i32 to vector<16xi32>
        %and3A_446 = arith.andi %add3A_443, %and3A_445 : vector<16xi32>
        %gather3A_447 = tpu.vector_load_idx %arg6[%add3A_264, %and3A_446] : memref<512x32xf32, #tpu.memory_space<vmem>>[vector<16xi32>, vector<16xi32>], vector<16xf32>,
        %mul3A_448 = arith.mulf %gather3A_447, %gather3A_447 : vector<16xf32>
        %add3A_449 = arith.addf %add3A_413, %mul3A_448 : vector<16xf32>
        %add3A_450 = arith.constant 20 : i32
        %add3A_451 = vector.broadcast %add3A_450 : i32 to vector<16xi32>
        %add3A_452 = arith.addi %iota3A, %add3A_451 : vector<16xi32>
        %and3A_453 = arith.constant 31 : i32
        %and3A_454 = vector.broadcast %and3A_453 : i32 to vector<16xi32>
        %and3A_455 = arith.andi %add3A_452, %and3A_454 : vector<16xi32>
        %gather3A_456 = tpu.vector_load_idx %arg6[%add3A_264, %and3A_455] : memref<512x32xf32, #tpu.memory_space<vmem>>[vector<16xi32>, vector<16xi32>], vector<16xf32>,
        %mul3A_457 = arith.mulf %gather3A_456, %gather3A_456 : vector<16xf32>
        %add3A_458 = arith.addf %add3A_422, %mul3A_457 : vector<16xf32>
        %add3A_459 = arith.constant 21 : i32
        %add3A_460 = vector.broadcast %add3A_459 : i32 to vector<16xi32>
        %add3A_461 = arith.addi %iota3A, %add3A_460 : vector<16xi32>
        %and3A_462 = arith.constant 31 : i32
        %and3A_463 = vector.broadcast %and3A_462 : i32 to vector<16xi32>
        %and3A_464 = arith.andi %add3A_461, %and3A_463 : vector<16xi32>
        %gather3A_465 = tpu.vector_load_idx %arg6[%add3A_264, %and3A_464] : memref<512x32xf32, #tpu.memory_space<vmem>>[vector<16xi32>, vector<16xi32>], vector<16xf32>,
        %mul3A_466 = arith.mulf %gather3A_465, %gather3A_465 : vector<16xf32>
        %add3A_467 = arith.addf %add3A_431, %mul3A_466 : vector<16xf32>
        %add3A_468 = arith.constant 22 : i32
        %add3A_469 = vector.broadcast %add3A_468 : i32 to vector<16xi32>
        %add3A_470 = arith.addi %iota3A, %add3A_469 : vector<16xi32>
        %and3A_471 = arith.constant 31 : i32
        %and3A_472 = vector.broadcast %and3A_471 : i32 to vector<16xi32>
        %and3A_473 = arith.andi %add3A_470, %and3A_472 : vector<16xi32>
        %gather3A_474 = tpu.vector_load_idx %arg6[%add3A_264, %and3A_473] : memref<512x32xf32, #tpu.memory_space<vmem>>[vector<16xi32>, vector<16xi32>], vector<16xf32>,
        %mul3A_475 = arith.mulf %gather3A_474, %gather3A_474 : vector<16xf32>
        %add3A_476 = arith.addf %add3A_440, %mul3A_475 : vector<16xf32>
        %add3A_477 = arith.constant 23 : i32
        %add3A_478 = vector.broadcast %add3A_477 : i32 to vector<16xi32>
        %add3A_479 = arith.addi %iota3A, %add3A_478 : vector<16xi32>
        %and3A_480 = arith.constant 31 : i32
        %and3A_481 = vector.broadcast %and3A_480 : i32 to vector<16xi32>
        %and3A_482 = arith.andi %add3A_479, %and3A_481 : vector<16xi32>
        %gather3A_483 = tpu.vector_load_idx %arg6[%add3A_264, %and3A_482] : memref<512x32xf32, #tpu.memory_space<vmem>>[vector<16xi32>, vector<16xi32>], vector<16xf32>,
        %mul3A_484 = arith.mulf %gather3A_483, %gather3A_483 : vector<16xf32>
        %add3A_485 = arith.addf %add3A_449, %mul3A_484 : vector<16xf32>
        %add3A_486 = arith.constant 24 : i32
        %add3A_487 = vector.broadcast %add3A_486 : i32 to vector<16xi32>
        %add3A_488 = arith.addi %iota3A, %add3A_487 : vector<16xi32>
        %and3A_489 = arith.constant 31 : i32
        %and3A_490 = vector.broadcast %and3A_489 : i32 to vector<16xi32>
        %and3A_491 = arith.andi %add3A_488, %and3A_490 : vector<16xi32>
        %gather3A_492 = tpu.vector_load_idx %arg6[%add3A_264, %and3A_491] : memref<512x32xf32, #tpu.memory_space<vmem>>[vector<16xi32>, vector<16xi32>], vector<16xf32>,
        %mul3A_493 = arith.mulf %gather3A_492, %gather3A_492 : vector<16xf32>
        %add3A_494 = arith.addf %add3A_458, %mul3A_493 : vector<16xf32>
        %add3A_495 = arith.constant 25 : i32
        %add3A_496 = vector.broadcast %add3A_495 : i32 to vector<16xi32>
        %add3A_497 = arith.addi %iota3A, %add3A_496 : vector<16xi32>
        %and3A_498 = arith.constant 31 : i32
        %and3A_499 = vector.broadcast %and3A_498 : i32 to vector<16xi32>
        %and3A_500 = arith.andi %add3A_497, %and3A_499 : vector<16xi32>
        %gather3A_501 = tpu.vector_load_idx %arg6[%add3A_264, %and3A_500] : memref<512x32xf32, #tpu.memory_space<vmem>>[vector<16xi32>, vector<16xi32>], vector<16xf32>,
        %mul3A_502 = arith.mulf %gather3A_501, %gather3A_501 : vector<16xf32>
        %add3A_503 = arith.addf %add3A_467, %mul3A_502 : vector<16xf32>
        %add3A_504 = arith.constant 26 : i32
        %add3A_505 = vector.broadcast %add3A_504 : i32 to vector<16xi32>
        %add3A_506 = arith.addi %iota3A, %add3A_505 : vector<16xi32>
        %and3A_507 = arith.constant 31 : i32
        %and3A_508 = vector.broadcast %and3A_507 : i32 to vector<16xi32>
        %and3A_509 = arith.andi %add3A_506, %and3A_508 : vector<16xi32>
        %gather3A_510 = tpu.vector_load_idx %arg6[%add3A_264, %and3A_509] : memref<512x32xf32, #tpu.memory_space<vmem>>[vector<16xi32>, vector<16xi32>], vector<16xf32>,
        %mul3A_511 = arith.mulf %gather3A_510, %gather3A_510 : vector<16xf32>
        %add3A_512 = arith.addf %add3A_476, %mul3A_511 : vector<16xf32>
        %add3A_513 = arith.constant 27 : i32
        %add3A_514 = vector.broadcast %add3A_513 : i32 to vector<16xi32>
        %add3A_515 = arith.addi %iota3A, %add3A_514 : vector<16xi32>
        %and3A_516 = arith.constant 31 : i32
        %and3A_517 = vector.broadcast %and3A_516 : i32 to vector<16xi32>
        %and3A_518 = arith.andi %add3A_515, %and3A_517 : vector<16xi32>
        %gather3A_519 = tpu.vector_load_idx %arg6[%add3A_264, %and3A_518] : memref<512x32xf32, #tpu.memory_space<vmem>>[vector<16xi32>, vector<16xi32>], vector<16xf32>,
        %mul3A_520 = arith.mulf %gather3A_519, %gather3A_519 : vector<16xf32>
        %add3A_521 = arith.addf %add3A_485, %mul3A_520 : vector<16xf32>
        %add3A_522 = arith.constant 28 : i32
        %add3A_523 = vector.broadcast %add3A_522 : i32 to vector<16xi32>
        %add3A_524 = arith.addi %iota3A, %add3A_523 : vector<16xi32>
        %and3A_525 = arith.constant 31 : i32
        %and3A_526 = vector.broadcast %and3A_525 : i32 to vector<16xi32>
        %and3A_527 = arith.andi %add3A_524, %and3A_526 : vector<16xi32>
        %gather3A_528 = tpu.vector_load_idx %arg6[%add3A_264, %and3A_527] : memref<512x32xf32, #tpu.memory_space<vmem>>[vector<16xi32>, vector<16xi32>], vector<16xf32>,
        %mul3A_529 = arith.mulf %gather3A_528, %gather3A_528 : vector<16xf32>
        %add3A_530 = arith.addf %add3A_494, %mul3A_529 : vector<16xf32>
        %add3A_531 = arith.constant 29 : i32
        %add3A_532 = vector.broadcast %add3A_531 : i32 to vector<16xi32>
        %add3A_533 = arith.addi %iota3A, %add3A_532 : vector<16xi32>
        %and3A_534 = arith.constant 31 : i32
        %and3A_535 = vector.broadcast %and3A_534 : i32 to vector<16xi32>
        %and3A_536 = arith.andi %add3A_533, %and3A_535 : vector<16xi32>
        %gather3A_537 = tpu.vector_load_idx %arg6[%add3A_264, %and3A_536] : memref<512x32xf32, #tpu.memory_space<vmem>>[vector<16xi32>, vector<16xi32>], vector<16xf32>,
        %mul3A_538 = arith.mulf %gather3A_537, %gather3A_537 : vector<16xf32>
        %add3A_539 = arith.addf %add3A_503, %mul3A_538 : vector<16xf32>
        %add3A_540 = arith.constant 30 : i32
        %add3A_541 = vector.broadcast %add3A_540 : i32 to vector<16xi32>
        %add3A_542 = arith.addi %iota3A, %add3A_541 : vector<16xi32>
        %and3A_543 = arith.constant 31 : i32
        %and3A_544 = vector.broadcast %and3A_543 : i32 to vector<16xi32>
        %and3A_545 = arith.andi %add3A_542, %and3A_544 : vector<16xi32>
        %gather3A_546 = tpu.vector_load_idx %arg6[%add3A_264, %and3A_545] : memref<512x32xf32, #tpu.memory_space<vmem>>[vector<16xi32>, vector<16xi32>], vector<16xf32>,
        %mul3A_547 = arith.mulf %gather3A_546, %gather3A_546 : vector<16xf32>
        %add3A_548 = arith.addf %add3A_512, %mul3A_547 : vector<16xf32>
        %add3A_549 = arith.constant 31 : i32
        %add3A_550 = vector.broadcast %add3A_549 : i32 to vector<16xi32>
        %add3A_551 = arith.addi %iota3A, %add3A_550 : vector<16xi32>
        %and3A_552 = arith.constant 31 : i32
        %and3A_553 = vector.broadcast %and3A_552 : i32 to vector<16xi32>
        %and3A_554 = arith.andi %add3A_551, %and3A_553 : vector<16xi32>
        %gather3A_555 = tpu.vector_load_idx %arg6[%add3A_264, %and3A_554] : memref<512x32xf32, #tpu.memory_space<vmem>>[vector<16xi32>, vector<16xi32>], vector<16xf32>,
        %mul3A_556 = arith.mulf %gather3A_555, %gather3A_555 : vector<16xf32>
        %add3A_557 = arith.addf %add3A_521, %mul3A_556 : vector<16xf32>
        %add3A_558 = arith.addf %add3A_530, %add3A_539 : vector<16xf32>
        %add3A_559 = arith.addf %add3A_548, %add3A_557 : vector<16xf32>
        %add3A_560 = arith.addf %add3A_558, %add3A_559 : vector<16xf32>
        %bitcast3A = vector.bitcast %add3A_560 : vector<16xf32> to vector<16xi32>
        %shift_right_arithmetic3A = arith.constant 1 : i32
        %shift_right_arithmetic3A_561 = vector.broadcast %shift_right_arithmetic3A : i32 to vector<16xi32>
        %shift_right_arithmetic3A_562 = arith.shrsi %bitcast3A, %shift_right_arithmetic3A_561 : vector<16xi32>
        %sub3A = arith.constant 1597463007 : i32
        %sub3A_563 = vector.broadcast %sub3A : i32 to vector<16xi32>
        %sub3A_564 = arith.subi %sub3A_563, %shift_right_arithmetic3A_562 : vector<16xi32>
        %bitcast3A_565 = vector.bitcast %sub3A_564 : vector<16xi32> to vector<16xf32>
        %mul3A_566 = arith.constant 5.000000e-01 : f32
        %mul3A_567 = vector.broadcast %mul3A_566 : f32 to vector<16xf32>
        %mul3A_568 = arith.mulf %mul3A_567, %add3A_560 : vector<16xf32>
        %mul3A_569 = arith.mulf %mul3A_568, %bitcast3A_565 : vector<16xf32>
        %mul3A_570 = arith.mulf %mul3A_569, %bitcast3A_565 : vector<16xf32>
        %sub3A_571 = arith.constant 1.500000e+00 : f32
        %sub3A_572 = vector.broadcast %sub3A_571 : f32 to vector<16xf32>
        %sub3A_573 = arith.subf %sub3A_572, %mul3A_570 : vector<16xf32>
        %mul3A_574 = arith.mulf %bitcast3A_565, %sub3A_573 : vector<16xf32>
        %mul3A_575 = arith.constant 5.000000e-01 : f32
        %mul3A_576 = vector.broadcast %mul3A_575 : f32 to vector<16xf32>
        %mul3A_577 = arith.mulf %mul3A_576, %add3A_560 : vector<16xf32>
        %mul3A_578 = arith.mulf %mul3A_577, %mul3A_574 : vector<16xf32>
        %mul3A_579 = arith.mulf %mul3A_578, %mul3A_574 : vector<16xf32>
        %sub3A_580 = arith.constant 1.500000e+00 : f32
        %sub3A_581 = vector.broadcast %sub3A_580 : f32 to vector<16xf32>
        %sub3A_582 = arith.subf %sub3A_581, %mul3A_579 : vector<16xf32>
        %mul3A_583 = arith.mulf %mul3A_574, %sub3A_582 : vector<16xf32>
        %gt3A = arith.constant 1.000000e+00 : f32
        %gt3A_584 = vector.broadcast %gt3A : f32 to vector<16xf32>
        %gt3A_585 = arith.cmpf ogt, %add3A_560, %gt3A_584 : vector<16xf32>
        %jit3A = arith.constant 1.000000e+00 : f32
        %broadcast_in_dim3A_586 = vector.broadcast %jit3A : f32 to vector<16xf32>
        %select_n3A = arith.select %gt3A_585, %mul3A_583, %broadcast_in_dim3A_586 : vector<16xi1>, vector<16xf32>
        %add3A_587 = arith.constant 0 : i32
        %add3A_588 = vector.broadcast %add3A_587 : i32 to vector<16xi32>
        %add3A_589 = arith.addi %iota3A, %add3A_588 : vector<16xi32>
        %and3A_590 = arith.constant 31 : i32
        %and3A_591 = vector.broadcast %and3A_590 : i32 to vector<16xi32>
        %and3A_592 = arith.andi %add3A_589, %and3A_591 : vector<16xi32>
        %mul3A_593 = arith.mulf %gather3A, %select_n3A : vector<16xf32>
        tpu.vector_store_idx %arg8[%add3A_264, %and3A_592], %mul3A_593 : memref<512x32xf32, #tpu.memory_space<vmem>>[vector<16xi32>, vector<16xi32>], vector<16xf32>,
        %add3A_594 = arith.constant 1 : i32
        %add3A_595 = vector.broadcast %add3A_594 : i32 to vector<16xi32>
        %add3A_596 = arith.addi %iota3A, %add3A_595 : vector<16xi32>
        %and3A_597 = arith.constant 31 : i32
        %and3A_598 = vector.broadcast %and3A_597 : i32 to vector<16xi32>
        %and3A_599 = arith.andi %add3A_596, %and3A_598 : vector<16xi32>
        %mul3A_600 = arith.mulf %gather3A_285, %select_n3A : vector<16xf32>
        tpu.vector_store_idx %arg8[%add3A_264, %and3A_599], %mul3A_600 : memref<512x32xf32, #tpu.memory_space<vmem>>[vector<16xi32>, vector<16xi32>], vector<16xf32>,
        %add3A_601 = arith.constant 2 : i32
        %add3A_602 = vector.broadcast %add3A_601 : i32 to vector<16xi32>
        %add3A_603 = arith.addi %iota3A, %add3A_602 : vector<16xi32>
        %and3A_604 = arith.constant 31 : i32
        %and3A_605 = vector.broadcast %and3A_604 : i32 to vector<16xi32>
        %and3A_606 = arith.andi %add3A_603, %and3A_605 : vector<16xi32>
        %mul3A_607 = arith.mulf %gather3A_294, %select_n3A : vector<16xf32>
        tpu.vector_store_idx %arg8[%add3A_264, %and3A_606], %mul3A_607 : memref<512x32xf32, #tpu.memory_space<vmem>>[vector<16xi32>, vector<16xi32>], vector<16xf32>,
        %add3A_608 = arith.constant 3 : i32
        %add3A_609 = vector.broadcast %add3A_608 : i32 to vector<16xi32>
        %add3A_610 = arith.addi %iota3A, %add3A_609 : vector<16xi32>
        %and3A_611 = arith.constant 31 : i32
        %and3A_612 = vector.broadcast %and3A_611 : i32 to vector<16xi32>
        %and3A_613 = arith.andi %add3A_610, %and3A_612 : vector<16xi32>
        %mul3A_614 = arith.mulf %gather3A_303, %select_n3A : vector<16xf32>
        tpu.vector_store_idx %arg8[%add3A_264, %and3A_613], %mul3A_614 : memref<512x32xf32, #tpu.memory_space<vmem>>[vector<16xi32>, vector<16xi32>], vector<16xf32>,
        %add3A_615 = arith.constant 4 : i32
        %add3A_616 = vector.broadcast %add3A_615 : i32 to vector<16xi32>
        %add3A_617 = arith.addi %iota3A, %add3A_616 : vector<16xi32>
        %and3A_618 = arith.constant 31 : i32
        %and3A_619 = vector.broadcast %and3A_618 : i32 to vector<16xi32>
        %and3A_620 = arith.andi %add3A_617, %and3A_619 : vector<16xi32>
        %mul3A_621 = arith.mulf %gather3A_312, %select_n3A : vector<16xf32>
        tpu.vector_store_idx %arg8[%add3A_264, %and3A_620], %mul3A_621 : memref<512x32xf32, #tpu.memory_space<vmem>>[vector<16xi32>, vector<16xi32>], vector<16xf32>,
        %add3A_622 = arith.constant 5 : i32
        %add3A_623 = vector.broadcast %add3A_622 : i32 to vector<16xi32>
        %add3A_624 = arith.addi %iota3A, %add3A_623 : vector<16xi32>
        %and3A_625 = arith.constant 31 : i32
        %and3A_626 = vector.broadcast %and3A_625 : i32 to vector<16xi32>
        %and3A_627 = arith.andi %add3A_624, %and3A_626 : vector<16xi32>
        %mul3A_628 = arith.mulf %gather3A_321, %select_n3A : vector<16xf32>
        tpu.vector_store_idx %arg8[%add3A_264, %and3A_627], %mul3A_628 : memref<512x32xf32, #tpu.memory_space<vmem>>[vector<16xi32>, vector<16xi32>], vector<16xf32>,
        %add3A_629 = arith.constant 6 : i32
        %add3A_630 = vector.broadcast %add3A_629 : i32 to vector<16xi32>
        %add3A_631 = arith.addi %iota3A, %add3A_630 : vector<16xi32>
        %and3A_632 = arith.constant 31 : i32
        %and3A_633 = vector.broadcast %and3A_632 : i32 to vector<16xi32>
        %and3A_634 = arith.andi %add3A_631, %and3A_633 : vector<16xi32>
        %mul3A_635 = arith.mulf %gather3A_330, %select_n3A : vector<16xf32>
        tpu.vector_store_idx %arg8[%add3A_264, %and3A_634], %mul3A_635 : memref<512x32xf32, #tpu.memory_space<vmem>>[vector<16xi32>, vector<16xi32>], vector<16xf32>,
        %add3A_636 = arith.constant 7 : i32
        %add3A_637 = vector.broadcast %add3A_636 : i32 to vector<16xi32>
        %add3A_638 = arith.addi %iota3A, %add3A_637 : vector<16xi32>
        %and3A_639 = arith.constant 31 : i32
        %and3A_640 = vector.broadcast %and3A_639 : i32 to vector<16xi32>
        %and3A_641 = arith.andi %add3A_638, %and3A_640 : vector<16xi32>
        %mul3A_642 = arith.mulf %gather3A_339, %select_n3A : vector<16xf32>
        tpu.vector_store_idx %arg8[%add3A_264, %and3A_641], %mul3A_642 : memref<512x32xf32, #tpu.memory_space<vmem>>[vector<16xi32>, vector<16xi32>], vector<16xf32>,
        %add3A_643 = arith.constant 8 : i32
        %add3A_644 = vector.broadcast %add3A_643 : i32 to vector<16xi32>
        %add3A_645 = arith.addi %iota3A, %add3A_644 : vector<16xi32>
        %and3A_646 = arith.constant 31 : i32
        %and3A_647 = vector.broadcast %and3A_646 : i32 to vector<16xi32>
        %and3A_648 = arith.andi %add3A_645, %and3A_647 : vector<16xi32>
        %mul3A_649 = arith.mulf %gather3A_348, %select_n3A : vector<16xf32>
        tpu.vector_store_idx %arg8[%add3A_264, %and3A_648], %mul3A_649 : memref<512x32xf32, #tpu.memory_space<vmem>>[vector<16xi32>, vector<16xi32>], vector<16xf32>,
        %add3A_650 = arith.constant 9 : i32
        %add3A_651 = vector.broadcast %add3A_650 : i32 to vector<16xi32>
        %add3A_652 = arith.addi %iota3A, %add3A_651 : vector<16xi32>
        %and3A_653 = arith.constant 31 : i32
        %and3A_654 = vector.broadcast %and3A_653 : i32 to vector<16xi32>
        %and3A_655 = arith.andi %add3A_652, %and3A_654 : vector<16xi32>
        %mul3A_656 = arith.mulf %gather3A_357, %select_n3A : vector<16xf32>
        tpu.vector_store_idx %arg8[%add3A_264, %and3A_655], %mul3A_656 : memref<512x32xf32, #tpu.memory_space<vmem>>[vector<16xi32>, vector<16xi32>], vector<16xf32>,
        %add3A_657 = arith.constant 10 : i32
        %add3A_658 = vector.broadcast %add3A_657 : i32 to vector<16xi32>
        %add3A_659 = arith.addi %iota3A, %add3A_658 : vector<16xi32>
        %and3A_660 = arith.constant 31 : i32
        %and3A_661 = vector.broadcast %and3A_660 : i32 to vector<16xi32>
        %and3A_662 = arith.andi %add3A_659, %and3A_661 : vector<16xi32>
        %mul3A_663 = arith.mulf %gather3A_366, %select_n3A : vector<16xf32>
        tpu.vector_store_idx %arg8[%add3A_264, %and3A_662], %mul3A_663 : memref<512x32xf32, #tpu.memory_space<vmem>>[vector<16xi32>, vector<16xi32>], vector<16xf32>,
        %add3A_664 = arith.constant 11 : i32
        %add3A_665 = vector.broadcast %add3A_664 : i32 to vector<16xi32>
        %add3A_666 = arith.addi %iota3A, %add3A_665 : vector<16xi32>
        %and3A_667 = arith.constant 31 : i32
        %and3A_668 = vector.broadcast %and3A_667 : i32 to vector<16xi32>
        %and3A_669 = arith.andi %add3A_666, %and3A_668 : vector<16xi32>
        %mul3A_670 = arith.mulf %gather3A_375, %select_n3A : vector<16xf32>
        tpu.vector_store_idx %arg8[%add3A_264, %and3A_669], %mul3A_670 : memref<512x32xf32, #tpu.memory_space<vmem>>[vector<16xi32>, vector<16xi32>], vector<16xf32>,
        %add3A_671 = arith.constant 12 : i32
        %add3A_672 = vector.broadcast %add3A_671 : i32 to vector<16xi32>
        %add3A_673 = arith.addi %iota3A, %add3A_672 : vector<16xi32>
        %and3A_674 = arith.constant 31 : i32
        %and3A_675 = vector.broadcast %and3A_674 : i32 to vector<16xi32>
        %and3A_676 = arith.andi %add3A_673, %and3A_675 : vector<16xi32>
        %mul3A_677 = arith.mulf %gather3A_384, %select_n3A : vector<16xf32>
        tpu.vector_store_idx %arg8[%add3A_264, %and3A_676], %mul3A_677 : memref<512x32xf32, #tpu.memory_space<vmem>>[vector<16xi32>, vector<16xi32>], vector<16xf32>,
        %add3A_678 = arith.constant 13 : i32
        %add3A_679 = vector.broadcast %add3A_678 : i32 to vector<16xi32>
        %add3A_680 = arith.addi %iota3A, %add3A_679 : vector<16xi32>
        %and3A_681 = arith.constant 31 : i32
        %and3A_682 = vector.broadcast %and3A_681 : i32 to vector<16xi32>
        %and3A_683 = arith.andi %add3A_680, %and3A_682 : vector<16xi32>
        %mul3A_684 = arith.mulf %gather3A_393, %select_n3A : vector<16xf32>
        tpu.vector_store_idx %arg8[%add3A_264, %and3A_683], %mul3A_684 : memref<512x32xf32, #tpu.memory_space<vmem>>[vector<16xi32>, vector<16xi32>], vector<16xf32>,
        %add3A_685 = arith.constant 14 : i32
        %add3A_686 = vector.broadcast %add3A_685 : i32 to vector<16xi32>
        %add3A_687 = arith.addi %iota3A, %add3A_686 : vector<16xi32>
        %and3A_688 = arith.constant 31 : i32
        %and3A_689 = vector.broadcast %and3A_688 : i32 to vector<16xi32>
        %and3A_690 = arith.andi %add3A_687, %and3A_689 : vector<16xi32>
        %mul3A_691 = arith.mulf %gather3A_402, %select_n3A : vector<16xf32>
        tpu.vector_store_idx %arg8[%add3A_264, %and3A_690], %mul3A_691 : memref<512x32xf32, #tpu.memory_space<vmem>>[vector<16xi32>, vector<16xi32>], vector<16xf32>,
        %add3A_692 = arith.constant 15 : i32
        %add3A_693 = vector.broadcast %add3A_692 : i32 to vector<16xi32>
        %add3A_694 = arith.addi %iota3A, %add3A_693 : vector<16xi32>
        %and3A_695 = arith.constant 31 : i32
        %and3A_696 = vector.broadcast %and3A_695 : i32 to vector<16xi32>
        %and3A_697 = arith.andi %add3A_694, %and3A_696 : vector<16xi32>
        %mul3A_698 = arith.mulf %gather3A_411, %select_n3A : vector<16xf32>
        tpu.vector_store_idx %arg8[%add3A_264, %and3A_697], %mul3A_698 : memref<512x32xf32, #tpu.memory_space<vmem>>[vector<16xi32>, vector<16xi32>], vector<16xf32>,
        %add3A_699 = arith.constant 16 : i32
        %add3A_700 = vector.broadcast %add3A_699 : i32 to vector<16xi32>
        %add3A_701 = arith.addi %iota3A, %add3A_700 : vector<16xi32>
        %and3A_702 = arith.constant 31 : i32
        %and3A_703 = vector.broadcast %and3A_702 : i32 to vector<16xi32>
        %and3A_704 = arith.andi %add3A_701, %and3A_703 : vector<16xi32>
        %mul3A_705 = arith.mulf %gather3A_420, %select_n3A : vector<16xf32>
        tpu.vector_store_idx %arg8[%add3A_264, %and3A_704], %mul3A_705 : memref<512x32xf32, #tpu.memory_space<vmem>>[vector<16xi32>, vector<16xi32>], vector<16xf32>,
        %add3A_706 = arith.constant 17 : i32
        %add3A_707 = vector.broadcast %add3A_706 : i32 to vector<16xi32>
        %add3A_708 = arith.addi %iota3A, %add3A_707 : vector<16xi32>
        %and3A_709 = arith.constant 31 : i32
        %and3A_710 = vector.broadcast %and3A_709 : i32 to vector<16xi32>
        %and3A_711 = arith.andi %add3A_708, %and3A_710 : vector<16xi32>
        %mul3A_712 = arith.mulf %gather3A_429, %select_n3A : vector<16xf32>
        tpu.vector_store_idx %arg8[%add3A_264, %and3A_711], %mul3A_712 : memref<512x32xf32, #tpu.memory_space<vmem>>[vector<16xi32>, vector<16xi32>], vector<16xf32>,
        %add3A_713 = arith.constant 18 : i32
        %add3A_714 = vector.broadcast %add3A_713 : i32 to vector<16xi32>
        %add3A_715 = arith.addi %iota3A, %add3A_714 : vector<16xi32>
        %and3A_716 = arith.constant 31 : i32
        %and3A_717 = vector.broadcast %and3A_716 : i32 to vector<16xi32>
        %and3A_718 = arith.andi %add3A_715, %and3A_717 : vector<16xi32>
        %mul3A_719 = arith.mulf %gather3A_438, %select_n3A : vector<16xf32>
        tpu.vector_store_idx %arg8[%add3A_264, %and3A_718], %mul3A_719 : memref<512x32xf32, #tpu.memory_space<vmem>>[vector<16xi32>, vector<16xi32>], vector<16xf32>,
        %add3A_720 = arith.constant 19 : i32
        %add3A_721 = vector.broadcast %add3A_720 : i32 to vector<16xi32>
        %add3A_722 = arith.addi %iota3A, %add3A_721 : vector<16xi32>
        %and3A_723 = arith.constant 31 : i32
        %and3A_724 = vector.broadcast %and3A_723 : i32 to vector<16xi32>
        %and3A_725 = arith.andi %add3A_722, %and3A_724 : vector<16xi32>
        %mul3A_726 = arith.mulf %gather3A_447, %select_n3A : vector<16xf32>
        tpu.vector_store_idx %arg8[%add3A_264, %and3A_725], %mul3A_726 : memref<512x32xf32, #tpu.memory_space<vmem>>[vector<16xi32>, vector<16xi32>], vector<16xf32>,
        %add3A_727 = arith.constant 20 : i32
        %add3A_728 = vector.broadcast %add3A_727 : i32 to vector<16xi32>
        %add3A_729 = arith.addi %iota3A, %add3A_728 : vector<16xi32>
        %and3A_730 = arith.constant 31 : i32
        %and3A_731 = vector.broadcast %and3A_730 : i32 to vector<16xi32>
        %and3A_732 = arith.andi %add3A_729, %and3A_731 : vector<16xi32>
        %mul3A_733 = arith.mulf %gather3A_456, %select_n3A : vector<16xf32>
        tpu.vector_store_idx %arg8[%add3A_264, %and3A_732], %mul3A_733 : memref<512x32xf32, #tpu.memory_space<vmem>>[vector<16xi32>, vector<16xi32>], vector<16xf32>,
        %add3A_734 = arith.constant 21 : i32
        %add3A_735 = vector.broadcast %add3A_734 : i32 to vector<16xi32>
        %add3A_736 = arith.addi %iota3A, %add3A_735 : vector<16xi32>
        %and3A_737 = arith.constant 31 : i32
        %and3A_738 = vector.broadcast %and3A_737 : i32 to vector<16xi32>
        %and3A_739 = arith.andi %add3A_736, %and3A_738 : vector<16xi32>
        %mul3A_740 = arith.mulf %gather3A_465, %select_n3A : vector<16xf32>
        tpu.vector_store_idx %arg8[%add3A_264, %and3A_739], %mul3A_740 : memref<512x32xf32, #tpu.memory_space<vmem>>[vector<16xi32>, vector<16xi32>], vector<16xf32>,
        %add3A_741 = arith.constant 22 : i32
        %add3A_742 = vector.broadcast %add3A_741 : i32 to vector<16xi32>
        %add3A_743 = arith.addi %iota3A, %add3A_742 : vector<16xi32>
        %and3A_744 = arith.constant 31 : i32
        %and3A_745 = vector.broadcast %and3A_744 : i32 to vector<16xi32>
        %and3A_746 = arith.andi %add3A_743, %and3A_745 : vector<16xi32>
        %mul3A_747 = arith.mulf %gather3A_474, %select_n3A : vector<16xf32>
        tpu.vector_store_idx %arg8[%add3A_264, %and3A_746], %mul3A_747 : memref<512x32xf32, #tpu.memory_space<vmem>>[vector<16xi32>, vector<16xi32>], vector<16xf32>,
        %add3A_748 = arith.constant 23 : i32
        %add3A_749 = vector.broadcast %add3A_748 : i32 to vector<16xi32>
        %add3A_750 = arith.addi %iota3A, %add3A_749 : vector<16xi32>
        %and3A_751 = arith.constant 31 : i32
        %and3A_752 = vector.broadcast %and3A_751 : i32 to vector<16xi32>
        %and3A_753 = arith.andi %add3A_750, %and3A_752 : vector<16xi32>
        %mul3A_754 = arith.mulf %gather3A_483, %select_n3A : vector<16xf32>
        tpu.vector_store_idx %arg8[%add3A_264, %and3A_753], %mul3A_754 : memref<512x32xf32, #tpu.memory_space<vmem>>[vector<16xi32>, vector<16xi32>], vector<16xf32>,
        %add3A_755 = arith.constant 24 : i32
        %add3A_756 = vector.broadcast %add3A_755 : i32 to vector<16xi32>
        %add3A_757 = arith.addi %iota3A, %add3A_756 : vector<16xi32>
        %and3A_758 = arith.constant 31 : i32
        %and3A_759 = vector.broadcast %and3A_758 : i32 to vector<16xi32>
        %and3A_760 = arith.andi %add3A_757, %and3A_759 : vector<16xi32>
        %mul3A_761 = arith.mulf %gather3A_492, %select_n3A : vector<16xf32>
        tpu.vector_store_idx %arg8[%add3A_264, %and3A_760], %mul3A_761 : memref<512x32xf32, #tpu.memory_space<vmem>>[vector<16xi32>, vector<16xi32>], vector<16xf32>,
        %add3A_762 = arith.constant 25 : i32
        %add3A_763 = vector.broadcast %add3A_762 : i32 to vector<16xi32>
        %add3A_764 = arith.addi %iota3A, %add3A_763 : vector<16xi32>
        %and3A_765 = arith.constant 31 : i32
        %and3A_766 = vector.broadcast %and3A_765 : i32 to vector<16xi32>
        %and3A_767 = arith.andi %add3A_764, %and3A_766 : vector<16xi32>
        %mul3A_768 = arith.mulf %gather3A_501, %select_n3A : vector<16xf32>
        tpu.vector_store_idx %arg8[%add3A_264, %and3A_767], %mul3A_768 : memref<512x32xf32, #tpu.memory_space<vmem>>[vector<16xi32>, vector<16xi32>], vector<16xf32>,
        %add3A_769 = arith.constant 26 : i32
        %add3A_770 = vector.broadcast %add3A_769 : i32 to vector<16xi32>
        %add3A_771 = arith.addi %iota3A, %add3A_770 : vector<16xi32>
        %and3A_772 = arith.constant 31 : i32
        %and3A_773 = vector.broadcast %and3A_772 : i32 to vector<16xi32>
        %and3A_774 = arith.andi %add3A_771, %and3A_773 : vector<16xi32>
        %mul3A_775 = arith.mulf %gather3A_510, %select_n3A : vector<16xf32>
        tpu.vector_store_idx %arg8[%add3A_264, %and3A_774], %mul3A_775 : memref<512x32xf32, #tpu.memory_space<vmem>>[vector<16xi32>, vector<16xi32>], vector<16xf32>,
        %add3A_776 = arith.constant 27 : i32
        %add3A_777 = vector.broadcast %add3A_776 : i32 to vector<16xi32>
        %add3A_778 = arith.addi %iota3A, %add3A_777 : vector<16xi32>
        %and3A_779 = arith.constant 31 : i32
        %and3A_780 = vector.broadcast %and3A_779 : i32 to vector<16xi32>
        %and3A_781 = arith.andi %add3A_778, %and3A_780 : vector<16xi32>
        %mul3A_782 = arith.mulf %gather3A_519, %select_n3A : vector<16xf32>
        tpu.vector_store_idx %arg8[%add3A_264, %and3A_781], %mul3A_782 : memref<512x32xf32, #tpu.memory_space<vmem>>[vector<16xi32>, vector<16xi32>], vector<16xf32>,
        %add3A_783 = arith.constant 28 : i32
        %add3A_784 = vector.broadcast %add3A_783 : i32 to vector<16xi32>
        %add3A_785 = arith.addi %iota3A, %add3A_784 : vector<16xi32>
        %and3A_786 = arith.constant 31 : i32
        %and3A_787 = vector.broadcast %and3A_786 : i32 to vector<16xi32>
        %and3A_788 = arith.andi %add3A_785, %and3A_787 : vector<16xi32>
        %mul3A_789 = arith.mulf %gather3A_528, %select_n3A : vector<16xf32>
        tpu.vector_store_idx %arg8[%add3A_264, %and3A_788], %mul3A_789 : memref<512x32xf32, #tpu.memory_space<vmem>>[vector<16xi32>, vector<16xi32>], vector<16xf32>,
        %add3A_790 = arith.constant 29 : i32
        %add3A_791 = vector.broadcast %add3A_790 : i32 to vector<16xi32>
        %add3A_792 = arith.addi %iota3A, %add3A_791 : vector<16xi32>
        %and3A_793 = arith.constant 31 : i32
        %and3A_794 = vector.broadcast %and3A_793 : i32 to vector<16xi32>
        %and3A_795 = arith.andi %add3A_792, %and3A_794 : vector<16xi32>
        %mul3A_796 = arith.mulf %gather3A_537, %select_n3A : vector<16xf32>
        tpu.vector_store_idx %arg8[%add3A_264, %and3A_795], %mul3A_796 : memref<512x32xf32, #tpu.memory_space<vmem>>[vector<16xi32>, vector<16xi32>], vector<16xf32>,
        %add3A_797 = arith.constant 30 : i32
        %add3A_798 = vector.broadcast %add3A_797 : i32 to vector<16xi32>
        %add3A_799 = arith.addi %iota3A, %add3A_798 : vector<16xi32>
        %and3A_800 = arith.constant 31 : i32
        %and3A_801 = vector.broadcast %and3A_800 : i32 to vector<16xi32>
        %and3A_802 = arith.andi %add3A_799, %and3A_801 : vector<16xi32>
        %mul3A_803 = arith.mulf %gather3A_546, %select_n3A : vector<16xf32>
        tpu.vector_store_idx %arg8[%add3A_264, %and3A_802], %mul3A_803 : memref<512x32xf32, #tpu.memory_space<vmem>>[vector<16xi32>, vector<16xi32>], vector<16xf32>,
        %add3A_804 = arith.constant 31 : i32
        %add3A_805 = vector.broadcast %add3A_804 : i32 to vector<16xi32>
        %add3A_806 = arith.addi %iota3A, %add3A_805 : vector<16xi32>
        %and3A_807 = arith.constant 31 : i32
        %and3A_808 = vector.broadcast %and3A_807 : i32 to vector<16xi32>
        %and3A_809 = arith.andi %add3A_806, %and3A_808 : vector<16xi32>
        %mul3A_810 = arith.mulf %gather3A_555, %select_n3A : vector<16xf32>
        tpu.vector_store_idx %arg8[%add3A_264, %and3A_809], %mul3A_810 : memref<512x32xf32, #tpu.memory_space<vmem>>[vector<16xi32>, vector<16xi32>], vector<16xf32>,
      }
      %scan3A_166 = arith.constant 32 : i32
      %mul3A_167 = arith.constant 512 : i32
      %mul3A_168 = arith.muli %add3A_107, %mul3A_167 : i32
      %add3A_169 = arith.addi %mul3A_2, %mul3A_168 : i32
      %dma_start3A_170 = arith.constant 0 : i32
      %dma_start3A_171 = tpu.memref_slice %arg4[%add3A_169, %dma_start3A_170] : memref<425984x32xf32, #tpu.memory_space<hbm>> -> memref<512x32xf32, #tpu.memory_space<hbm>>
      %dma_start3A_172 = arith.constant 0 : i32
      %dma_start3A_173 = tpu.memref_slice %arg4[%add3A_169, %dma_start3A_172] : memref<425984x32xf32, #tpu.memory_space<hbm>> -> memref<512x32xf32, #tpu.memory_space<hbm>>
      tpu.enqueue_dma source(%arg8 : memref<512x32xf32, #tpu.memory_space<vmem>>) target(%dma_start3A_173 : memref<512x32xf32, #tpu.memory_space<hbm>>) target_semaphore(%arg12 : memref<!tpu.dma_semaphore, #tpu.memory_space<semaphore_mem>>)
      %lt3A = arith.constant 12 : i32
      %lt3A_174 = arith.cmpi slt, %add3A_103, %lt3A : i32
      %convert_element_type3A_175 = arith.extui %lt3A_174 : i1 to i32
      %cond3A_176 = arith.constant 0 : i32
      %cond3A_177 = arith.cmpi ne, %convert_element_type3A_175, %cond3A_176 : i32
      scf.if %cond3A_177 {
        %add3A_256 = arith.constant 2 : i32
        %add3A_257 = arith.addi %add3A_107, %add3A_256 : i32
        %mul3A_258 = arith.constant 4 : i32
        %mul3A_259 = arith.muli %add3A_257, %mul3A_258 : i32
        %add3A_260 = arith.constant 0 : i32
        %add3A_261 = arith.addi %mul3A_259, %add3A_260 : i32
        %dma_start3A_262 = arith.constant 0 : i32
        %dma_start3A_263 = arith.constant 0 : i32
        %dma_start3A_264 = tpu.memref_slice %arg6[%dma_start3A_262, %dma_start3A_263] : memref<512x32xf32, #tpu.memory_space<vmem>> -> memref<128x32xf32, #tpu.memory_space<vmem>>
        %dma_start3A_265 = arith.constant 0 : i32
        %dma_start3A_266 = tpu.memref_slice %arg5[%add3A_261, %dma_start3A_265] : memref<104x128xi32, #tpu.memory_space<vmem>> -> memref<1x128xi32, #tpu.memory_space<vmem>>
        %dma_start3A_267 = tpu.memref_squeeze %dma_start3A_266 : memref<1x128xi32, #tpu.memory_space<vmem>> -> memref<128xi32, #tpu.memory_space<vmem>>
        %dma_start3A_268 = arith.constant 0 : i32
        %dma_start3A_269 = arith.constant 0 : i32
        %dma_start3A_270 = tpu.memref_slice %arg3[%dma_start3A_268, %dma_start3A_269] : memref<1000000x32xf32, #tpu.memory_space<hbm>> -> memref<1000000x32xf32, #tpu.memory_space<hbm>>
        tpu.enqueue_indirect_dma source(%dma_start3A_270 : memref<1000000x32xf32, #tpu.memory_space<hbm>>) target(%dma_start3A_264 : memref<128x32xf32, #tpu.memory_space<vmem>>) offsets(%dma_start3A_267 : memref<128xi32, #tpu.memory_space<vmem>>) semaphore(%arg10 : memref<!tpu.dma_semaphore, #tpu.memory_space<semaphore_mem>>)
        %mul3A_271 = arith.constant 4 : i32
        %mul3A_272 = arith.muli %add3A_257, %mul3A_271 : i32
        %add3A_273 = arith.constant 1 : i32
        %add3A_274 = arith.addi %mul3A_272, %add3A_273 : i32
        %dma_start3A_275 = arith.constant 128 : i32
        %dma_start3A_276 = arith.constant 0 : i32
        %dma_start3A_277 = tpu.memref_slice %arg6[%dma_start3A_275, %dma_start3A_276] : memref<512x32xf32, #tpu.memory_space<vmem>> -> memref<128x32xf32, #tpu.memory_space<vmem>>
        %dma_start3A_278 = arith.constant 0 : i32
        %dma_start3A_279 = tpu.memref_slice %arg5[%add3A_274, %dma_start3A_278] : memref<104x128xi32, #tpu.memory_space<vmem>> -> memref<1x128xi32, #tpu.memory_space<vmem>>
        %dma_start3A_280 = tpu.memref_squeeze %dma_start3A_279 : memref<1x128xi32, #tpu.memory_space<vmem>> -> memref<128xi32, #tpu.memory_space<vmem>>
        %dma_start3A_281 = arith.constant 0 : i32
        %dma_start3A_282 = arith.constant 0 : i32
        %dma_start3A_283 = tpu.memref_slice %arg3[%dma_start3A_281, %dma_start3A_282] : memref<1000000x32xf32, #tpu.memory_space<hbm>> -> memref<1000000x32xf32, #tpu.memory_space<hbm>>
        tpu.enqueue_indirect_dma source(%dma_start3A_283 : memref<1000000x32xf32, #tpu.memory_space<hbm>>) target(%dma_start3A_277 : memref<128x32xf32, #tpu.memory_space<vmem>>) offsets(%dma_start3A_280 : memref<128xi32, #tpu.memory_space<vmem>>) semaphore(%arg10 : memref<!tpu.dma_semaphore, #tpu.memory_space<semaphore_mem>>)
        %mul3A_284 = arith.constant 4 : i32
        %mul3A_285 = arith.muli %add3A_257, %mul3A_284 : i32
        %add3A_286 = arith.constant 2 : i32
        %add3A_287 = arith.addi %mul3A_285, %add3A_286 : i32
        %dma_start3A_288 = arith.constant 256 : i32
        %dma_start3A_289 = arith.constant 0 : i32
        %dma_start3A_290 = tpu.memref_slice %arg6[%dma_start3A_288, %dma_start3A_289] : memref<512x32xf32, #tpu.memory_space<vmem>> -> memref<128x32xf32, #tpu.memory_space<vmem>>
        %dma_start3A_291 = arith.constant 0 : i32
        %dma_start3A_292 = tpu.memref_slice %arg5[%add3A_287, %dma_start3A_291] : memref<104x128xi32, #tpu.memory_space<vmem>> -> memref<1x128xi32, #tpu.memory_space<vmem>>
        %dma_start3A_293 = tpu.memref_squeeze %dma_start3A_292 : memref<1x128xi32, #tpu.memory_space<vmem>> -> memref<128xi32, #tpu.memory_space<vmem>>
        %dma_start3A_294 = arith.constant 0 : i32
        %dma_start3A_295 = arith.constant 0 : i32
        %dma_start3A_296 = tpu.memref_slice %arg3[%dma_start3A_294, %dma_start3A_295] : memref<1000000x32xf32, #tpu.memory_space<hbm>> -> memref<1000000x32xf32, #tpu.memory_space<hbm>>
        tpu.enqueue_indirect_dma source(%dma_start3A_296 : memref<1000000x32xf32, #tpu.memory_space<hbm>>) target(%dma_start3A_290 : memref<128x32xf32, #tpu.memory_space<vmem>>) offsets(%dma_start3A_293 : memref<128xi32, #tpu.memory_space<vmem>>) semaphore(%arg10 : memref<!tpu.dma_semaphore, #tpu.memory_space<semaphore_mem>>)
        %mul3A_297 = arith.constant 4 : i32
        %mul3A_298 = arith.muli %add3A_257, %mul3A_297 : i32
        %add3A_299 = arith.constant 3 : i32
        %add3A_300 = arith.addi %mul3A_298, %add3A_299 : i32
        %dma_start3A_301 = arith.constant 384 : i32
        %dma_start3A_302 = arith.constant 0 : i32
        %dma_start3A_303 = tpu.memref_slice %arg6[%dma_start3A_301, %dma_start3A_302] : memref<512x32xf32, #tpu.memory_space<vmem>> -> memref<128x32xf32, #tpu.memory_space<vmem>>
        %dma_start3A_304 = arith.constant 0 : i32
        %dma_start3A_305 = tpu.memref_slice %arg5[%add3A_300, %dma_start3A_304] : memref<104x128xi32, #tpu.memory_space<vmem>> -> memref<1x128xi32, #tpu.memory_space<vmem>>
        %dma_start3A_306 = tpu.memref_squeeze %dma_start3A_305 : memref<1x128xi32, #tpu.memory_space<vmem>> -> memref<128xi32, #tpu.memory_space<vmem>>
        %dma_start3A_307 = arith.constant 0 : i32
        %dma_start3A_308 = arith.constant 0 : i32
        %dma_start3A_309 = tpu.memref_slice %arg3[%dma_start3A_307, %dma_start3A_308] : memref<1000000x32xf32, #tpu.memory_space<hbm>> -> memref<1000000x32xf32, #tpu.memory_space<hbm>>
        tpu.enqueue_indirect_dma source(%dma_start3A_309 : memref<1000000x32xf32, #tpu.memory_space<hbm>>) target(%dma_start3A_303 : memref<128x32xf32, #tpu.memory_space<vmem>>) offsets(%dma_start3A_306 : memref<128xi32, #tpu.memory_space<vmem>>) semaphore(%arg10 : memref<!tpu.dma_semaphore, #tpu.memory_space<semaphore_mem>>)
      } else {
      }
      %mul3A_178 = arith.constant 2 : i32
      %mul3A_179 = arith.muli %add3A_103, %mul3A_178 : i32
      %add3A_180 = arith.constant 1 : i32
      %add3A_181 = arith.addi %mul3A_179, %add3A_180 : i32
      %ge3A_182 = arith.constant 1 : i32
      %ge3A_183 = arith.cmpi sge, %add3A_103, %ge3A_182 : i32
      %convert_element_type3A_184 = arith.extui %ge3A_183 : i1 to i32
      %cond3A_185 = arith.constant 0 : i32
      %cond3A_186 = arith.cmpi ne, %convert_element_type3A_184, %cond3A_185 : i32
      scf.if %cond3A_186 {
        %sub3A = arith.constant 2 : i32
        %sub3A_256 = arith.subi %add3A_181, %sub3A : i32
        %mul3A_257 = arith.constant 512 : i32
        %mul3A_258 = arith.muli %sub3A_256, %mul3A_257 : i32
        %add3A_259 = arith.addi %mul3A_2, %mul3A_258 : i32
        %dma_wait3A_260 = arith.constant 0 : i32
        %dma_wait3A_261 = tpu.memref_slice %arg4[%add3A_259, %dma_wait3A_260] : memref<425984x32xf32, #tpu.memory_space<hbm>> -> memref<512x32xf32, #tpu.memory_space<hbm>>
        %dma_wait3A_262 = arith.constant 0 : i32
        %dma_wait3A_263 = tpu.memref_slice %arg4[%add3A_259, %dma_wait3A_262] : memref<425984x32xf32, #tpu.memory_space<hbm>> -> memref<512x32xf32, #tpu.memory_space<hbm>>
        tpu.wait_dma2 semaphore(%arg13 : memref<!tpu.dma_semaphore, #tpu.memory_space<semaphore_mem>>) src(%arg9 : memref<512x32xf32, #tpu.memory_space<vmem>>) dst(%dma_wait3A_263 : memref<512x32xf32, #tpu.memory_space<hbm>>)
      } else {
      }
      %mul3A_187 = arith.constant 4 : i32
      %mul3A_188 = arith.muli %add3A_181, %mul3A_187 : i32
      %add3A_189 = arith.constant 0 : i32
      %add3A_190 = arith.addi %mul3A_188, %add3A_189 : i32
      %dma_wait3A_191 = arith.constant 0 : i32
      %dma_wait3A_192 = arith.constant 0 : i32
      %dma_wait3A_193 = tpu.memref_slice %arg7[%dma_wait3A_191, %dma_wait3A_192] : memref<512x32xf32, #tpu.memory_space<vmem>> -> memref<128x32xf32, #tpu.memory_space<vmem>>
      %dma_wait3A_194 = arith.constant 0 : i32
      %dma_wait3A_195 = tpu.memref_slice %arg5[%add3A_190, %dma_wait3A_194] : memref<104x128xi32, #tpu.memory_space<vmem>> -> memref<1x128xi32, #tpu.memory_space<vmem>>
      %dma_wait3A_196 = tpu.memref_squeeze %dma_wait3A_195 : memref<1x128xi32, #tpu.memory_space<vmem>> -> memref<128xi32, #tpu.memory_space<vmem>>
      %dma_wait3A_197 = arith.constant 0 : i32
      %dma_wait3A_198 = arith.constant 0 : i32
      %dma_wait3A_199 = tpu.memref_slice %arg3[%dma_wait3A_197, %dma_wait3A_198] : memref<1000000x32xf32, #tpu.memory_space<hbm>> -> memref<1000000x32xf32, #tpu.memory_space<hbm>>
      tpu.wait_indirect_dma semaphore(%arg11 : memref<!tpu.dma_semaphore, #tpu.memory_space<semaphore_mem>>) src(%dma_wait3A_199 : memref<1000000x32xf32, #tpu.memory_space<hbm>>) dst(%dma_wait3A_193 : memref<128x32xf32, #tpu.memory_space<vmem>>)
      %mul3A_200 = arith.constant 4 : i32
      %mul3A_201 = arith.muli %add3A_181, %mul3A_200 : i32
      %add3A_202 = arith.constant 1 : i32
      %add3A_203 = arith.addi %mul3A_201, %add3A_202 : i32
      %dma_wait3A_204 = arith.constant 128 : i32
      %dma_wait3A_205 = arith.constant 0 : i32
      %dma_wait3A_206 = tpu.memref_slice %arg7[%dma_wait3A_204, %dma_wait3A_205] : memref<512x32xf32, #tpu.memory_space<vmem>> -> memref<128x32xf32, #tpu.memory_space<vmem>>
      %dma_wait3A_207 = arith.constant 0 : i32
      %dma_wait3A_208 = tpu.memref_slice %arg5[%add3A_203, %dma_wait3A_207] : memref<104x128xi32, #tpu.memory_space<vmem>> -> memref<1x128xi32, #tpu.memory_space<vmem>>
      %dma_wait3A_209 = tpu.memref_squeeze %dma_wait3A_208 : memref<1x128xi32, #tpu.memory_space<vmem>> -> memref<128xi32, #tpu.memory_space<vmem>>
      %dma_wait3A_210 = arith.constant 0 : i32
      %dma_wait3A_211 = arith.constant 0 : i32
      %dma_wait3A_212 = tpu.memref_slice %arg3[%dma_wait3A_210, %dma_wait3A_211] : memref<1000000x32xf32, #tpu.memory_space<hbm>> -> memref<1000000x32xf32, #tpu.memory_space<hbm>>
      tpu.wait_indirect_dma semaphore(%arg11 : memref<!tpu.dma_semaphore, #tpu.memory_space<semaphore_mem>>) src(%dma_wait3A_212 : memref<1000000x32xf32, #tpu.memory_space<hbm>>) dst(%dma_wait3A_206 : memref<128x32xf32, #tpu.memory_space<vmem>>)
      %mul3A_213 = arith.constant 4 : i32
      %mul3A_214 = arith.muli %add3A_181, %mul3A_213 : i32
      %add3A_215 = arith.constant 2 : i32
      %add3A_216 = arith.addi %mul3A_214, %add3A_215 : i32
      %dma_wait3A_217 = arith.constant 256 : i32
      %dma_wait3A_218 = arith.constant 0 : i32
      %dma_wait3A_219 = tpu.memref_slice %arg7[%dma_wait3A_217, %dma_wait3A_218] : memref<512x32xf32, #tpu.memory_space<vmem>> -> memref<128x32xf32, #tpu.memory_space<vmem>>
      %dma_wait3A_220 = arith.constant 0 : i32
      %dma_wait3A_221 = tpu.memref_slice %arg5[%add3A_216, %dma_wait3A_220] : memref<104x128xi32, #tpu.memory_space<vmem>> -> memref<1x128xi32, #tpu.memory_space<vmem>>
      %dma_wait3A_222 = tpu.memref_squeeze %dma_wait3A_221 : memref<1x128xi32, #tpu.memory_space<vmem>> -> memref<128xi32, #tpu.memory_space<vmem>>
      %dma_wait3A_223 = arith.constant 0 : i32
      %dma_wait3A_224 = arith.constant 0 : i32
      %dma_wait3A_225 = tpu.memref_slice %arg3[%dma_wait3A_223, %dma_wait3A_224] : memref<1000000x32xf32, #tpu.memory_space<hbm>> -> memref<1000000x32xf32, #tpu.memory_space<hbm>>
      tpu.wait_indirect_dma semaphore(%arg11 : memref<!tpu.dma_semaphore, #tpu.memory_space<semaphore_mem>>) src(%dma_wait3A_225 : memref<1000000x32xf32, #tpu.memory_space<hbm>>) dst(%dma_wait3A_219 : memref<128x32xf32, #tpu.memory_space<vmem>>)
      %mul3A_226 = arith.constant 4 : i32
      %mul3A_227 = arith.muli %add3A_181, %mul3A_226 : i32
      %add3A_228 = arith.constant 3 : i32
      %add3A_229 = arith.addi %mul3A_227, %add3A_228 : i32
      %dma_wait3A_230 = arith.constant 384 : i32
      %dma_wait3A_231 = arith.constant 0 : i32
      %dma_wait3A_232 = tpu.memref_slice %arg7[%dma_wait3A_230, %dma_wait3A_231] : memref<512x32xf32, #tpu.memory_space<vmem>> -> memref<128x32xf32, #tpu.memory_space<vmem>>
      %dma_wait3A_233 = arith.constant 0 : i32
      %dma_wait3A_234 = tpu.memref_slice %arg5[%add3A_229, %dma_wait3A_233] : memref<104x128xi32, #tpu.memory_space<vmem>> -> memref<1x128xi32, #tpu.memory_space<vmem>>
      %dma_wait3A_235 = tpu.memref_squeeze %dma_wait3A_234 : memref<1x128xi32, #tpu.memory_space<vmem>> -> memref<128xi32, #tpu.memory_space<vmem>>
      %dma_wait3A_236 = arith.constant 0 : i32
      %dma_wait3A_237 = arith.constant 0 : i32
      %dma_wait3A_238 = tpu.memref_slice %arg3[%dma_wait3A_236, %dma_wait3A_237] : memref<1000000x32xf32, #tpu.memory_space<hbm>> -> memref<1000000x32xf32, #tpu.memory_space<hbm>>
      tpu.wait_indirect_dma semaphore(%arg11 : memref<!tpu.dma_semaphore, #tpu.memory_space<semaphore_mem>>) src(%dma_wait3A_238 : memref<1000000x32xf32, #tpu.memory_space<hbm>>) dst(%dma_wait3A_232 : memref<128x32xf32, #tpu.memory_space<vmem>>)
      %scan3A_239 = arith.constant 0 : i32
      %scan3A_240 = arith.constant 32 : i32
      %scan3A_241 = arith.addi %scan3A_239, %scan3A_240 : i32
      %scan3A_242 = arith.constant 1 : i32
      scf.for %scan3A_256 = %scan3A_239 to %scan3A_241 step %scan3A_242  : i32 {
        %mul3A_257 = arith.constant 1 : i32
        %mul3A_258 = arith.muli %scan3A_256, %mul3A_257 : i32
        %add3A_259 = arith.constant 0 : i32
        %add3A_260 = arith.addi %add3A_259, %mul3A_258 : i32
        %iota3A = tpu.iota {dimensions = array<i32: 0>} : vector<16xi32>
        %mul3A_261 = arith.constant 16 : i32
        %mul3A_262 = arith.muli %add3A_260, %mul3A_261 : i32
        %add3A_263 = vector.broadcast %mul3A_262 : i32 to vector<16xi32>
        %add3A_264 = arith.addi %add3A_263, %iota3A : vector<16xi32>
        %broadcast_in_dim3A = arith.constant 0.000000e+00 : f32
        %broadcast_in_dim3A_265 = vector.broadcast %broadcast_in_dim3A : f32 to vector<16xf32>
        %broadcast_in_dim3A_266 = arith.constant 0.000000e+00 : f32
        %broadcast_in_dim3A_267 = vector.broadcast %broadcast_in_dim3A_266 : f32 to vector<16xf32>
        %broadcast_in_dim3A_268 = arith.constant 0.000000e+00 : f32
        %broadcast_in_dim3A_269 = vector.broadcast %broadcast_in_dim3A_268 : f32 to vector<16xf32>
        %broadcast_in_dim3A_270 = arith.constant 0.000000e+00 : f32
        %broadcast_in_dim3A_271 = vector.broadcast %broadcast_in_dim3A_270 : f32 to vector<16xf32>
        %add3A_272 = arith.constant 0 : i32
        %add3A_273 = vector.broadcast %add3A_272 : i32 to vector<16xi32>
        %add3A_274 = arith.addi %iota3A, %add3A_273 : vector<16xi32>
        %and3A = arith.constant 31 : i32
        %and3A_275 = vector.broadcast %and3A : i32 to vector<16xi32>
        %and3A_276 = arith.andi %add3A_274, %and3A_275 : vector<16xi32>
        %gather3A = tpu.vector_load_idx %arg7[%add3A_264, %and3A_276] : memref<512x32xf32, #tpu.memory_space<vmem>>[vector<16xi32>, vector<16xi32>], vector<16xf32>,
        %mul3A_277 = arith.mulf %gather3A, %gather3A : vector<16xf32>
        %add3A_278 = arith.addf %broadcast_in_dim3A_265, %mul3A_277 : vector<16xf32>
        %add3A_279 = arith.constant 1 : i32
        %add3A_280 = vector.broadcast %add3A_279 : i32 to vector<16xi32>
        %add3A_281 = arith.addi %iota3A, %add3A_280 : vector<16xi32>
        %and3A_282 = arith.constant 31 : i32
        %and3A_283 = vector.broadcast %and3A_282 : i32 to vector<16xi32>
        %and3A_284 = arith.andi %add3A_281, %and3A_283 : vector<16xi32>
        %gather3A_285 = tpu.vector_load_idx %arg7[%add3A_264, %and3A_284] : memref<512x32xf32, #tpu.memory_space<vmem>>[vector<16xi32>, vector<16xi32>], vector<16xf32>,
        %mul3A_286 = arith.mulf %gather3A_285, %gather3A_285 : vector<16xf32>
        %add3A_287 = arith.addf %broadcast_in_dim3A_267, %mul3A_286 : vector<16xf32>
        %add3A_288 = arith.constant 2 : i32
        %add3A_289 = vector.broadcast %add3A_288 : i32 to vector<16xi32>
        %add3A_290 = arith.addi %iota3A, %add3A_289 : vector<16xi32>
        %and3A_291 = arith.constant 31 : i32
        %and3A_292 = vector.broadcast %and3A_291 : i32 to vector<16xi32>
        %and3A_293 = arith.andi %add3A_290, %and3A_292 : vector<16xi32>
        %gather3A_294 = tpu.vector_load_idx %arg7[%add3A_264, %and3A_293] : memref<512x32xf32, #tpu.memory_space<vmem>>[vector<16xi32>, vector<16xi32>], vector<16xf32>,
        %mul3A_295 = arith.mulf %gather3A_294, %gather3A_294 : vector<16xf32>
        %add3A_296 = arith.addf %broadcast_in_dim3A_269, %mul3A_295 : vector<16xf32>
        %add3A_297 = arith.constant 3 : i32
        %add3A_298 = vector.broadcast %add3A_297 : i32 to vector<16xi32>
        %add3A_299 = arith.addi %iota3A, %add3A_298 : vector<16xi32>
        %and3A_300 = arith.constant 31 : i32
        %and3A_301 = vector.broadcast %and3A_300 : i32 to vector<16xi32>
        %and3A_302 = arith.andi %add3A_299, %and3A_301 : vector<16xi32>
        %gather3A_303 = tpu.vector_load_idx %arg7[%add3A_264, %and3A_302] : memref<512x32xf32, #tpu.memory_space<vmem>>[vector<16xi32>, vector<16xi32>], vector<16xf32>,
        %mul3A_304 = arith.mulf %gather3A_303, %gather3A_303 : vector<16xf32>
        %add3A_305 = arith.addf %broadcast_in_dim3A_271, %mul3A_304 : vector<16xf32>
        %add3A_306 = arith.constant 4 : i32
        %add3A_307 = vector.broadcast %add3A_306 : i32 to vector<16xi32>
        %add3A_308 = arith.addi %iota3A, %add3A_307 : vector<16xi32>
        %and3A_309 = arith.constant 31 : i32
        %and3A_310 = vector.broadcast %and3A_309 : i32 to vector<16xi32>
        %and3A_311 = arith.andi %add3A_308, %and3A_310 : vector<16xi32>
        %gather3A_312 = tpu.vector_load_idx %arg7[%add3A_264, %and3A_311] : memref<512x32xf32, #tpu.memory_space<vmem>>[vector<16xi32>, vector<16xi32>], vector<16xf32>,
        %mul3A_313 = arith.mulf %gather3A_312, %gather3A_312 : vector<16xf32>
        %add3A_314 = arith.addf %add3A_278, %mul3A_313 : vector<16xf32>
        %add3A_315 = arith.constant 5 : i32
        %add3A_316 = vector.broadcast %add3A_315 : i32 to vector<16xi32>
        %add3A_317 = arith.addi %iota3A, %add3A_316 : vector<16xi32>
        %and3A_318 = arith.constant 31 : i32
        %and3A_319 = vector.broadcast %and3A_318 : i32 to vector<16xi32>
        %and3A_320 = arith.andi %add3A_317, %and3A_319 : vector<16xi32>
        %gather3A_321 = tpu.vector_load_idx %arg7[%add3A_264, %and3A_320] : memref<512x32xf32, #tpu.memory_space<vmem>>[vector<16xi32>, vector<16xi32>], vector<16xf32>,
        %mul3A_322 = arith.mulf %gather3A_321, %gather3A_321 : vector<16xf32>
        %add3A_323 = arith.addf %add3A_287, %mul3A_322 : vector<16xf32>
        %add3A_324 = arith.constant 6 : i32
        %add3A_325 = vector.broadcast %add3A_324 : i32 to vector<16xi32>
        %add3A_326 = arith.addi %iota3A, %add3A_325 : vector<16xi32>
        %and3A_327 = arith.constant 31 : i32
        %and3A_328 = vector.broadcast %and3A_327 : i32 to vector<16xi32>
        %and3A_329 = arith.andi %add3A_326, %and3A_328 : vector<16xi32>
        %gather3A_330 = tpu.vector_load_idx %arg7[%add3A_264, %and3A_329] : memref<512x32xf32, #tpu.memory_space<vmem>>[vector<16xi32>, vector<16xi32>], vector<16xf32>,
        %mul3A_331 = arith.mulf %gather3A_330, %gather3A_330 : vector<16xf32>
        %add3A_332 = arith.addf %add3A_296, %mul3A_331 : vector<16xf32>
        %add3A_333 = arith.constant 7 : i32
        %add3A_334 = vector.broadcast %add3A_333 : i32 to vector<16xi32>
        %add3A_335 = arith.addi %iota3A, %add3A_334 : vector<16xi32>
        %and3A_336 = arith.constant 31 : i32
        %and3A_337 = vector.broadcast %and3A_336 : i32 to vector<16xi32>
        %and3A_338 = arith.andi %add3A_335, %and3A_337 : vector<16xi32>
        %gather3A_339 = tpu.vector_load_idx %arg7[%add3A_264, %and3A_338] : memref<512x32xf32, #tpu.memory_space<vmem>>[vector<16xi32>, vector<16xi32>], vector<16xf32>,
        %mul3A_340 = arith.mulf %gather3A_339, %gather3A_339 : vector<16xf32>
        %add3A_341 = arith.addf %add3A_305, %mul3A_340 : vector<16xf32>
        %add3A_342 = arith.constant 8 : i32
        %add3A_343 = vector.broadcast %add3A_342 : i32 to vector<16xi32>
        %add3A_344 = arith.addi %iota3A, %add3A_343 : vector<16xi32>
        %and3A_345 = arith.constant 31 : i32
        %and3A_346 = vector.broadcast %and3A_345 : i32 to vector<16xi32>
        %and3A_347 = arith.andi %add3A_344, %and3A_346 : vector<16xi32>
        %gather3A_348 = tpu.vector_load_idx %arg7[%add3A_264, %and3A_347] : memref<512x32xf32, #tpu.memory_space<vmem>>[vector<16xi32>, vector<16xi32>], vector<16xf32>,
        %mul3A_349 = arith.mulf %gather3A_348, %gather3A_348 : vector<16xf32>
        %add3A_350 = arith.addf %add3A_314, %mul3A_349 : vector<16xf32>
        %add3A_351 = arith.constant 9 : i32
        %add3A_352 = vector.broadcast %add3A_351 : i32 to vector<16xi32>
        %add3A_353 = arith.addi %iota3A, %add3A_352 : vector<16xi32>
        %and3A_354 = arith.constant 31 : i32
        %and3A_355 = vector.broadcast %and3A_354 : i32 to vector<16xi32>
        %and3A_356 = arith.andi %add3A_353, %and3A_355 : vector<16xi32>
        %gather3A_357 = tpu.vector_load_idx %arg7[%add3A_264, %and3A_356] : memref<512x32xf32, #tpu.memory_space<vmem>>[vector<16xi32>, vector<16xi32>], vector<16xf32>,
        %mul3A_358 = arith.mulf %gather3A_357, %gather3A_357 : vector<16xf32>
        %add3A_359 = arith.addf %add3A_323, %mul3A_358 : vector<16xf32>
        %add3A_360 = arith.constant 10 : i32
        %add3A_361 = vector.broadcast %add3A_360 : i32 to vector<16xi32>
        %add3A_362 = arith.addi %iota3A, %add3A_361 : vector<16xi32>
        %and3A_363 = arith.constant 31 : i32
        %and3A_364 = vector.broadcast %and3A_363 : i32 to vector<16xi32>
        %and3A_365 = arith.andi %add3A_362, %and3A_364 : vector<16xi32>
        %gather3A_366 = tpu.vector_load_idx %arg7[%add3A_264, %and3A_365] : memref<512x32xf32, #tpu.memory_space<vmem>>[vector<16xi32>, vector<16xi32>], vector<16xf32>,
        %mul3A_367 = arith.mulf %gather3A_366, %gather3A_366 : vector<16xf32>
        %add3A_368 = arith.addf %add3A_332, %mul3A_367 : vector<16xf32>
        %add3A_369 = arith.constant 11 : i32
        %add3A_370 = vector.broadcast %add3A_369 : i32 to vector<16xi32>
        %add3A_371 = arith.addi %iota3A, %add3A_370 : vector<16xi32>
        %and3A_372 = arith.constant 31 : i32
        %and3A_373 = vector.broadcast %and3A_372 : i32 to vector<16xi32>
        %and3A_374 = arith.andi %add3A_371, %and3A_373 : vector<16xi32>
        %gather3A_375 = tpu.vector_load_idx %arg7[%add3A_264, %and3A_374] : memref<512x32xf32, #tpu.memory_space<vmem>>[vector<16xi32>, vector<16xi32>], vector<16xf32>,
        %mul3A_376 = arith.mulf %gather3A_375, %gather3A_375 : vector<16xf32>
        %add3A_377 = arith.addf %add3A_341, %mul3A_376 : vector<16xf32>
        %add3A_378 = arith.constant 12 : i32
        %add3A_379 = vector.broadcast %add3A_378 : i32 to vector<16xi32>
        %add3A_380 = arith.addi %iota3A, %add3A_379 : vector<16xi32>
        %and3A_381 = arith.constant 31 : i32
        %and3A_382 = vector.broadcast %and3A_381 : i32 to vector<16xi32>
        %and3A_383 = arith.andi %add3A_380, %and3A_382 : vector<16xi32>
        %gather3A_384 = tpu.vector_load_idx %arg7[%add3A_264, %and3A_383] : memref<512x32xf32, #tpu.memory_space<vmem>>[vector<16xi32>, vector<16xi32>], vector<16xf32>,
        %mul3A_385 = arith.mulf %gather3A_384, %gather3A_384 : vector<16xf32>
        %add3A_386 = arith.addf %add3A_350, %mul3A_385 : vector<16xf32>
        %add3A_387 = arith.constant 13 : i32
        %add3A_388 = vector.broadcast %add3A_387 : i32 to vector<16xi32>
        %add3A_389 = arith.addi %iota3A, %add3A_388 : vector<16xi32>
        %and3A_390 = arith.constant 31 : i32
        %and3A_391 = vector.broadcast %and3A_390 : i32 to vector<16xi32>
        %and3A_392 = arith.andi %add3A_389, %and3A_391 : vector<16xi32>
        %gather3A_393 = tpu.vector_load_idx %arg7[%add3A_264, %and3A_392] : memref<512x32xf32, #tpu.memory_space<vmem>>[vector<16xi32>, vector<16xi32>], vector<16xf32>,
        %mul3A_394 = arith.mulf %gather3A_393, %gather3A_393 : vector<16xf32>
        %add3A_395 = arith.addf %add3A_359, %mul3A_394 : vector<16xf32>
        %add3A_396 = arith.constant 14 : i32
        %add3A_397 = vector.broadcast %add3A_396 : i32 to vector<16xi32>
        %add3A_398 = arith.addi %iota3A, %add3A_397 : vector<16xi32>
        %and3A_399 = arith.constant 31 : i32
        %and3A_400 = vector.broadcast %and3A_399 : i32 to vector<16xi32>
        %and3A_401 = arith.andi %add3A_398, %and3A_400 : vector<16xi32>
        %gather3A_402 = tpu.vector_load_idx %arg7[%add3A_264, %and3A_401] : memref<512x32xf32, #tpu.memory_space<vmem>>[vector<16xi32>, vector<16xi32>], vector<16xf32>,
        %mul3A_403 = arith.mulf %gather3A_402, %gather3A_402 : vector<16xf32>
        %add3A_404 = arith.addf %add3A_368, %mul3A_403 : vector<16xf32>
        %add3A_405 = arith.constant 15 : i32
        %add3A_406 = vector.broadcast %add3A_405 : i32 to vector<16xi32>
        %add3A_407 = arith.addi %iota3A, %add3A_406 : vector<16xi32>
        %and3A_408 = arith.constant 31 : i32
        %and3A_409 = vector.broadcast %and3A_408 : i32 to vector<16xi32>
        %and3A_410 = arith.andi %add3A_407, %and3A_409 : vector<16xi32>
        %gather3A_411 = tpu.vector_load_idx %arg7[%add3A_264, %and3A_410] : memref<512x32xf32, #tpu.memory_space<vmem>>[vector<16xi32>, vector<16xi32>], vector<16xf32>,
        %mul3A_412 = arith.mulf %gather3A_411, %gather3A_411 : vector<16xf32>
        %add3A_413 = arith.addf %add3A_377, %mul3A_412 : vector<16xf32>
        %add3A_414 = arith.constant 16 : i32
        %add3A_415 = vector.broadcast %add3A_414 : i32 to vector<16xi32>
        %add3A_416 = arith.addi %iota3A, %add3A_415 : vector<16xi32>
        %and3A_417 = arith.constant 31 : i32
        %and3A_418 = vector.broadcast %and3A_417 : i32 to vector<16xi32>
        %and3A_419 = arith.andi %add3A_416, %and3A_418 : vector<16xi32>
        %gather3A_420 = tpu.vector_load_idx %arg7[%add3A_264, %and3A_419] : memref<512x32xf32, #tpu.memory_space<vmem>>[vector<16xi32>, vector<16xi32>], vector<16xf32>,
        %mul3A_421 = arith.mulf %gather3A_420, %gather3A_420 : vector<16xf32>
        %add3A_422 = arith.addf %add3A_386, %mul3A_421 : vector<16xf32>
        %add3A_423 = arith.constant 17 : i32
        %add3A_424 = vector.broadcast %add3A_423 : i32 to vector<16xi32>
        %add3A_425 = arith.addi %iota3A, %add3A_424 : vector<16xi32>
        %and3A_426 = arith.constant 31 : i32
        %and3A_427 = vector.broadcast %and3A_426 : i32 to vector<16xi32>
        %and3A_428 = arith.andi %add3A_425, %and3A_427 : vector<16xi32>
        %gather3A_429 = tpu.vector_load_idx %arg7[%add3A_264, %and3A_428] : memref<512x32xf32, #tpu.memory_space<vmem>>[vector<16xi32>, vector<16xi32>], vector<16xf32>,
        %mul3A_430 = arith.mulf %gather3A_429, %gather3A_429 : vector<16xf32>
        %add3A_431 = arith.addf %add3A_395, %mul3A_430 : vector<16xf32>
        %add3A_432 = arith.constant 18 : i32
        %add3A_433 = vector.broadcast %add3A_432 : i32 to vector<16xi32>
        %add3A_434 = arith.addi %iota3A, %add3A_433 : vector<16xi32>
        %and3A_435 = arith.constant 31 : i32
        %and3A_436 = vector.broadcast %and3A_435 : i32 to vector<16xi32>
        %and3A_437 = arith.andi %add3A_434, %and3A_436 : vector<16xi32>
        %gather3A_438 = tpu.vector_load_idx %arg7[%add3A_264, %and3A_437] : memref<512x32xf32, #tpu.memory_space<vmem>>[vector<16xi32>, vector<16xi32>], vector<16xf32>,
        %mul3A_439 = arith.mulf %gather3A_438, %gather3A_438 : vector<16xf32>
        %add3A_440 = arith.addf %add3A_404, %mul3A_439 : vector<16xf32>
        %add3A_441 = arith.constant 19 : i32
        %add3A_442 = vector.broadcast %add3A_441 : i32 to vector<16xi32>
        %add3A_443 = arith.addi %iota3A, %add3A_442 : vector<16xi32>
        %and3A_444 = arith.constant 31 : i32
        %and3A_445 = vector.broadcast %and3A_444 : i32 to vector<16xi32>
        %and3A_446 = arith.andi %add3A_443, %and3A_445 : vector<16xi32>
        %gather3A_447 = tpu.vector_load_idx %arg7[%add3A_264, %and3A_446] : memref<512x32xf32, #tpu.memory_space<vmem>>[vector<16xi32>, vector<16xi32>], vector<16xf32>,
        %mul3A_448 = arith.mulf %gather3A_447, %gather3A_447 : vector<16xf32>
        %add3A_449 = arith.addf %add3A_413, %mul3A_448 : vector<16xf32>
        %add3A_450 = arith.constant 20 : i32
        %add3A_451 = vector.broadcast %add3A_450 : i32 to vector<16xi32>
        %add3A_452 = arith.addi %iota3A, %add3A_451 : vector<16xi32>
        %and3A_453 = arith.constant 31 : i32
        %and3A_454 = vector.broadcast %and3A_453 : i32 to vector<16xi32>
        %and3A_455 = arith.andi %add3A_452, %and3A_454 : vector<16xi32>
        %gather3A_456 = tpu.vector_load_idx %arg7[%add3A_264, %and3A_455] : memref<512x32xf32, #tpu.memory_space<vmem>>[vector<16xi32>, vector<16xi32>], vector<16xf32>,
        %mul3A_457 = arith.mulf %gather3A_456, %gather3A_456 : vector<16xf32>
        %add3A_458 = arith.addf %add3A_422, %mul3A_457 : vector<16xf32>
        %add3A_459 = arith.constant 21 : i32
        %add3A_460 = vector.broadcast %add3A_459 : i32 to vector<16xi32>
        %add3A_461 = arith.addi %iota3A, %add3A_460 : vector<16xi32>
        %and3A_462 = arith.constant 31 : i32
        %and3A_463 = vector.broadcast %and3A_462 : i32 to vector<16xi32>
        %and3A_464 = arith.andi %add3A_461, %and3A_463 : vector<16xi32>
        %gather3A_465 = tpu.vector_load_idx %arg7[%add3A_264, %and3A_464] : memref<512x32xf32, #tpu.memory_space<vmem>>[vector<16xi32>, vector<16xi32>], vector<16xf32>,
        %mul3A_466 = arith.mulf %gather3A_465, %gather3A_465 : vector<16xf32>
        %add3A_467 = arith.addf %add3A_431, %mul3A_466 : vector<16xf32>
        %add3A_468 = arith.constant 22 : i32
        %add3A_469 = vector.broadcast %add3A_468 : i32 to vector<16xi32>
        %add3A_470 = arith.addi %iota3A, %add3A_469 : vector<16xi32>
        %and3A_471 = arith.constant 31 : i32
        %and3A_472 = vector.broadcast %and3A_471 : i32 to vector<16xi32>
        %and3A_473 = arith.andi %add3A_470, %and3A_472 : vector<16xi32>
        %gather3A_474 = tpu.vector_load_idx %arg7[%add3A_264, %and3A_473] : memref<512x32xf32, #tpu.memory_space<vmem>>[vector<16xi32>, vector<16xi32>], vector<16xf32>,
        %mul3A_475 = arith.mulf %gather3A_474, %gather3A_474 : vector<16xf32>
        %add3A_476 = arith.addf %add3A_440, %mul3A_475 : vector<16xf32>
        %add3A_477 = arith.constant 23 : i32
        %add3A_478 = vector.broadcast %add3A_477 : i32 to vector<16xi32>
        %add3A_479 = arith.addi %iota3A, %add3A_478 : vector<16xi32>
        %and3A_480 = arith.constant 31 : i32
        %and3A_481 = vector.broadcast %and3A_480 : i32 to vector<16xi32>
        %and3A_482 = arith.andi %add3A_479, %and3A_481 : vector<16xi32>
        %gather3A_483 = tpu.vector_load_idx %arg7[%add3A_264, %and3A_482] : memref<512x32xf32, #tpu.memory_space<vmem>>[vector<16xi32>, vector<16xi32>], vector<16xf32>,
        %mul3A_484 = arith.mulf %gather3A_483, %gather3A_483 : vector<16xf32>
        %add3A_485 = arith.addf %add3A_449, %mul3A_484 : vector<16xf32>
        %add3A_486 = arith.constant 24 : i32
        %add3A_487 = vector.broadcast %add3A_486 : i32 to vector<16xi32>
        %add3A_488 = arith.addi %iota3A, %add3A_487 : vector<16xi32>
        %and3A_489 = arith.constant 31 : i32
        %and3A_490 = vector.broadcast %and3A_489 : i32 to vector<16xi32>
        %and3A_491 = arith.andi %add3A_488, %and3A_490 : vector<16xi32>
        %gather3A_492 = tpu.vector_load_idx %arg7[%add3A_264, %and3A_491] : memref<512x32xf32, #tpu.memory_space<vmem>>[vector<16xi32>, vector<16xi32>], vector<16xf32>,
        %mul3A_493 = arith.mulf %gather3A_492, %gather3A_492 : vector<16xf32>
        %add3A_494 = arith.addf %add3A_458, %mul3A_493 : vector<16xf32>
        %add3A_495 = arith.constant 25 : i32
        %add3A_496 = vector.broadcast %add3A_495 : i32 to vector<16xi32>
        %add3A_497 = arith.addi %iota3A, %add3A_496 : vector<16xi32>
        %and3A_498 = arith.constant 31 : i32
        %and3A_499 = vector.broadcast %and3A_498 : i32 to vector<16xi32>
        %and3A_500 = arith.andi %add3A_497, %and3A_499 : vector<16xi32>
        %gather3A_501 = tpu.vector_load_idx %arg7[%add3A_264, %and3A_500] : memref<512x32xf32, #tpu.memory_space<vmem>>[vector<16xi32>, vector<16xi32>], vector<16xf32>,
        %mul3A_502 = arith.mulf %gather3A_501, %gather3A_501 : vector<16xf32>
        %add3A_503 = arith.addf %add3A_467, %mul3A_502 : vector<16xf32>
        %add3A_504 = arith.constant 26 : i32
        %add3A_505 = vector.broadcast %add3A_504 : i32 to vector<16xi32>
        %add3A_506 = arith.addi %iota3A, %add3A_505 : vector<16xi32>
        %and3A_507 = arith.constant 31 : i32
        %and3A_508 = vector.broadcast %and3A_507 : i32 to vector<16xi32>
        %and3A_509 = arith.andi %add3A_506, %and3A_508 : vector<16xi32>
        %gather3A_510 = tpu.vector_load_idx %arg7[%add3A_264, %and3A_509] : memref<512x32xf32, #tpu.memory_space<vmem>>[vector<16xi32>, vector<16xi32>], vector<16xf32>,
        %mul3A_511 = arith.mulf %gather3A_510, %gather3A_510 : vector<16xf32>
        %add3A_512 = arith.addf %add3A_476, %mul3A_511 : vector<16xf32>
        %add3A_513 = arith.constant 27 : i32
        %add3A_514 = vector.broadcast %add3A_513 : i32 to vector<16xi32>
        %add3A_515 = arith.addi %iota3A, %add3A_514 : vector<16xi32>
        %and3A_516 = arith.constant 31 : i32
        %and3A_517 = vector.broadcast %and3A_516 : i32 to vector<16xi32>
        %and3A_518 = arith.andi %add3A_515, %and3A_517 : vector<16xi32>
        %gather3A_519 = tpu.vector_load_idx %arg7[%add3A_264, %and3A_518] : memref<512x32xf32, #tpu.memory_space<vmem>>[vector<16xi32>, vector<16xi32>], vector<16xf32>,
        %mul3A_520 = arith.mulf %gather3A_519, %gather3A_519 : vector<16xf32>
        %add3A_521 = arith.addf %add3A_485, %mul3A_520 : vector<16xf32>
        %add3A_522 = arith.constant 28 : i32
        %add3A_523 = vector.broadcast %add3A_522 : i32 to vector<16xi32>
        %add3A_524 = arith.addi %iota3A, %add3A_523 : vector<16xi32>
        %and3A_525 = arith.constant 31 : i32
        %and3A_526 = vector.broadcast %and3A_525 : i32 to vector<16xi32>
        %and3A_527 = arith.andi %add3A_524, %and3A_526 : vector<16xi32>
        %gather3A_528 = tpu.vector_load_idx %arg7[%add3A_264, %and3A_527] : memref<512x32xf32, #tpu.memory_space<vmem>>[vector<16xi32>, vector<16xi32>], vector<16xf32>,
        %mul3A_529 = arith.mulf %gather3A_528, %gather3A_528 : vector<16xf32>
        %add3A_530 = arith.addf %add3A_494, %mul3A_529 : vector<16xf32>
        %add3A_531 = arith.constant 29 : i32
        %add3A_532 = vector.broadcast %add3A_531 : i32 to vector<16xi32>
        %add3A_533 = arith.addi %iota3A, %add3A_532 : vector<16xi32>
        %and3A_534 = arith.constant 31 : i32
        %and3A_535 = vector.broadcast %and3A_534 : i32 to vector<16xi32>
        %and3A_536 = arith.andi %add3A_533, %and3A_535 : vector<16xi32>
        %gather3A_537 = tpu.vector_load_idx %arg7[%add3A_264, %and3A_536] : memref<512x32xf32, #tpu.memory_space<vmem>>[vector<16xi32>, vector<16xi32>], vector<16xf32>,
        %mul3A_538 = arith.mulf %gather3A_537, %gather3A_537 : vector<16xf32>
        %add3A_539 = arith.addf %add3A_503, %mul3A_538 : vector<16xf32>
        %add3A_540 = arith.constant 30 : i32
        %add3A_541 = vector.broadcast %add3A_540 : i32 to vector<16xi32>
        %add3A_542 = arith.addi %iota3A, %add3A_541 : vector<16xi32>
        %and3A_543 = arith.constant 31 : i32
        %and3A_544 = vector.broadcast %and3A_543 : i32 to vector<16xi32>
        %and3A_545 = arith.andi %add3A_542, %and3A_544 : vector<16xi32>
        %gather3A_546 = tpu.vector_load_idx %arg7[%add3A_264, %and3A_545] : memref<512x32xf32, #tpu.memory_space<vmem>>[vector<16xi32>, vector<16xi32>], vector<16xf32>,
        %mul3A_547 = arith.mulf %gather3A_546, %gather3A_546 : vector<16xf32>
        %add3A_548 = arith.addf %add3A_512, %mul3A_547 : vector<16xf32>
        %add3A_549 = arith.constant 31 : i32
        %add3A_550 = vector.broadcast %add3A_549 : i32 to vector<16xi32>
        %add3A_551 = arith.addi %iota3A, %add3A_550 : vector<16xi32>
        %and3A_552 = arith.constant 31 : i32
        %and3A_553 = vector.broadcast %and3A_552 : i32 to vector<16xi32>
        %and3A_554 = arith.andi %add3A_551, %and3A_553 : vector<16xi32>
        %gather3A_555 = tpu.vector_load_idx %arg7[%add3A_264, %and3A_554] : memref<512x32xf32, #tpu.memory_space<vmem>>[vector<16xi32>, vector<16xi32>], vector<16xf32>,
        %mul3A_556 = arith.mulf %gather3A_555, %gather3A_555 : vector<16xf32>
        %add3A_557 = arith.addf %add3A_521, %mul3A_556 : vector<16xf32>
        %add3A_558 = arith.addf %add3A_530, %add3A_539 : vector<16xf32>
        %add3A_559 = arith.addf %add3A_548, %add3A_557 : vector<16xf32>
        %add3A_560 = arith.addf %add3A_558, %add3A_559 : vector<16xf32>
        %bitcast3A = vector.bitcast %add3A_560 : vector<16xf32> to vector<16xi32>
        %shift_right_arithmetic3A = arith.constant 1 : i32
        %shift_right_arithmetic3A_561 = vector.broadcast %shift_right_arithmetic3A : i32 to vector<16xi32>
        %shift_right_arithmetic3A_562 = arith.shrsi %bitcast3A, %shift_right_arithmetic3A_561 : vector<16xi32>
        %sub3A = arith.constant 1597463007 : i32
        %sub3A_563 = vector.broadcast %sub3A : i32 to vector<16xi32>
        %sub3A_564 = arith.subi %sub3A_563, %shift_right_arithmetic3A_562 : vector<16xi32>
        %bitcast3A_565 = vector.bitcast %sub3A_564 : vector<16xi32> to vector<16xf32>
        %mul3A_566 = arith.constant 5.000000e-01 : f32
        %mul3A_567 = vector.broadcast %mul3A_566 : f32 to vector<16xf32>
        %mul3A_568 = arith.mulf %mul3A_567, %add3A_560 : vector<16xf32>
        %mul3A_569 = arith.mulf %mul3A_568, %bitcast3A_565 : vector<16xf32>
        %mul3A_570 = arith.mulf %mul3A_569, %bitcast3A_565 : vector<16xf32>
        %sub3A_571 = arith.constant 1.500000e+00 : f32
        %sub3A_572 = vector.broadcast %sub3A_571 : f32 to vector<16xf32>
        %sub3A_573 = arith.subf %sub3A_572, %mul3A_570 : vector<16xf32>
        %mul3A_574 = arith.mulf %bitcast3A_565, %sub3A_573 : vector<16xf32>
        %mul3A_575 = arith.constant 5.000000e-01 : f32
        %mul3A_576 = vector.broadcast %mul3A_575 : f32 to vector<16xf32>
        %mul3A_577 = arith.mulf %mul3A_576, %add3A_560 : vector<16xf32>
        %mul3A_578 = arith.mulf %mul3A_577, %mul3A_574 : vector<16xf32>
        %mul3A_579 = arith.mulf %mul3A_578, %mul3A_574 : vector<16xf32>
        %sub3A_580 = arith.constant 1.500000e+00 : f32
        %sub3A_581 = vector.broadcast %sub3A_580 : f32 to vector<16xf32>
        %sub3A_582 = arith.subf %sub3A_581, %mul3A_579 : vector<16xf32>
        %mul3A_583 = arith.mulf %mul3A_574, %sub3A_582 : vector<16xf32>
        %gt3A = arith.constant 1.000000e+00 : f32
        %gt3A_584 = vector.broadcast %gt3A : f32 to vector<16xf32>
        %gt3A_585 = arith.cmpf ogt, %add3A_560, %gt3A_584 : vector<16xf32>
        %jit3A = arith.constant 1.000000e+00 : f32
        %broadcast_in_dim3A_586 = vector.broadcast %jit3A : f32 to vector<16xf32>
        %select_n3A = arith.select %gt3A_585, %mul3A_583, %broadcast_in_dim3A_586 : vector<16xi1>, vector<16xf32>
        %add3A_587 = arith.constant 0 : i32
        %add3A_588 = vector.broadcast %add3A_587 : i32 to vector<16xi32>
        %add3A_589 = arith.addi %iota3A, %add3A_588 : vector<16xi32>
        %and3A_590 = arith.constant 31 : i32
        %and3A_591 = vector.broadcast %and3A_590 : i32 to vector<16xi32>
        %and3A_592 = arith.andi %add3A_589, %and3A_591 : vector<16xi32>
        %mul3A_593 = arith.mulf %gather3A, %select_n3A : vector<16xf32>
        tpu.vector_store_idx %arg9[%add3A_264, %and3A_592], %mul3A_593 : memref<512x32xf32, #tpu.memory_space<vmem>>[vector<16xi32>, vector<16xi32>], vector<16xf32>,
        %add3A_594 = arith.constant 1 : i32
        %add3A_595 = vector.broadcast %add3A_594 : i32 to vector<16xi32>
        %add3A_596 = arith.addi %iota3A, %add3A_595 : vector<16xi32>
        %and3A_597 = arith.constant 31 : i32
        %and3A_598 = vector.broadcast %and3A_597 : i32 to vector<16xi32>
        %and3A_599 = arith.andi %add3A_596, %and3A_598 : vector<16xi32>
        %mul3A_600 = arith.mulf %gather3A_285, %select_n3A : vector<16xf32>
        tpu.vector_store_idx %arg9[%add3A_264, %and3A_599], %mul3A_600 : memref<512x32xf32, #tpu.memory_space<vmem>>[vector<16xi32>, vector<16xi32>], vector<16xf32>,
        %add3A_601 = arith.constant 2 : i32
        %add3A_602 = vector.broadcast %add3A_601 : i32 to vector<16xi32>
        %add3A_603 = arith.addi %iota3A, %add3A_602 : vector<16xi32>
        %and3A_604 = arith.constant 31 : i32
        %and3A_605 = vector.broadcast %and3A_604 : i32 to vector<16xi32>
        %and3A_606 = arith.andi %add3A_603, %and3A_605 : vector<16xi32>
        %mul3A_607 = arith.mulf %gather3A_294, %select_n3A : vector<16xf32>
        tpu.vector_store_idx %arg9[%add3A_264, %and3A_606], %mul3A_607 : memref<512x32xf32, #tpu.memory_space<vmem>>[vector<16xi32>, vector<16xi32>], vector<16xf32>,
        %add3A_608 = arith.constant 3 : i32
        %add3A_609 = vector.broadcast %add3A_608 : i32 to vector<16xi32>
        %add3A_610 = arith.addi %iota3A, %add3A_609 : vector<16xi32>
        %and3A_611 = arith.constant 31 : i32
        %and3A_612 = vector.broadcast %and3A_611 : i32 to vector<16xi32>
        %and3A_613 = arith.andi %add3A_610, %and3A_612 : vector<16xi32>
        %mul3A_614 = arith.mulf %gather3A_303, %select_n3A : vector<16xf32>
        tpu.vector_store_idx %arg9[%add3A_264, %and3A_613], %mul3A_614 : memref<512x32xf32, #tpu.memory_space<vmem>>[vector<16xi32>, vector<16xi32>], vector<16xf32>,
        %add3A_615 = arith.constant 4 : i32
        %add3A_616 = vector.broadcast %add3A_615 : i32 to vector<16xi32>
        %add3A_617 = arith.addi %iota3A, %add3A_616 : vector<16xi32>
        %and3A_618 = arith.constant 31 : i32
        %and3A_619 = vector.broadcast %and3A_618 : i32 to vector<16xi32>
        %and3A_620 = arith.andi %add3A_617, %and3A_619 : vector<16xi32>
        %mul3A_621 = arith.mulf %gather3A_312, %select_n3A : vector<16xf32>
        tpu.vector_store_idx %arg9[%add3A_264, %and3A_620], %mul3A_621 : memref<512x32xf32, #tpu.memory_space<vmem>>[vector<16xi32>, vector<16xi32>], vector<16xf32>,
        %add3A_622 = arith.constant 5 : i32
        %add3A_623 = vector.broadcast %add3A_622 : i32 to vector<16xi32>
        %add3A_624 = arith.addi %iota3A, %add3A_623 : vector<16xi32>
        %and3A_625 = arith.constant 31 : i32
        %and3A_626 = vector.broadcast %and3A_625 : i32 to vector<16xi32>
        %and3A_627 = arith.andi %add3A_624, %and3A_626 : vector<16xi32>
        %mul3A_628 = arith.mulf %gather3A_321, %select_n3A : vector<16xf32>
        tpu.vector_store_idx %arg9[%add3A_264, %and3A_627], %mul3A_628 : memref<512x32xf32, #tpu.memory_space<vmem>>[vector<16xi32>, vector<16xi32>], vector<16xf32>,
        %add3A_629 = arith.constant 6 : i32
        %add3A_630 = vector.broadcast %add3A_629 : i32 to vector<16xi32>
        %add3A_631 = arith.addi %iota3A, %add3A_630 : vector<16xi32>
        %and3A_632 = arith.constant 31 : i32
        %and3A_633 = vector.broadcast %and3A_632 : i32 to vector<16xi32>
        %and3A_634 = arith.andi %add3A_631, %and3A_633 : vector<16xi32>
        %mul3A_635 = arith.mulf %gather3A_330, %select_n3A : vector<16xf32>
        tpu.vector_store_idx %arg9[%add3A_264, %and3A_634], %mul3A_635 : memref<512x32xf32, #tpu.memory_space<vmem>>[vector<16xi32>, vector<16xi32>], vector<16xf32>,
        %add3A_636 = arith.constant 7 : i32
        %add3A_637 = vector.broadcast %add3A_636 : i32 to vector<16xi32>
        %add3A_638 = arith.addi %iota3A, %add3A_637 : vector<16xi32>
        %and3A_639 = arith.constant 31 : i32
        %and3A_640 = vector.broadcast %and3A_639 : i32 to vector<16xi32>
        %and3A_641 = arith.andi %add3A_638, %and3A_640 : vector<16xi32>
        %mul3A_642 = arith.mulf %gather3A_339, %select_n3A : vector<16xf32>
        tpu.vector_store_idx %arg9[%add3A_264, %and3A_641], %mul3A_642 : memref<512x32xf32, #tpu.memory_space<vmem>>[vector<16xi32>, vector<16xi32>], vector<16xf32>,
        %add3A_643 = arith.constant 8 : i32
        %add3A_644 = vector.broadcast %add3A_643 : i32 to vector<16xi32>
        %add3A_645 = arith.addi %iota3A, %add3A_644 : vector<16xi32>
        %and3A_646 = arith.constant 31 : i32
        %and3A_647 = vector.broadcast %and3A_646 : i32 to vector<16xi32>
        %and3A_648 = arith.andi %add3A_645, %and3A_647 : vector<16xi32>
        %mul3A_649 = arith.mulf %gather3A_348, %select_n3A : vector<16xf32>
        tpu.vector_store_idx %arg9[%add3A_264, %and3A_648], %mul3A_649 : memref<512x32xf32, #tpu.memory_space<vmem>>[vector<16xi32>, vector<16xi32>], vector<16xf32>,
        %add3A_650 = arith.constant 9 : i32
        %add3A_651 = vector.broadcast %add3A_650 : i32 to vector<16xi32>
        %add3A_652 = arith.addi %iota3A, %add3A_651 : vector<16xi32>
        %and3A_653 = arith.constant 31 : i32
        %and3A_654 = vector.broadcast %and3A_653 : i32 to vector<16xi32>
        %and3A_655 = arith.andi %add3A_652, %and3A_654 : vector<16xi32>
        %mul3A_656 = arith.mulf %gather3A_357, %select_n3A : vector<16xf32>
        tpu.vector_store_idx %arg9[%add3A_264, %and3A_655], %mul3A_656 : memref<512x32xf32, #tpu.memory_space<vmem>>[vector<16xi32>, vector<16xi32>], vector<16xf32>,
        %add3A_657 = arith.constant 10 : i32
        %add3A_658 = vector.broadcast %add3A_657 : i32 to vector<16xi32>
        %add3A_659 = arith.addi %iota3A, %add3A_658 : vector<16xi32>
        %and3A_660 = arith.constant 31 : i32
        %and3A_661 = vector.broadcast %and3A_660 : i32 to vector<16xi32>
        %and3A_662 = arith.andi %add3A_659, %and3A_661 : vector<16xi32>
        %mul3A_663 = arith.mulf %gather3A_366, %select_n3A : vector<16xf32>
        tpu.vector_store_idx %arg9[%add3A_264, %and3A_662], %mul3A_663 : memref<512x32xf32, #tpu.memory_space<vmem>>[vector<16xi32>, vector<16xi32>], vector<16xf32>,
        %add3A_664 = arith.constant 11 : i32
        %add3A_665 = vector.broadcast %add3A_664 : i32 to vector<16xi32>
        %add3A_666 = arith.addi %iota3A, %add3A_665 : vector<16xi32>
        %and3A_667 = arith.constant 31 : i32
        %and3A_668 = vector.broadcast %and3A_667 : i32 to vector<16xi32>
        %and3A_669 = arith.andi %add3A_666, %and3A_668 : vector<16xi32>
        %mul3A_670 = arith.mulf %gather3A_375, %select_n3A : vector<16xf32>
        tpu.vector_store_idx %arg9[%add3A_264, %and3A_669], %mul3A_670 : memref<512x32xf32, #tpu.memory_space<vmem>>[vector<16xi32>, vector<16xi32>], vector<16xf32>,
        %add3A_671 = arith.constant 12 : i32
        %add3A_672 = vector.broadcast %add3A_671 : i32 to vector<16xi32>
        %add3A_673 = arith.addi %iota3A, %add3A_672 : vector<16xi32>
        %and3A_674 = arith.constant 31 : i32
        %and3A_675 = vector.broadcast %and3A_674 : i32 to vector<16xi32>
        %and3A_676 = arith.andi %add3A_673, %and3A_675 : vector<16xi32>
        %mul3A_677 = arith.mulf %gather3A_384, %select_n3A : vector<16xf32>
        tpu.vector_store_idx %arg9[%add3A_264, %and3A_676], %mul3A_677 : memref<512x32xf32, #tpu.memory_space<vmem>>[vector<16xi32>, vector<16xi32>], vector<16xf32>,
        %add3A_678 = arith.constant 13 : i32
        %add3A_679 = vector.broadcast %add3A_678 : i32 to vector<16xi32>
        %add3A_680 = arith.addi %iota3A, %add3A_679 : vector<16xi32>
        %and3A_681 = arith.constant 31 : i32
        %and3A_682 = vector.broadcast %and3A_681 : i32 to vector<16xi32>
        %and3A_683 = arith.andi %add3A_680, %and3A_682 : vector<16xi32>
        %mul3A_684 = arith.mulf %gather3A_393, %select_n3A : vector<16xf32>
        tpu.vector_store_idx %arg9[%add3A_264, %and3A_683], %mul3A_684 : memref<512x32xf32, #tpu.memory_space<vmem>>[vector<16xi32>, vector<16xi32>], vector<16xf32>,
        %add3A_685 = arith.constant 14 : i32
        %add3A_686 = vector.broadcast %add3A_685 : i32 to vector<16xi32>
        %add3A_687 = arith.addi %iota3A, %add3A_686 : vector<16xi32>
        %and3A_688 = arith.constant 31 : i32
        %and3A_689 = vector.broadcast %and3A_688 : i32 to vector<16xi32>
        %and3A_690 = arith.andi %add3A_687, %and3A_689 : vector<16xi32>
        %mul3A_691 = arith.mulf %gather3A_402, %select_n3A : vector<16xf32>
        tpu.vector_store_idx %arg9[%add3A_264, %and3A_690], %mul3A_691 : memref<512x32xf32, #tpu.memory_space<vmem>>[vector<16xi32>, vector<16xi32>], vector<16xf32>,
        %add3A_692 = arith.constant 15 : i32
        %add3A_693 = vector.broadcast %add3A_692 : i32 to vector<16xi32>
        %add3A_694 = arith.addi %iota3A, %add3A_693 : vector<16xi32>
        %and3A_695 = arith.constant 31 : i32
        %and3A_696 = vector.broadcast %and3A_695 : i32 to vector<16xi32>
        %and3A_697 = arith.andi %add3A_694, %and3A_696 : vector<16xi32>
        %mul3A_698 = arith.mulf %gather3A_411, %select_n3A : vector<16xf32>
        tpu.vector_store_idx %arg9[%add3A_264, %and3A_697], %mul3A_698 : memref<512x32xf32, #tpu.memory_space<vmem>>[vector<16xi32>, vector<16xi32>], vector<16xf32>,
        %add3A_699 = arith.constant 16 : i32
        %add3A_700 = vector.broadcast %add3A_699 : i32 to vector<16xi32>
        %add3A_701 = arith.addi %iota3A, %add3A_700 : vector<16xi32>
        %and3A_702 = arith.constant 31 : i32
        %and3A_703 = vector.broadcast %and3A_702 : i32 to vector<16xi32>
        %and3A_704 = arith.andi %add3A_701, %and3A_703 : vector<16xi32>
        %mul3A_705 = arith.mulf %gather3A_420, %select_n3A : vector<16xf32>
        tpu.vector_store_idx %arg9[%add3A_264, %and3A_704], %mul3A_705 : memref<512x32xf32, #tpu.memory_space<vmem>>[vector<16xi32>, vector<16xi32>], vector<16xf32>,
        %add3A_706 = arith.constant 17 : i32
        %add3A_707 = vector.broadcast %add3A_706 : i32 to vector<16xi32>
        %add3A_708 = arith.addi %iota3A, %add3A_707 : vector<16xi32>
        %and3A_709 = arith.constant 31 : i32
        %and3A_710 = vector.broadcast %and3A_709 : i32 to vector<16xi32>
        %and3A_711 = arith.andi %add3A_708, %and3A_710 : vector<16xi32>
        %mul3A_712 = arith.mulf %gather3A_429, %select_n3A : vector<16xf32>
        tpu.vector_store_idx %arg9[%add3A_264, %and3A_711], %mul3A_712 : memref<512x32xf32, #tpu.memory_space<vmem>>[vector<16xi32>, vector<16xi32>], vector<16xf32>,
        %add3A_713 = arith.constant 18 : i32
        %add3A_714 = vector.broadcast %add3A_713 : i32 to vector<16xi32>
        %add3A_715 = arith.addi %iota3A, %add3A_714 : vector<16xi32>
        %and3A_716 = arith.constant 31 : i32
        %and3A_717 = vector.broadcast %and3A_716 : i32 to vector<16xi32>
        %and3A_718 = arith.andi %add3A_715, %and3A_717 : vector<16xi32>
        %mul3A_719 = arith.mulf %gather3A_438, %select_n3A : vector<16xf32>
        tpu.vector_store_idx %arg9[%add3A_264, %and3A_718], %mul3A_719 : memref<512x32xf32, #tpu.memory_space<vmem>>[vector<16xi32>, vector<16xi32>], vector<16xf32>,
        %add3A_720 = arith.constant 19 : i32
        %add3A_721 = vector.broadcast %add3A_720 : i32 to vector<16xi32>
        %add3A_722 = arith.addi %iota3A, %add3A_721 : vector<16xi32>
        %and3A_723 = arith.constant 31 : i32
        %and3A_724 = vector.broadcast %and3A_723 : i32 to vector<16xi32>
        %and3A_725 = arith.andi %add3A_722, %and3A_724 : vector<16xi32>
        %mul3A_726 = arith.mulf %gather3A_447, %select_n3A : vector<16xf32>
        tpu.vector_store_idx %arg9[%add3A_264, %and3A_725], %mul3A_726 : memref<512x32xf32, #tpu.memory_space<vmem>>[vector<16xi32>, vector<16xi32>], vector<16xf32>,
        %add3A_727 = arith.constant 20 : i32
        %add3A_728 = vector.broadcast %add3A_727 : i32 to vector<16xi32>
        %add3A_729 = arith.addi %iota3A, %add3A_728 : vector<16xi32>
        %and3A_730 = arith.constant 31 : i32
        %and3A_731 = vector.broadcast %and3A_730 : i32 to vector<16xi32>
        %and3A_732 = arith.andi %add3A_729, %and3A_731 : vector<16xi32>
        %mul3A_733 = arith.mulf %gather3A_456, %select_n3A : vector<16xf32>
        tpu.vector_store_idx %arg9[%add3A_264, %and3A_732], %mul3A_733 : memref<512x32xf32, #tpu.memory_space<vmem>>[vector<16xi32>, vector<16xi32>], vector<16xf32>,
        %add3A_734 = arith.constant 21 : i32
        %add3A_735 = vector.broadcast %add3A_734 : i32 to vector<16xi32>
        %add3A_736 = arith.addi %iota3A, %add3A_735 : vector<16xi32>
        %and3A_737 = arith.constant 31 : i32
        %and3A_738 = vector.broadcast %and3A_737 : i32 to vector<16xi32>
        %and3A_739 = arith.andi %add3A_736, %and3A_738 : vector<16xi32>
        %mul3A_740 = arith.mulf %gather3A_465, %select_n3A : vector<16xf32>
        tpu.vector_store_idx %arg9[%add3A_264, %and3A_739], %mul3A_740 : memref<512x32xf32, #tpu.memory_space<vmem>>[vector<16xi32>, vector<16xi32>], vector<16xf32>,
        %add3A_741 = arith.constant 22 : i32
        %add3A_742 = vector.broadcast %add3A_741 : i32 to vector<16xi32>
        %add3A_743 = arith.addi %iota3A, %add3A_742 : vector<16xi32>
        %and3A_744 = arith.constant 31 : i32
        %and3A_745 = vector.broadcast %and3A_744 : i32 to vector<16xi32>
        %and3A_746 = arith.andi %add3A_743, %and3A_745 : vector<16xi32>
        %mul3A_747 = arith.mulf %gather3A_474, %select_n3A : vector<16xf32>
        tpu.vector_store_idx %arg9[%add3A_264, %and3A_746], %mul3A_747 : memref<512x32xf32, #tpu.memory_space<vmem>>[vector<16xi32>, vector<16xi32>], vector<16xf32>,
        %add3A_748 = arith.constant 23 : i32
        %add3A_749 = vector.broadcast %add3A_748 : i32 to vector<16xi32>
        %add3A_750 = arith.addi %iota3A, %add3A_749 : vector<16xi32>
        %and3A_751 = arith.constant 31 : i32
        %and3A_752 = vector.broadcast %and3A_751 : i32 to vector<16xi32>
        %and3A_753 = arith.andi %add3A_750, %and3A_752 : vector<16xi32>
        %mul3A_754 = arith.mulf %gather3A_483, %select_n3A : vector<16xf32>
        tpu.vector_store_idx %arg9[%add3A_264, %and3A_753], %mul3A_754 : memref<512x32xf32, #tpu.memory_space<vmem>>[vector<16xi32>, vector<16xi32>], vector<16xf32>,
        %add3A_755 = arith.constant 24 : i32
        %add3A_756 = vector.broadcast %add3A_755 : i32 to vector<16xi32>
        %add3A_757 = arith.addi %iota3A, %add3A_756 : vector<16xi32>
        %and3A_758 = arith.constant 31 : i32
        %and3A_759 = vector.broadcast %and3A_758 : i32 to vector<16xi32>
        %and3A_760 = arith.andi %add3A_757, %and3A_759 : vector<16xi32>
        %mul3A_761 = arith.mulf %gather3A_492, %select_n3A : vector<16xf32>
        tpu.vector_store_idx %arg9[%add3A_264, %and3A_760], %mul3A_761 : memref<512x32xf32, #tpu.memory_space<vmem>>[vector<16xi32>, vector<16xi32>], vector<16xf32>,
        %add3A_762 = arith.constant 25 : i32
        %add3A_763 = vector.broadcast %add3A_762 : i32 to vector<16xi32>
        %add3A_764 = arith.addi %iota3A, %add3A_763 : vector<16xi32>
        %and3A_765 = arith.constant 31 : i32
        %and3A_766 = vector.broadcast %and3A_765 : i32 to vector<16xi32>
        %and3A_767 = arith.andi %add3A_764, %and3A_766 : vector<16xi32>
        %mul3A_768 = arith.mulf %gather3A_501, %select_n3A : vector<16xf32>
        tpu.vector_store_idx %arg9[%add3A_264, %and3A_767], %mul3A_768 : memref<512x32xf32, #tpu.memory_space<vmem>>[vector<16xi32>, vector<16xi32>], vector<16xf32>,
        %add3A_769 = arith.constant 26 : i32
        %add3A_770 = vector.broadcast %add3A_769 : i32 to vector<16xi32>
        %add3A_771 = arith.addi %iota3A, %add3A_770 : vector<16xi32>
        %and3A_772 = arith.constant 31 : i32
        %and3A_773 = vector.broadcast %and3A_772 : i32 to vector<16xi32>
        %and3A_774 = arith.andi %add3A_771, %and3A_773 : vector<16xi32>
        %mul3A_775 = arith.mulf %gather3A_510, %select_n3A : vector<16xf32>
        tpu.vector_store_idx %arg9[%add3A_264, %and3A_774], %mul3A_775 : memref<512x32xf32, #tpu.memory_space<vmem>>[vector<16xi32>, vector<16xi32>], vector<16xf32>,
        %add3A_776 = arith.constant 27 : i32
        %add3A_777 = vector.broadcast %add3A_776 : i32 to vector<16xi32>
        %add3A_778 = arith.addi %iota3A, %add3A_777 : vector<16xi32>
        %and3A_779 = arith.constant 31 : i32
        %and3A_780 = vector.broadcast %and3A_779 : i32 to vector<16xi32>
        %and3A_781 = arith.andi %add3A_778, %and3A_780 : vector<16xi32>
        %mul3A_782 = arith.mulf %gather3A_519, %select_n3A : vector<16xf32>
        tpu.vector_store_idx %arg9[%add3A_264, %and3A_781], %mul3A_782 : memref<512x32xf32, #tpu.memory_space<vmem>>[vector<16xi32>, vector<16xi32>], vector<16xf32>,
        %add3A_783 = arith.constant 28 : i32
        %add3A_784 = vector.broadcast %add3A_783 : i32 to vector<16xi32>
        %add3A_785 = arith.addi %iota3A, %add3A_784 : vector<16xi32>
        %and3A_786 = arith.constant 31 : i32
        %and3A_787 = vector.broadcast %and3A_786 : i32 to vector<16xi32>
        %and3A_788 = arith.andi %add3A_785, %and3A_787 : vector<16xi32>
        %mul3A_789 = arith.mulf %gather3A_528, %select_n3A : vector<16xf32>
        tpu.vector_store_idx %arg9[%add3A_264, %and3A_788], %mul3A_789 : memref<512x32xf32, #tpu.memory_space<vmem>>[vector<16xi32>, vector<16xi32>], vector<16xf32>,
        %add3A_790 = arith.constant 29 : i32
        %add3A_791 = vector.broadcast %add3A_790 : i32 to vector<16xi32>
        %add3A_792 = arith.addi %iota3A, %add3A_791 : vector<16xi32>
        %and3A_793 = arith.constant 31 : i32
        %and3A_794 = vector.broadcast %and3A_793 : i32 to vector<16xi32>
        %and3A_795 = arith.andi %add3A_792, %and3A_794 : vector<16xi32>
        %mul3A_796 = arith.mulf %gather3A_537, %select_n3A : vector<16xf32>
        tpu.vector_store_idx %arg9[%add3A_264, %and3A_795], %mul3A_796 : memref<512x32xf32, #tpu.memory_space<vmem>>[vector<16xi32>, vector<16xi32>], vector<16xf32>,
        %add3A_797 = arith.constant 30 : i32
        %add3A_798 = vector.broadcast %add3A_797 : i32 to vector<16xi32>
        %add3A_799 = arith.addi %iota3A, %add3A_798 : vector<16xi32>
        %and3A_800 = arith.constant 31 : i32
        %and3A_801 = vector.broadcast %and3A_800 : i32 to vector<16xi32>
        %and3A_802 = arith.andi %add3A_799, %and3A_801 : vector<16xi32>
        %mul3A_803 = arith.mulf %gather3A_546, %select_n3A : vector<16xf32>
        tpu.vector_store_idx %arg9[%add3A_264, %and3A_802], %mul3A_803 : memref<512x32xf32, #tpu.memory_space<vmem>>[vector<16xi32>, vector<16xi32>], vector<16xf32>,
        %add3A_804 = arith.constant 31 : i32
        %add3A_805 = vector.broadcast %add3A_804 : i32 to vector<16xi32>
        %add3A_806 = arith.addi %iota3A, %add3A_805 : vector<16xi32>
        %and3A_807 = arith.constant 31 : i32
        %and3A_808 = vector.broadcast %and3A_807 : i32 to vector<16xi32>
        %and3A_809 = arith.andi %add3A_806, %and3A_808 : vector<16xi32>
        %mul3A_810 = arith.mulf %gather3A_555, %select_n3A : vector<16xf32>
        tpu.vector_store_idx %arg9[%add3A_264, %and3A_809], %mul3A_810 : memref<512x32xf32, #tpu.memory_space<vmem>>[vector<16xi32>, vector<16xi32>], vector<16xf32>,
      }
      %scan3A_243 = arith.constant 32 : i32
      %mul3A_244 = arith.constant 512 : i32
      %mul3A_245 = arith.muli %add3A_181, %mul3A_244 : i32
      %add3A_246 = arith.addi %mul3A_2, %mul3A_245 : i32
      %dma_start3A_247 = arith.constant 0 : i32
      %dma_start3A_248 = tpu.memref_slice %arg4[%add3A_246, %dma_start3A_247] : memref<425984x32xf32, #tpu.memory_space<hbm>> -> memref<512x32xf32, #tpu.memory_space<hbm>>
      %dma_start3A_249 = arith.constant 0 : i32
      %dma_start3A_250 = tpu.memref_slice %arg4[%add3A_246, %dma_start3A_249] : memref<425984x32xf32, #tpu.memory_space<hbm>> -> memref<512x32xf32, #tpu.memory_space<hbm>>
      tpu.enqueue_dma source(%arg9 : memref<512x32xf32, #tpu.memory_space<vmem>>) target(%dma_start3A_250 : memref<512x32xf32, #tpu.memory_space<hbm>>) target_semaphore(%arg13 : memref<!tpu.dma_semaphore, #tpu.memory_space<semaphore_mem>>)
      %lt3A_251 = arith.constant 12 : i32
      %lt3A_252 = arith.cmpi slt, %add3A_103, %lt3A_251 : i32
      %convert_element_type3A_253 = arith.extui %lt3A_252 : i1 to i32
      %cond3A_254 = arith.constant 0 : i32
      %cond3A_255 = arith.cmpi ne, %convert_element_type3A_253, %cond3A_254 : i32
      scf.if %cond3A_255 {
        %add3A_256 = arith.constant 2 : i32
        %add3A_257 = arith.addi %add3A_181, %add3A_256 : i32
        %mul3A_258 = arith.constant 4 : i32
        %mul3A_259 = arith.muli %add3A_257, %mul3A_258 : i32
        %add3A_260 = arith.constant 0 : i32
        %add3A_261 = arith.addi %mul3A_259, %add3A_260 : i32
        %dma_start3A_262 = arith.constant 0 : i32
        %dma_start3A_263 = arith.constant 0 : i32
        %dma_start3A_264 = tpu.memref_slice %arg7[%dma_start3A_262, %dma_start3A_263] : memref<512x32xf32, #tpu.memory_space<vmem>> -> memref<128x32xf32, #tpu.memory_space<vmem>>
        %dma_start3A_265 = arith.constant 0 : i32
        %dma_start3A_266 = tpu.memref_slice %arg5[%add3A_261, %dma_start3A_265] : memref<104x128xi32, #tpu.memory_space<vmem>> -> memref<1x128xi32, #tpu.memory_space<vmem>>
        %dma_start3A_267 = tpu.memref_squeeze %dma_start3A_266 : memref<1x128xi32, #tpu.memory_space<vmem>> -> memref<128xi32, #tpu.memory_space<vmem>>
        %dma_start3A_268 = arith.constant 0 : i32
        %dma_start3A_269 = arith.constant 0 : i32
        %dma_start3A_270 = tpu.memref_slice %arg3[%dma_start3A_268, %dma_start3A_269] : memref<1000000x32xf32, #tpu.memory_space<hbm>> -> memref<1000000x32xf32, #tpu.memory_space<hbm>>
        tpu.enqueue_indirect_dma source(%dma_start3A_270 : memref<1000000x32xf32, #tpu.memory_space<hbm>>) target(%dma_start3A_264 : memref<128x32xf32, #tpu.memory_space<vmem>>) offsets(%dma_start3A_267 : memref<128xi32, #tpu.memory_space<vmem>>) semaphore(%arg11 : memref<!tpu.dma_semaphore, #tpu.memory_space<semaphore_mem>>)
        %mul3A_271 = arith.constant 4 : i32
        %mul3A_272 = arith.muli %add3A_257, %mul3A_271 : i32
        %add3A_273 = arith.constant 1 : i32
        %add3A_274 = arith.addi %mul3A_272, %add3A_273 : i32
        %dma_start3A_275 = arith.constant 128 : i32
        %dma_start3A_276 = arith.constant 0 : i32
        %dma_start3A_277 = tpu.memref_slice %arg7[%dma_start3A_275, %dma_start3A_276] : memref<512x32xf32, #tpu.memory_space<vmem>> -> memref<128x32xf32, #tpu.memory_space<vmem>>
        %dma_start3A_278 = arith.constant 0 : i32
        %dma_start3A_279 = tpu.memref_slice %arg5[%add3A_274, %dma_start3A_278] : memref<104x128xi32, #tpu.memory_space<vmem>> -> memref<1x128xi32, #tpu.memory_space<vmem>>
        %dma_start3A_280 = tpu.memref_squeeze %dma_start3A_279 : memref<1x128xi32, #tpu.memory_space<vmem>> -> memref<128xi32, #tpu.memory_space<vmem>>
        %dma_start3A_281 = arith.constant 0 : i32
        %dma_start3A_282 = arith.constant 0 : i32
        %dma_start3A_283 = tpu.memref_slice %arg3[%dma_start3A_281, %dma_start3A_282] : memref<1000000x32xf32, #tpu.memory_space<hbm>> -> memref<1000000x32xf32, #tpu.memory_space<hbm>>
        tpu.enqueue_indirect_dma source(%dma_start3A_283 : memref<1000000x32xf32, #tpu.memory_space<hbm>>) target(%dma_start3A_277 : memref<128x32xf32, #tpu.memory_space<vmem>>) offsets(%dma_start3A_280 : memref<128xi32, #tpu.memory_space<vmem>>) semaphore(%arg11 : memref<!tpu.dma_semaphore, #tpu.memory_space<semaphore_mem>>)
        %mul3A_284 = arith.constant 4 : i32
        %mul3A_285 = arith.muli %add3A_257, %mul3A_284 : i32
        %add3A_286 = arith.constant 2 : i32
        %add3A_287 = arith.addi %mul3A_285, %add3A_286 : i32
        %dma_start3A_288 = arith.constant 256 : i32
        %dma_start3A_289 = arith.constant 0 : i32
        %dma_start3A_290 = tpu.memref_slice %arg7[%dma_start3A_288, %dma_start3A_289] : memref<512x32xf32, #tpu.memory_space<vmem>> -> memref<128x32xf32, #tpu.memory_space<vmem>>
        %dma_start3A_291 = arith.constant 0 : i32
        %dma_start3A_292 = tpu.memref_slice %arg5[%add3A_287, %dma_start3A_291] : memref<104x128xi32, #tpu.memory_space<vmem>> -> memref<1x128xi32, #tpu.memory_space<vmem>>
        %dma_start3A_293 = tpu.memref_squeeze %dma_start3A_292 : memref<1x128xi32, #tpu.memory_space<vmem>> -> memref<128xi32, #tpu.memory_space<vmem>>
        %dma_start3A_294 = arith.constant 0 : i32
        %dma_start3A_295 = arith.constant 0 : i32
        %dma_start3A_296 = tpu.memref_slice %arg3[%dma_start3A_294, %dma_start3A_295] : memref<1000000x32xf32, #tpu.memory_space<hbm>> -> memref<1000000x32xf32, #tpu.memory_space<hbm>>
        tpu.enqueue_indirect_dma source(%dma_start3A_296 : memref<1000000x32xf32, #tpu.memory_space<hbm>>) target(%dma_start3A_290 : memref<128x32xf32, #tpu.memory_space<vmem>>) offsets(%dma_start3A_293 : memref<128xi32, #tpu.memory_space<vmem>>) semaphore(%arg11 : memref<!tpu.dma_semaphore, #tpu.memory_space<semaphore_mem>>)
        %mul3A_297 = arith.constant 4 : i32
        %mul3A_298 = arith.muli %add3A_257, %mul3A_297 : i32
        %add3A_299 = arith.constant 3 : i32
        %add3A_300 = arith.addi %mul3A_298, %add3A_299 : i32
        %dma_start3A_301 = arith.constant 384 : i32
        %dma_start3A_302 = arith.constant 0 : i32
        %dma_start3A_303 = tpu.memref_slice %arg7[%dma_start3A_301, %dma_start3A_302] : memref<512x32xf32, #tpu.memory_space<vmem>> -> memref<128x32xf32, #tpu.memory_space<vmem>>
        %dma_start3A_304 = arith.constant 0 : i32
        %dma_start3A_305 = tpu.memref_slice %arg5[%add3A_300, %dma_start3A_304] : memref<104x128xi32, #tpu.memory_space<vmem>> -> memref<1x128xi32, #tpu.memory_space<vmem>>
        %dma_start3A_306 = tpu.memref_squeeze %dma_start3A_305 : memref<1x128xi32, #tpu.memory_space<vmem>> -> memref<128xi32, #tpu.memory_space<vmem>>
        %dma_start3A_307 = arith.constant 0 : i32
        %dma_start3A_308 = arith.constant 0 : i32
        %dma_start3A_309 = tpu.memref_slice %arg3[%dma_start3A_307, %dma_start3A_308] : memref<1000000x32xf32, #tpu.memory_space<hbm>> -> memref<1000000x32xf32, #tpu.memory_space<hbm>>
        tpu.enqueue_indirect_dma source(%dma_start3A_309 : memref<1000000x32xf32, #tpu.memory_space<hbm>>) target(%dma_start3A_303 : memref<128x32xf32, #tpu.memory_space<vmem>>) offsets(%dma_start3A_306 : memref<128xi32, #tpu.memory_space<vmem>>) semaphore(%arg11 : memref<!tpu.dma_semaphore, #tpu.memory_space<semaphore_mem>>)
      } else {
      }
    }
    %scan3A_87 = arith.constant 13 : i32
    %add3A_88 = arith.constant 12288 : i32
    %add3A_89 = arith.addi %mul3A_2, %add3A_88 : i32
    %dma_wait3A = arith.constant 0 : i32
    %dma_wait3A_90 = tpu.memref_slice %arg4[%add3A_89, %dma_wait3A] : memref<425984x32xf32, #tpu.memory_space<hbm>> -> memref<512x32xf32, #tpu.memory_space<hbm>>
    %dma_wait3A_91 = arith.constant 0 : i32
    %dma_wait3A_92 = tpu.memref_slice %arg4[%add3A_89, %dma_wait3A_91] : memref<425984x32xf32, #tpu.memory_space<hbm>> -> memref<512x32xf32, #tpu.memory_space<hbm>>
    tpu.wait_dma2 semaphore(%arg12 : memref<!tpu.dma_semaphore, #tpu.memory_space<semaphore_mem>>) src(%arg8 : memref<512x32xf32, #tpu.memory_space<vmem>>) dst(%dma_wait3A_92 : memref<512x32xf32, #tpu.memory_space<hbm>>)
    %add3A_93 = arith.constant 12800 : i32
    %add3A_94 = arith.addi %mul3A_2, %add3A_93 : i32
    %dma_wait3A_95 = arith.constant 0 : i32
    %dma_wait3A_96 = tpu.memref_slice %arg4[%add3A_94, %dma_wait3A_95] : memref<425984x32xf32, #tpu.memory_space<hbm>> -> memref<512x32xf32, #tpu.memory_space<hbm>>
    %dma_wait3A_97 = arith.constant 0 : i32
    %dma_wait3A_98 = tpu.memref_slice %arg4[%add3A_94, %dma_wait3A_97] : memref<425984x32xf32, #tpu.memory_space<hbm>> -> memref<512x32xf32, #tpu.memory_space<hbm>>
    tpu.wait_dma2 semaphore(%arg13 : memref<!tpu.dma_semaphore, #tpu.memory_space<semaphore_mem>>) src(%arg9 : memref<512x32xf32, #tpu.memory_space<vmem>>) dst(%dma_wait3A_98 : memref<512x32xf32, #tpu.memory_space<hbm>>)
    return
  }
}

</mosaic_0001>

<sc_bundles>
// kernel: kernel.3.cloned.1.call-start
scs
__scs_entry_jumppad:
0x0: {  	(pc) =	sbr.rel $0x88, $3  }
0x1: {  	(tag) =	ssettag $0x0;
	lr =	simm.s32 $0x1  }
0x2: {  	[smem:$0x3F9F] =	sst lr;
	_ =	strace $0xD0000000  }
0x3: {  	_ = 	snop  }
0x4: {  	_ = 	snop  }
0x5: {  	_ = 	snop  }
0x6: {  	_ = 	snop  }
0x7: {  	_ = 	snop  }
__scs_overlays_trampoline_lowered:
0x8: {  	[smem:$0x3FAE] =	sst s0  }
0x9: {  	[smem:$0x3FAF] =	sst s1  }
0xa: {  	[smem:$0x3FB0] =	sst s2  }
0xb: {  	[smem:$0x3FB1] =	sst s3  }
0xc: {  	[smem:$0x3FB2] =	sst s4  }
0xd: {  	[smem:$0x3FB3] =	sst s5  }
0xe: {  	[smem:$0x3FB4] =	sst s6  }
0xf: {  	[smem:$0x3FB5] =	sst s7  }
0x10: {  	[smem:$0x3FB6] =	sst s8  }
0x11: {  	[smem:$0x3FB7] =	sst s9;
	s0 =	simm.s32 @!p0 $0x0  }
0x12: {  	s1 =	sld [smem:$0x3F9D];
	s0 =	simm.s32 @p0 $0x1  }
0x13: {  	[smem:$0x3FB8] =	sst s0;
	s0 =	simm.s32 @!p1 $0x0  }
0x14: {  	s2 =	sld [smem:$0x3F9C];
	s0 =	simm.s32 @p1 $0x1  }
0x15: {  	[smem:$0x3FB9] =	sst s0;
	s0 =	simm.s32 @!p2 $0x0  }
0x16: {  	s3 =	sld [smem:$0x3FDB];
	s0 =	simm.s32 @p2 $0x1  }
0x17: {  	s4 =	simm.s32 $0x1BF5;
	[smem:$0x3FBB] =	sst s0  }
0x18: {  	s0 =	sld [smem:$0x3F9E];
	_ =	swait.ge [sflag:s4], $0x0  }
0x19: {  	s7 =	sld [smem:$0x3F9F]  }
0x1a: {  	s8 =	sadd.s32 $0xFFFFE003, lr  }
0x1b: {  	s9 =	sadd.s32 $0xFFFFFEF7, lr;
	s5 =	simm.s32 $0xFFFFFFFF;
	p2 =	slt.u32 s8, $0xFFFFF086  }
0x1c: {  	p1 =	slt.u32 s9, $0xF7A;
	s5 =	simm.s32 @!p2 $0x0  }
0x1d: {  	s5 =	simm.s32 @p1 $0x1;
	p0 =	seq.s32 s7, s2  }
0x1e: {  	s7 =	smul.u32 @!p0 $0xF7A, s2;
	p2 =	seq.s32 @!p0 s5, $0x0  }
0x1f: {  	s9 =	smul.u32 $0xF7A, s1;
	s8 =	simm.s32 @!p0 $0x1BF5;
	p2 =	por !p2, p0  }
0x20: {  	[sflag:s8] =	ssyncset.s32 @!p0 $0xFFFFF086;
	s6 =	sadd.s32 @!p0 s3, s7;
	s7 =	simm.s32 @!p0 $0x108  }
0x21: {  	s3 =	sadd.s32 s3, s9;
	s6 =	sadd.s32 @!p0 $0x88, s6;
	s7 =	simm.s32 @p2 $0x1082  }
0x22: {  	[simem:s7], [sflag:s8] =	dma.local @!p0 [hbm:s6], $0xF7A  }
0x23: {  	s9 =	sor.u32 $0xD0000000, s2;
	s6 =	simm.s32 $0x108;
	_ =	swait.ge @!p0 [sflag:s8], $0x0  }
0x24: {  	s3 =	sadd.s32 $0x88, s3;
	s6 =	simm.s32 @!p1 $0x1082;
	[sflag:s4] =	ssyncset.s32 $0xFFFFF086  }
0x25: {  	[simem:s6], [sflag:s4] =	dma.local [hbm:s3], $0xF7A  }
0x26: {  	[smem:$0x3F9F] =	sst s1;
	(tag) =	ssettag s2;
	_ =	strace s9  }
0x27: {  	s1 =	sld [smem:$0x3FAF]  }
0x28: {  	s2 =	sld [smem:$0x3FB0]  }
0x29: {  	s4 =	sld [smem:$0x3FB2]  }
0x2a: {  	p0 =	seq.s32 s5, $0x0;
	s5 =	sld [smem:$0x3FB3]  }
0x2b: {  	s6 =	sld [smem:$0x3FB4]  }
0x2c: {  	s7 =	sld [smem:$0x3FB5]  }
0x2d: {  	s3 =	simm.s32 $0x108;
	s8 =	sld [smem:$0x3FB6]  }
0x2e: {  	s3 =	simm.s32 @!p0 $0x1082;
	s9 =	sld [smem:$0x3FB7]  }
0x2f: {  	lr =	sadd.s32 s0, s3;
	s0 =	sld [smem:$0x3FAE]  }
0x30: {  	s3 =	sld [smem:$0x3FB1]  }
0x31: {  	[smem:$0x3FBA] =	sst s10  }
0x32: {  	s10 =	sld [smem:$0x3FB8];
	_ =	sdelay $0x3  }
0x33: {  	p0 =	seq.s32 s10, $0x1;
	s10 =	sld [smem:$0x3FBA];
	_ =	sdelay $0x3  }
0x34: {  	[smem:$0x3FBA] =	sst s10  }
0x35: {  	s10 =	sld [smem:$0x3FB9];
	_ =	sdelay $0x3  }
0x36: {  	p1 =	seq.s32 s10, $0x1;
	s10 =	sld [smem:$0x3FBA];
	_ =	sdelay $0x3  }
0x37: {  	[smem:$0x3FBA] =	sst s10  }
0x38: {  	s10 =	sld [smem:$0x3FBB]  }
0x39: {  	_ = 	snop;
	(pc) =	sbr.ind lr, $3  }
0x3a: {  	_ = 	snop  }
0x3b: {  	_ = 	snop  }
0x3c: {  	p2 =	seq.s32 s10, $0x1;
	s10 =	sld [smem:$0x3FBA]  }
0x3d: {  	_ =	shalt  }
0x3e: {  	_ =	shalt  }
0x3f: {  	_ =	shalt  }
0x40: {  	_ =	shalt  }
0x41: {  	_ =	shalt  }
0x42: {  	_ =	shalt  }
0x43: {  	_ =	shalt  }
0x44: {  	_ =	shalt  }
0x45: {  	_ =	shalt  }
0x46: {  	_ =	shalt  }
0x47: {  	_ =	shalt  }
0x48: {  	_ =	shalt  }
0x49: {  	_ =	shalt  }
0x4a: {  	_ =	shalt  }
0x4b: {  	_ =	shalt  }
0x4c: {  	_ =	shalt  }
0x4d: {  	_ =	shalt  }
0x4e: {  	_ =	shalt  }
0x4f: {  	_ =	shalt  }
0x50: {  	_ =	shalt  }
0x51: {  	_ =	shalt  }
0x52: {  	_ =	shalt  }
0x53: {  	_ =	shalt  }
0x54: {  	_ =	shalt  }
0x55: {  	_ =	shalt  }
0x56: {  	_ =	shalt  }
0x57: {  	_ =	shalt  }
0x58: {  	_ =	shalt  }
0x59: {  	_ =	shalt  }
0x5a: {  	_ =	shalt  }
0x5b: {  	_ =	shalt  }
0x5c: {  	_ =	shalt  }
0x5d: {  	_ =	shalt  }
0x5e: {  	_ =	shalt  }
0x5f: {  	_ =	shalt  }
0x60: {  	_ =	shalt  }
0x61: {  	_ =	shalt  }
0x62: {  	_ =	shalt  }
0x63: {  	_ =	shalt  }
0x64: {  	_ =	shalt  }
0x65: {  	_ =	shalt  }
0x66: {  	_ =	shalt  }
0x67: {  	_ =	shalt  }
0x68: {  	_ =	shalt  }
0x69: {  	_ =	shalt  }
0x6a: {  	_ =	shalt  }
0x6b: {  	_ =	shalt  }
0x6c: {  	_ =	shalt  }
0x6d: {  	_ =	shalt  }
0x6e: {  	_ =	shalt  }
0x6f: {  	_ =	shalt  }
0x70: {  	_ =	shalt  }
0x71: {  	_ =	shalt  }
0x72: {  	_ =	shalt  }
0x73: {  	_ =	shalt  }
0x74: {  	_ =	shalt  }
0x75: {  	_ =	shalt  }
0x76: {  	_ =	shalt  }
0x77: {  	_ =	shalt  }
0x78: {  	_ =	shalt  }
0x79: {  	_ =	shalt  }
0x7a: {  	_ =	shalt  }
0x7b: {  	_ =	shalt  }
0x7c: {  	_ =	shalt  }
0x7d: {  	_ =	shalt  }
0x7e: {  	_ =	shalt  }
0x7f: {  	_ =	shalt  }
0x80: {  	_ =	shalt  }
0x81: {  	_ =	shalt  }
0x82: {  	_ =	shalt  }
0x83: {  	_ =	shalt  }
0x84: {  	_ =	shalt  }
0x85: {  	_ =	shalt  }
0x86: {  	_ =	shalt  }
0x87: {  	_ =	shalt  }
.Lfunc_end0:
.L_simem_size_0:
called_computation.1_lowered:
.L_overlay_start_0:
0x88: {  	s2 =	sld [smem:$0x3FD9]  }
0x89: {  	s3 =	sld [smem:$0x3FFE];
	_ =	sdelay $0x1  }
0x8a: {  	s1 =	srdreg.scid  }
0x8b: {  	s0 =	sand.u32 $0x1, s1  }
0x8c: {  	s17 =	sshll.u32 s0, $0xA;
	s2 =	sadd.s32 s3, s2  }
0x8d: {  	s2 =	sadd.s32 s2, s17  }
0x8e: {  	[smem:$0x3FC6] =	sst s2  }
0x8f: {  	_ = 	snop  }
0x90: {  	s2 =	sld [smem:$0x3FD0];
	(tm) =	ssettm $0x1  }
0x91: {  	s18 =	sld [smem:$0x3FFB];
	_ =	sdelay $0x3  }
0x92: {  	_ =	strace s18  }
0x93: {  	s3 =	sld [smem:$0x3FFC];
	_ =	sdelay $0x3  }
0x94: {  	_ =	strace s3  }
0x95: {  	s3 =	sld [smem:$0x3FFD];
	_ =	sdelay $0x3  }
0x96: {  	_ =	strace s3  }
0x97: {  	_ =	strace $0x8FFFFFFF  }
0x98: {  	s19 =	sld [smem:$0x3FDB];
	_ =	sdelay $0x1  }
0x99: {  	s4 =	simm.s32 $_scs_section_size  }
0x9a: {  	s5 =	simm.s32 $_size__tile_overlayer_lowered;
	s6 =	simm.s32 $_tile_overlayer_lowered  }
0x9b: {  	s22 =	simm.s32 $0x1BFF;
	s21 =	sshll.u32 s6, $0x1;
	s3 =	sadd.s32 s4, s19  }
0x9c: {  	s7 =	simm.s32 $0x0;
	s20 =	sshll.u32 s5, $0x1;
	s5 =	sadd.s32 s21, s3  }
0x9d: {  	[timem:s7], [sflag:s22] =	dma.local [hbm:s5], s20  }
0x9e: {  	_ =	swait.ge [sflag:s22], s20  }
0x9f: {  	s4 =	ssub.s32 $0x0, s20;
	[sflag:s22] =	ssyncset.done $0x0  }
0xa0: {  	[sflag:s22] =	ssyncadd.s32 s4;
	_ =	sdelay $0x1  }
0xa1: {  	s23 =	simm.s32 $0x1B8B  }
0xa2: {  	_ =	swait.ge [sflag:s23], $0x1  }
0xa3: {  	[sflag:s23] =	ssyncset.done $0x0  }
0xa4: {  	s25 =	simm.s32 $0x1B8E;
	s24 =	sld [smem:$0x3FFE];
	[sflag:s23] =	ssyncadd.s32 $0xFFFFFFFF  }
0xa5: {  	s26 =	simm.s32 $execute0_lowered;
	[smem:$0x3FD2] =	sst s25  }
0xa6: {  	s5 =	sshll.u32 s26, $0x1;
	_ =	strace $0x80000046;
	[dreg:$0x1] =	wrdreg $0xFFFFFFFF  }
0xa7: {  	s28 =	simm.s32 $_size_execute0_lowered;
	s3 =	sadd.s32 s3, s5;
	[dreg:$0x0] =	wrdreg $0x0  }
0xa8: {  	s5 =	sshll.u32 s28, $0x1;
	[dreg:$0x2] =	wrdreg s3  }
0xa9: {  	[dreg:$0x3] =	wrdreg s5  }
0xaa: {  	[dreg:$0x4] =	wrdreg $0xC0  }
0xab: {  	_ =	task [dreg:s7], $0x5FFFF  }
0xac: {  	[dreg:$0x1] =	wrdreg $0xFFFFFFFF  }
0xad: {  	[dreg:$0x0] =	wrdreg $0x60  }
0xae: {  	[dreg:$0x2] =	wrdreg s24  }
0xaf: {  	[dreg:$0x3] =	wrdreg s2  }
0xb0: {  	[dreg:$0x4] =	wrdreg $0x9  }
0xb1: {  	_ =	task.clear_ibuf [dreg:s7], $0x5FFFF;
	_ =	strace $0x90000046  }
0xb2: {  	s29 =	simm.s32 $0x9;
	_ =	strace $0x80000048  }
0xb3: {  	_ =	swait.ge [sflag:s29], $0x1  }
0xb4: {  	[sflag:s29] =	ssyncadd.s32 $0xFFFFFFFF  }
0xb5: {  	_ =	strace $0x90000048  }
0xb6: {  	_ =	sfence  }
0xb7: {  	s30 =	sld [smem:$0x0];
	_ =	sdelay $0x2  }
0xb8: {  	s31 =	sshll.u32 s1, $0xD;
	s1 =	sshrl.u32 s1, $0x2  }
0xb9: {  	s3 =	sand.u32 $0x4000, s31;
	s1 =	sadd.s32 s1, s30  }
0xba: {  	s0 =	sor.u32 s3, s0;
	s1 =	sshll.u32 s1, $0x11  }
0xbb: {  	s0 =	sor.u32 s1, s0  }
0xbc: {  	s0 =	sadd.s32 $0x8F2B, s0  }
0xbd: {  	[sflag:s0] =	ssyncadd.remote.s32 $0x1  }
0xbe: {  	_ =	sfence.sel $0xFFFF  }
0xbf: {  	[dreg:$0x0] =	wrdreg $0xFFFFFFFF;
	(pc) =	sbr.abs _section_cstart, $3  }
0xc0: {  	[dreg:$0x1] =	wrdreg $0xFFFFFFFF  }
0xc1: {  	_ =	task.clear_ibuf [dreg:s7], $0x2FFFF;
	_ =	strace $0x9FFFFFFF  }
0xc2: {  	(tm) =	ssettm $0x7FFFFFFF  }
0xc3: {  	_ =	shalt  }
tec
execute0_lowered:
.L_overlay_start_1:
0x0: {  	(tag) =	ssettag $0x1  }
0x1: {  	v37 =	vlaneseq.u32  }
0x2: {  	v0 =	vimm.s32 $0x14131211;
	v1 =	vimm.s32 $0x18171615;
	v2 =	vimm.s32 $0x1C1B1A19  }
0x3: {  	v3 =	vimm.s32 $0x1F1E1D;
	v4 =	vimm.s32 $0x15141312;
	v5 =	vimm.s32 $0x19181716  }
0x4: {  	vm0 =	vcmask $0x1F10;
	v7 =	vimm.s32 $0x1D1C1B1A;
	v61 =	vimm.s32 $0x1001F1E  }
0x5: {  	v8 =	vimm.s32 $0x16151413;
	v9 =	vimm.s32 $0x1A191817;
	v10 =	vimm.s32 $0x1E1D1C1B  }
0x6: {  	v11 =	vimm.s32 $0x201001F;
	v12 =	vimm.s32 $0x3020100;
	v13 =	vimm.s32 $0x1F1E1D1C  }
0x7: {  	v14 =	vimm.s32 $0x17161514;
	v15 =	vimm.s32 $0x1B1A1918;
	v18 =	vimm.s32 $0x4030201  }
0x8: {  	vm15 =	vcmask $0x2F10;
	v62 =	vimm.s32 $0xB0A0908;
	vm1 =	vcmask $0x3F30  }
0x9: {  	v63 =	vimm.s32 $0xD0C0B0A;
	v54 =	vmul.u32 $0x20, v37;
	v55 =	vadd.s32 $0x1, v37  }
0xa: {  	v21 =	vadd.s32 $0x2, v37;
	v22 =	vadd.s32 $0x3, v37;
	v19 =	vadd.s32 $0x4, v37  }
0xb: {  	v23 =	vadd.s32 $0x5, v37;
	v20 =	vadd.s32 $0x6, v37;
	v25 =	vadd.s32 $0x7, v37  }
0xc: {  	v26 =	vadd.s32 $0x8, v37;
	v28 =	vadd.s32 $0x9, v37;
	v27 =	vadd.s32 $0xA, v37  }
0xd: {  	s3 =	stileid.u32;
	v30 =	vadd.s32 $0xB, v37;
	v29 =	vadd.s32 $0xC, v37;
	v31 =	vadd.s32 $0xD, v37  }
0xe: {  	s0 =	rddreg [dreg:$0x0];
	v32 =	vadd.s32 $0xE, v37;
	v34 =	vadd.s32 $0xF, v37;
	v0 =	vunpack.c.0.s8.s32 v0;
	s4 =	sshll.u32 s3, $0x1;
	s3 =	simm.s32 $0x0  }
0xf: {  	v1 =	vunpack.c.0.s8.s32 v1;
	v2 =	vunpack.c.0.s8.s32 v2;
	v3 =	vunpack.c.0.s8.s32 v3;
	[smem:$0x7FF] =	sst s3  }
0x10: {  	s2 =	rddreg [dreg:$0x1];
	v4 =	vunpack.c.0.s8.s32 v4;
	v5 =	vunpack.c.0.s8.s32 v5;
	v8 =	vunpack.c.0.s8.s32 v8;
	_ =	strace $0x80000047;
	[tilespmem:$0x1FE00] =	vst v54  }
0x11: {  	v9 =	vunpack.c.0.s8.s32 v9;
	v10 =	vunpack.c.0.s8.s32 v10;
	v11 =	vunpack.c.0.s8.s32 v11;
	[tilespmem:$0x1FE10] =	vst v55  }
0x12: {  	v12 =	vunpack.c.0.s8.s32 v12;
	v13 =	vunpack.c.0.s8.s32 v13;
	v14 =	vunpack.c.0.s8.s32 v14;
	[tilespmem:$0x1FE20] =	vst v21  }
0x13: {  	v15 =	vunpack.c.0.s8.s32 v15;
	v0 =	vsel vm0, v1, v0;
	v6 =	vsel vm0, v3, v2;
	[tilespmem:$0x1FE30] =	vst v22  }
0x14: {  	v8 =	vsel vm0, v9, v8;
	v17 =	vsel vm0, v11, v10;
	v12 =	vsel vm0, v12, v13;
	[tilespmem:$0x1FE40] =	vst v19  }
0x15: {  	v14 =	vsel vm0, v15, v14;
	v1 =	vsel vm0, v2, v1;
	[tilespmem:$0x1FE50] =	vst v23;
	v33 =	vcombine.low v0, v6  }
0x16: {  	[tilespmem:$0x1FE60] =	vst v20;
	v0 =	vsel vm0, v5, v4;
	v4 =	vunpack.c.0.s8.s32 v7;
	v7 =	vunpack.c.0.s8.s32 v61  }
0x17: {  	[tilespmem:$0x1FE70] =	vst v25;
	v35 =	vcombine.low v14, v12;
	v12 =	vunpack.c.0.s8.s32 v18;
	v14 =	vimm.s32 $0x5040302  }
0x18: {  	[tilespmem:$0x1FE80] =	vst v26;
	v48 =	vcombine.low v8, v17;
	v2 =	vunpack.c.0.s8.s32 v14;
	v14 =	vimm.s32 $0x6050403  }
0x19: {  	[tilespmem:$0x1FE90] =	vst v28;
	v16 =	vsel vm0, v7, v4;
	v8 =	vsel vm0, v12, v3;
	v4 =	vsel vm0, v4, v5  }
0x1a: {  	[tilespmem:$0x1FEA0] =	vst v27;
	v5 =	vimm.s32 $0x98765432;
	v18 =	vcombine.low v0, v16;
	v0 =	vunpack.c.0.s8.s32 v14  }
0x1b: {  	[tilespmem:$0x1FEB0] =	vst v30;
	v2 =	vsel vm0, v2, v7;
	v36 =	vcombine.low v1, v8;
	v1 =	vsel vm0, v10, v9  }
0x1c: {  	[tilespmem:$0x1FEC0] =	vst v29;
	v12 =	vcombine.low v4, v2;
	v2 =	vimm.s32 $0x76543210;
	v4 =	vimm.s32 $0x87654321  }
0x1d: {  	[tilespmem:$0x1FED0] =	vst v31;
	v0 =	vsel vm0, v0, v11;
	v2 =	vunpack.c.l.s4.s8 v2;
	v4 =	vunpack.c.l.s4.s8 v4  }
0x1e: {  	[tilespmem:$0x1FEE0] =	vst v32;
	v8 =	vimm.s32 $0x32107654;
	v50 =	vcombine.low v1, v0;
	v1 =	vunpack.c.l.s4.s8 v5  }
0x1f: {  	[tilespmem:$0x1FEF0] =	vst v34;
	v5 =	vimm.s32 $0xA9876543;
	v2 =	vunpack.c.0.s8.s32 v2;
	v4 =	vunpack.c.0.s8.s32 v4  }
0x20: {  	[tilespmem:$0x1FF00] =	vst v33;
	v10 =	vor.u32 $0x10, v37;
	v0 =	vsel vm0, v13, v15;
	v5 =	vunpack.c.l.s4.s8 v5  }
0x21: {  	[tilespmem:$0x1FF10] =	vst v35;
	v1 =	vunpack.c.0.s8.s32 v1;
	v9 =	vcombine.low v0, v2;
	v0 =	vand.u32 $0xF, v4  }
0x22: {  	[tilespmem:$0x1FF30] =	vst v48;
	v2 =	vunpack.c.l.s4.s8 v8;
	v4 =	vimm.s32 $0x54329876;
	v52 =	vcombine.low v6, v0  }
0x23: {  	[tilespmem:$0x1FFB0] =	vst v10;
	v0 =	vand.u32 $0xF, v1;
	v1 =	vunpack.c.0.s8.s32 v5;
	v5 =	vimm.s32 $0x6543A987  }
0x24: {  	s1 =	srdreg.scid;
	s9 =	simm.s32 $0x5;
	[tilespmem:$0x1FF20] =	vst v18;
	v40 =	vcombine.low v16, v0;
	v0 =	vunpack.c.0.s8.s32 v2;
	v2 =	vimm.s32 $0x43218765  }
0x25: {  	s10 =	simm.s32 $0x3400;
	s15 =	simm.s32 $0x200;
	s16 =	simm.s32 $0x7400;
	[tilespmem:$0x1FF40] =	vst v36;
	v8 =	vimm.s32 $0xE0D0C0B;
	v5 =	vunpack.c.l.s4.s8 v5;
	v2 =	vunpack.c.l.s4.s8 v2  }
0x26: {  	s17 =	simm.s32 $0x80;
	s18 =	simm.s32 $0x280;
	s19 =	simm.s32 $0x8400;
	[tilespmem:$0x1FF50] =	vst v12;
	v4 =	vunpack.c.l.s4.s8 v4;
	v6 =	vunpack.c.0.s8.s32 v62;
	v8 =	vunpack.c.0.s8.s32 v8  }
0x27: {  	s20 =	simm.s32 $0x100;
	s21 =	simm.s32 $0x300;
	s1 =	sand.u32 $0x1, s1;
	[tilespmem:$0x1FF60] =	vst v50;
	v1 =	vand.u32 $0xF, v1;
	v5 =	vunpack.c.0.s8.s32 v5;
	v2 =	vunpack.c.0.s8.s32 v2  }
0x28: {  	s22 =	simm.s32 $0x9400;
	s23 =	simm.s32 $0x380;
	s6 =	sor.u32 s1, s4;
	[tilespmem:$0x1FF70] =	vst v9;
	v4 =	vunpack.c.0.s8.s32 v4;
	v0 =	vand.u32 $0xF, v0;
	v1 =	vcombine.low v17, v1  }
0x29: {  	s24 =	simm.s32 $0xA400;
	s28 =	simm.s32 $0x2;
	s4 =	smul.u32 $0x680, s6;
	[tilespmem:$0x1FF80] =	vst v52;
	v0 =	vsel vm15, v0, v13;
	v5 =	vand.u32 $0xF, v5;
	v2 =	vand.u32 $0xF, v2  }
0x2a: {  	s29 =	simm.s32 $0xF400;
	s1 =	ssub.s32 $0x2, s1;
	s8 =	smul.u32 $0xD000, s6;
	[tilespmem:$0x1FF90] =	vst v40;
	v2 =	vsel vm15, v2, v3;
	v3 =	vand.u32 $0xF, v4;
	v4 =	vimm.s32 $0xC0B0A09  }
.Ltmp0:
0x2b: {  	s30 =	simm.s32 $0x3;
	s7 =	sshrl.u32 s1, $0x1;
	[tilespmem:$0x1FFA0] =	vst v1;
	v5 =	vsel vm15, v5, v11;
	v11 =	vsel vm1, v6, v0;
	v4 =	vunpack.c.0.s8.s32 v4;
	(pc) =	sbr.rel .LBB2_1-.Ltmp0, $4  }
0x2c: {  	s31 =	simm.s32 $0x4;
	s6 =	smul.u32 $0x68000, s6;
	s25 =	ssub.s32 s1, s7;
	v57 =	vsel vm1, v8, v5;
	[tilespmem:$0x1FFC0] =	vst v11;
	v3 =	vsel vm15, v3, v7;
	v7 =	vunpack.c.0.s8.s32 v63  }
0x2d: {  	s1 =	simm.s32 $0x0;
	s5 =	sadd.s32 s4, s0;
	s4 =	sadd.s32 $0xF42E00, s0;
	[tilespmem:$0x1FFF0] =	vst v57;
	v2 =	vsel vm1, v4, v2  }
0x2e: {  	s7 =	smax.u32 s25, $0x1;
	s26 =	sadd.s32 s8, s2;
	s25 =	simm.s32 $0x1;
	v3 =	vsel vm1, v7, v3;
	[tilespmem:$0x1FFD0] =	vst v2  }
0x2f: {  	s5 =	sadd.s32 $0xA00, s5;
	s8 =	sadd.s32 $0x800, s26;
	s26 =	simm.s32 $0xB400;
	[tilespmem:$0x1FFE0] =	vst v3  }
.LBB2_8:
0x30: {  	_ =	swait.ge [sflag:s30], $0x4000  }
0x31: {  	[sflag:s30] =	ssyncset.done $0x0  }
0x32: {  	[sflag:s30] =	ssyncadd.s32 $0xFFFFC000  }
0x33: {  	_ =	swait.ge [sflag:s31], $0x4000  }
0x34: {  	v21 =	vld [tilespmem:$0x1FE20]  }
0x35: {  	v22 =	vld [tilespmem:$0x1FE30]  }
0x36: {  	v19 =	vld [tilespmem:$0x1FE40]  }
0x37: {  	v23 =	vld [tilespmem:$0x1FE50]  }
0x38: {  	v20 =	vld [tilespmem:$0x1FE60]  }
0x39: {  	v25 =	vld [tilespmem:$0x1FE70]  }
0x3a: {  	v26 =	vld [tilespmem:$0x1FE80]  }
0x3b: {  	v28 =	vld [tilespmem:$0x1FE90]  }
0x3c: {  	v27 =	vld [tilespmem:$0x1FEA0]  }
0x3d: {  	v30 =	vld [tilespmem:$0x1FEB0]  }
0x3e: {  	v29 =	vld [tilespmem:$0x1FEC0]  }
0x3f: {  	v31 =	vld [tilespmem:$0x1FED0]  }
0x40: {  	v32 =	vld [tilespmem:$0x1FEE0]  }
0x41: {  	v34 =	vld [tilespmem:$0x1FEF0]  }
0x42: {  	v33 =	vld [tilespmem:$0x1FF00]  }
0x43: {  	v35 =	vld [tilespmem:$0x1FF10]  }
0x44: {  	v18 =	vld [tilespmem:$0x1FF20]  }
0x45: {  	v48 =	vld [tilespmem:$0x1FF30]  }
0x46: {  	v36 =	vld [tilespmem:$0x1FF40]  }
0x47: {  	v12 =	vld [tilespmem:$0x1FF50]  }
0x48: {  	v50 =	vld [tilespmem:$0x1FF60]  }
0x49: {  	v9 =	vld [tilespmem:$0x1FF70]  }
0x4a: {  	v52 =	vld [tilespmem:$0x1FF80]  }
0x4b: {  	s1 =	sadd.s32 $0x1, s1;
	v40 =	vld [tilespmem:$0x1FF90]  }
0x4c: {  	p0 =	sne.s32 s1, s7;
	v1 =	vld [tilespmem:$0x1FFA0]  }
.Ltmp1:
0x4d: {  	v10 =	vld [tilespmem:$0x1FFB0];
	(pc) =	sbr.rel @!p0 .LBB2_9-.Ltmp1, $4  }
0x4e: {  	v11 =	vld [tilespmem:$0x1FFC0]  }
0x4f: {  	v2 =	vld [tilespmem:$0x1FFD0]  }
0x50: {  	[sflag:s31] =	ssyncset.done $0x0;
	v3 =	vld [tilespmem:$0x1FFE0]  }
0x51: {  	v57 =	vld [tilespmem:$0x1FFF0];
	[sflag:s31] =	ssyncadd.s32 $0xFFFFC000  }
.LBB2_1:
0x52: {  	[tilespmem:s3], [sflag:$0x5] =	stream.linear.gather [hbm4b:s5+s3], $0x3400, $0x38;
	[tilespmem:$0x13400] =	vst v63  }
0x53: {  	_ =	swait.ge [sflag:s9], $0x3400  }
0x54: {  	[sflag:s9] =	ssyncset.done $0x0  }
0x55: {  	[sflag:s9] =	ssyncadd.s32 $0xFFFFCC00  }
0x56: {  	[tilespmem:s10], [sflag:$0x1] =	stream.indirect.gather [hbm4b:s4+s17], $0x20, s3, s17, $0xb8;
	[tilespmem:$0x13400] =	vst v63  }
0x57: {  	s0 =	simm.s32 $0x4400  }
0x58: {  	[tilespmem:s0], [sflag:$0x1] =	stream.indirect.gather [hbm4b:s4+s17], $0x20, s17, s17, $0xb8;
	[tilespmem:$0x13400] =	vst v63  }
0x59: {  	s13 =	simm.s32 $0x5400  }
0x5a: {  	[tilespmem:s13], [sflag:$0x1] =	stream.indirect.gather [hbm4b:s4+s17], $0x20, s20, s17, $0xb8;
	[tilespmem:$0x13400] =	vst v63  }
0x5b: {  	s14 =	simm.s32 $0x180;
	s11 =	simm.s32 $0x6400  }
0x5c: {  	[tilespmem:s11], [sflag:$0x1] =	stream.indirect.gather [hbm4b:s4+s17], $0x20, s14, s17, $0xb8;
	[tilespmem:$0x13400] =	vst v63  }
0x5d: {  	_ = 	snop  }
0x5e: {  	[tilespmem:s16], [sflag:$0x2] =	stream.indirect.gather [hbm4b:s4+s17], $0x20, s15, s17, $0xb8;
	[tilespmem:$0x13400] =	vst v63  }
0x5f: {  	_ = 	snop  }
0x60: {  	[tilespmem:s19], [sflag:$0x2] =	stream.indirect.gather [hbm4b:s4+s17], $0x20, s18, s17, $0xb8;
	[tilespmem:$0x13400] =	vst v63  }
0x61: {  	_ = 	snop  }
0x62: {  	[tilespmem:s22], [sflag:$0x2] =	stream.indirect.gather [hbm4b:s4+s17], $0x20, s21, s17, $0xb8;
	[tilespmem:$0x13400] =	vst v63  }
0x63: {  	s0 =	simm.s32 $0x0  }
0x64: {  	[tilespmem:s24], [sflag:$0x2] =	stream.indirect.gather [hbm4b:s4+s17], $0x20, s23, s17, $0xb8;
	[tilespmem:$0x13400] =	vst v63  }
.LBB2_2:
0x65: {  	p0 =	seq.s32 s0, $0x0  }
0x66: {  	s11 =	simm.s32 @!p0 $0x3  }
0x67: {  	_ =	swait.ge @!p0 [sflag:s11], $0x4000  }
0x68: {  	[sflag:s11] =	ssyncset.done @!p0 $0x0  }
0x69: {  	[sflag:s11] =	ssyncadd.s32 @!p0 $0xFFFFC000  }
0x6a: {  	_ =	swait.ge [sflag:s25], $0x1000  }
0x6b: {  	[sflag:s25] =	ssyncset.done $0x0  }
0x6c: {  	[sflag:s25] =	ssyncadd.s32 $0xFFFFF000  }
0x6d: {  	s14 =	simm.s32 $0x0;
	_ =	swait.ge [sflag:s25], $0x1000  }
0x6e: {  	v0 =	vmov s14;
	[sflag:s25] =	ssyncset.done $0x0  }
0x6f: {  	v0 =	vshll.u32 v0, $0x5;
	[sflag:s25] =	ssyncadd.s32 $0xFFFFF000  }
0x70: {  	v24 =	vor.u32 v54, v0;
	_ =	swait.ge [sflag:s25], $0x1000  }
0x71: {  	v6 =	vor.u32 v37, v24;
	v8 =	vor.u32 v55, v24;
	[sflag:s25] =	ssyncset.done $0x0  }
0x72: {  	[tilespmem:$0x1FD90] =	vst v8;
	[sflag:s25] =	ssyncadd.s32 $0xFFFFF000  }
0x73: {  	v4 =	vor.u32 v20, v24;
	_ =	swait.ge [sflag:s25], $0x1000  }
0x74: {  	v15 =	vor.u32 v19, v24;
	[sflag:s25] =	ssyncset.done $0x0  }
0x75: {  	v7 =	vor.u32 v25, v24;
	[sflag:s25] =	ssyncadd.s32 $0xFFFFF000  }
0x76: {  	v5 =	vor.u32 v26, v24;
	v19 =	vld.idx.msk [tilespmem:v6+s10+$0x0], $0xffff  }
0x77: {  	v0 =	vor.u32 v10, v24;
	v20 =	vld.idx.msk [tilespmem:v8+s10+$0x0], $0xffff  }
0x78: {  	v13 =	vor.u32 v21, v24;
	v14 =	vld.idx.msk [tilespmem:v4+s10+$0x0], $0xffff  }
0x79: {  	v10 =	vor.u32 v27, v24;
	v21 =	vld.idx.msk [tilespmem:v15+s10+$0x0], $0xffff  }
0x7a: {  	v38 =	vor.u32 v32, v24;
	v17 =	vld.idx.msk [tilespmem:v7+s10+$0x0], $0xffff  }
0x7b: {  	v56 =	vor.u32 v18, v24;
	v16 =	vld.idx.msk [tilespmem:v5+s10+$0x0], $0xffff  }
0x7c: {  	v18 =	vor.u32 v23, v24;
	[tilespmem:$0x1FDC0] =	vst v7;
	v7 =	vld.idx.msk [tilespmem:v0+s10+$0x0], $0xffff  }
0x7d: {  	v41 =	vor.u32 v33, v24;
	v25 =	vld.idx.msk [tilespmem:v13+s10+$0x0], $0xffff  }
0x7e: {  	v39 =	vor.u32 v12, v24;
	v27 =	vld.idx.msk [tilespmem:v10+s10+$0x0], $0xffff  }
0x7f: {  	v42 =	vor.u32 v31, v24;
	[tilespmem:$0x1FDB0] =	vst v4;
	v4 =	vor.u32 v22, v24;
	v22 =	vld.idx.msk [tilespmem:v38+s10+$0x0], $0xffff  }
0x80: {  	v12 =	vor.u32 v30, v24;
	v23 =	vld.idx.msk [tilespmem:v56+s10+$0x0], $0xffff  }
0x81: {  	v40 =	vor.u32 v40, v24;
	v30 =	vld.idx.msk [tilespmem:v18+s10+$0x0], $0xffff  }
0x82: {  	v43 =	vor.u32 v34, v24;
	v8 =	vor.u32 v29, v24;
	v34 =	vld.idx.msk [tilespmem:v41+s10+$0x0], $0xffff  }
0x83: {  	[tilespmem:$0x1FDD0] =	vst v5;
	v5 =	vor.u32 v35, v24;
	v35 =	vld.idx.msk [tilespmem:v39+s10+$0x0], $0xffff  }
0x84: {  	v44 =	vor.u32 v36, v24;
	v36 =	vld.idx.msk [tilespmem:v42+s10+$0x0], $0xffff  }
0x85: {  	[tilespmem:$0x1FDA0] =	vst v15;
	v59 =	vld.idx.msk [tilespmem:v12+s10+$0x0], $0xffff  }
0x86: {  	v48 =	vor.u32 v48, v24;
	v50 =	vor.u32 v50, v24;
	[tilespmem:$0x1FDF0] =	vst v10;
	v60 =	vld.idx.msk [tilespmem:v40+s10+$0x0], $0xffff  }
0x87: {  	[tilespmem:$0x1FD60] =	vst v8;
	v15 =	vld.idx.msk [tilespmem:v8+s10+$0x0], $0xffff;
	v8 =	vor.u32 v28, v24;
	v28 =	vmul.f32 v19, v19  }
0x88: {  	[tilespmem:$0x1FD50] =	vst v0;
	v62 =	vld.idx.msk [tilespmem:v43+s10+$0x0], $0xffff;
	v29 =	vmul.f32 v21, v21;
	v31 =	vmul.f32 v16, v16  }
0x89: {  	v0 =	vor.u32 v9, v24;
	v26 =	vld.idx.msk [tilespmem:v4+s10+$0x0], $0xffff;
	v63 =	vmul.f32 v14, v14;
	v45 =	vmul.f32 v25, v25  }
0x8a: {  	[tilespmem:$0x1FD70] =	vst v5;
	v51 =	vmul.f32 v20, v20;
	v49 =	vmul.f32 v27, v27;
	v28 =	vadd.f32 v29, v28  }
0x8b: {  	[tilespmem:$0x1FD80] =	vst v0;
	v58 =	vmul.f32 v23, v23;
	v29 =	vmul.f32 v17, v17;
	v32 =	vadd.f32 v63, v45  }
0x8c: {  	v9 =	vld.idx.msk [tilespmem:v5+s10+$0x0], $0xffff;
	v45 =	vor.u32 v52, v24;
	v28 =	vadd.f32 v31, v28;
	v46 =	vmul.f32 v15, v15  }
0x8d: {  	v52 =	vor.u32 v1, v24;
	v32 =	vadd.f32 v49, v32;
	v49 =	vmul.f32 v22, v22;
	v33 =	vld.idx.msk [tilespmem:v8+s10+$0x0], $0xffff  }
0x8e: {  	v10 =	vld.idx.msk [tilespmem:v0+s10+$0x0], $0xffff;
	v31 =	vmul.f32 v7, v7;
	v47 =	vmul.f32 v26, v26;
	v28 =	vadd.f32 v46, v28  }
0x8f: {  	v5 =	vld.idx.msk [tilespmem:v48+s10+$0x0], $0xffff;
	v61 =	vmul.f32 v59, v59;
	v32 =	vadd.f32 v49, v32;
	v49 =	vor.u32 v2, v24  }
0x90: {  	[tilespmem:$0x1FDE0] =	vst v8;
	v29 =	vadd.f32 v29, v47;
	v28 =	vadd.f32 v31, v28;
	v31 =	vmul.f32 v30, v30  }
0x91: {  	v63 =	vld.idx.msk [tilespmem:v44+s10+$0x0], $0xffff;
	v46 =	vor.u32 v11, v24;
	v47 =	vor.u32 v57, v24;
	v57 =	vmul.f32 v9, v9  }
0x92: {  	v8 =	vld.idx.msk [tilespmem:v45+s10+$0x0], $0xffff;
	v32 =	vadd.f32 v58, v32;
	v53 =	vmul.f32 v33, v33;
	v31 =	vadd.f32 v31, v51  }
0x93: {  	v11 =	vld.idx.msk [tilespmem:v52+s10+$0x0], $0xffff;
	v51 =	vor.u32 v3, v24;
	v24 =	vadd.f32 v61, v29;
	v29 =	vmul.f32 v35, v35  }
0x94: {  	v58 =	vmul.f32 v36, v36;
	v3 =	vld.idx.msk [tilespmem:v50+s10+$0x0], $0xffff;
	v61 =	vmul.f32 v62, v62;
	v31 =	vadd.f32 v53, v31  }
0x95: {  	v0 =	vmul.f32 v34, v34;
	v28 =	vadd.f32 v57, v28;
	v57 =	vld.idx.msk [tilespmem:v49+s10+$0x0], $0xffff;
	v29 =	vadd.f32 v29, v32  }
0x96: {  	v53 =	vld.idx.msk [tilespmem:v46+s10+$0x0], $0xffff;
	v24 =	vadd.f32 v61, v24;
	v32 =	vmul.f32 v5, v5;
	v31 =	vadd.f32 v58, v31  }
0x97: {  	v1 =	vmul.f32 v63, v63;
	v61 =	vld.idx.msk [tilespmem:v47+s10+$0x0], $0xffff  }
0x98: {  	v24 =	vadd.f32 v32, v24;
	v32 =	vmul.f32 v60, v60;
	v58 =	vld.idx.msk [tilespmem:v51+s10+$0x0], $0xffff;
	v2 =	vadd.f32 v0, v31  }
0x99: {  	v31 =	vmul.f32 v10, v10;
	v0 =	vmul.f32 v3, v3  }
0x9a: {  	v29 =	vadd.f32 v32, v29;
	v1 =	vadd.f32 v1, v2;
	v2 =	vmul.f32 v8, v8  }
0x9b: {  	v28 =	vadd.f32 v31, v28;
	v0 =	vadd.f32 v0, v24;
	v24 =	vmul.f32 v11, v11  }
0x9c: {  	v31 =	vmul.f32 v57, v57;
	v1 =	vadd.f32 v2, v1;
	v2 =	vmul.f32 v53, v53  }
0x9d: {  	v32 =	vmul.f32 v61, v61;
	v0 =	vadd.f32 v24, v0;
	v24 =	vmul.f32 v58, v58  }
0x9e: {  	v2 =	vadd.f32 v2, v28;
	v1 =	vadd.f32 v31, v1  }
0x9f: {  	v24 =	vadd.f32 v24, v29;
	v0 =	vadd.f32 v32, v0;
	_ =	sdelay $0x1  }
0xa0: {  	v1 =	vadd.f32 v1, v2;
	v0 =	vadd.f32 v0, v24;
	_ =	sdelay $0x1  }
0xa1: {  	v0 =	vadd.f32 v0, v1;
	_ =	sdelay $0x1  }
0xa2: {  	v1 =	vshra.s32 v0, $0x1;
	v2 =	vmul.f32 $5.000000000e-01, v0  }
0xa3: {  	v1 =	vsub.s32 $0x5F3759DF, v1  }
0xa4: {  	v32 =	vmul.f32 v1, v2;
	_ =	sdelay $0x1  }
0xa5: {  	v24 =	vmul.f32 v1, v32;
	_ =	sdelay $0x1  }
0xa6: {  	v24 =	vsub.f32 $1.500000000e+00, v24;
	_ =	sdelay $0x1  }
0xa7: {  	v1 =	vmul.f32 v1, v24;
	_ =	sdelay $0x1  }
0xa8: {  	v2 =	vmul.f32 v1, v2;
	_ =	sdelay $0x1  }
0xa9: {  	v2 =	vmul.f32 v2, v1;
	_ =	sdelay $0x1  }
0xaa: {  	v2 =	vsub.f32 $1.500000000e+00, v2;
	_ =	sdelay $0x1  }
0xab: {  	v1 =	vmul.f32 v2, v1  }
0xac: {  	vm0 =	vgt.f32 v0, $1.000000000e+00  }
0xad: {  	v31 =	vnsel vm0, $0x3F800000, v1  }
0xae: {  	v1 =	vmul.f32 v31, v20;
	v20 =	vld [tilespmem:$0x1FD90];
	_ =	sdelay $0x4  }
0xaf: {  	v0 =	vmul.f32 v31, v19;
	_ =	sdelay $0x1  }
0xb0: {  	v2 =	vmul.f32 v31, v25;
	[tilespmem:v6+s26+$0x0] =	vst.idx.msk $0xffff, v0  }
0xb1: {  	[tilespmem:v20+s26+$0x0] =	vst.idx.msk $0xffff, v1  }
0xb2: {  	[tilespmem:v13+s26+$0x0] =	vst.idx.msk $0xffff, v2;
	v2 =	vld [tilespmem:$0x1FDA0];
	_ =	sdelay $0x4  }
0xb3: {  	v19 =	vmul.f32 v31, v26  }
0xb4: {  	v0 =	vmul.f32 v31, v21  }
0xb5: {  	[tilespmem:v4+s26+$0x0] =	vst.idx.msk $0xffff, v19  }
0xb6: {  	[tilespmem:v2+s26+$0x0] =	vst.idx.msk $0xffff, v0;
	v0 =	vld [tilespmem:$0x1FDB0];
	_ =	sdelay $0x4  }
0xb7: {  	v6 =	vmul.f32 v31, v30  }
0xb8: {  	v1 =	vmul.f32 v31, v14  }
0xb9: {  	[tilespmem:v18+s26+$0x0] =	vst.idx.msk $0xffff, v6  }
0xba: {  	[tilespmem:v0+s26+$0x0] =	vst.idx.msk $0xffff, v1;
	v0 =	vld [tilespmem:$0x1FDC0];
	_ =	sdelay $0x5  }
0xbb: {  	v17 =	vmul.f32 v31, v17;
	_ =	sdelay $0x1  }
0xbc: {  	[tilespmem:v0+s26+$0x0] =	vst.idx.msk $0xffff, v17;
	v0 =	vld [tilespmem:$0x1FDD0];
	_ =	sdelay $0x5  }
0xbd: {  	v16 =	vmul.f32 v31, v16;
	_ =	sdelay $0x1  }
0xbe: {  	[tilespmem:v0+s26+$0x0] =	vst.idx.msk $0xffff, v16;
	v0 =	vld [tilespmem:$0x1FDE0];
	_ =	sdelay $0x5  }
0xbf: {  	v20 =	vmul.f32 v31, v33;
	_ =	sdelay $0x1  }
0xc0: {  	[tilespmem:v0+s26+$0x0] =	vst.idx.msk $0xffff, v20;
	v0 =	vld [tilespmem:$0x1FDF0]  }
0xc1: {  	v59 =	vmul.f32 v31, v59;
	v9 =	vmul.f32 v31, v9  }
0xc2: {  	v10 =	vmul.f32 v31, v10;
	v33 =	vmul.f32 v31, v27  }
0xc3: {  	v14 =	vmul.f32 v31, v22;
	v13 =	vmul.f32 v31, v36  }
0xc4: {  	v19 =	vmul.f32 v31, v15;
	v4 =	vmul.f32 v31, v7  }
0xc5: {  	v15 =	vmul.f32 v31, v23;
	v7 =	vmul.f32 v31, v63  }
0xc6: {  	v2 =	vmul.f32 v31, v5;
	v5 =	vmul.f32 v31, v3  }
0xc7: {  	v3 =	vmul.f32 v31, v8;
	v8 =	vmul.f32 v31, v60  }
0xc8: {  	v6 =	vmul.f32 v31, v62;
	v1 =	vmul.f32 v31, v34;
	[tilespmem:v0+s26+$0x0] =	vst.idx.msk $0xffff, v33  }
0xc9: {  	s11 =	simm.s32 $0x10;
	v16 =	vmul.f32 v31, v35;
	v0 =	vmul.f32 v31, v11;
	[tilespmem:v12+s26+$0x0] =	vst.idx.msk $0xffff, v59  }
.LBB2_3:
0xca: {  	v11 =	vld [tilespmem:$0x1FD60];
	_ =	sdelay $0x7  }
0xcb: {  	[tilespmem:v11+s26+$0x0] =	vst.idx.msk $0xffff, v19  }
0xcc: {  	[tilespmem:v42+s26+$0x0] =	vst.idx.msk $0xffff, v13  }
0xcd: {  	[tilespmem:v38+s26+$0x0] =	vst.idx.msk $0xffff, v14  }
0xce: {  	[tilespmem:v43+s26+$0x0] =	vst.idx.msk $0xffff, v6;
	v6 =	vld [tilespmem:$0x1FD50];
	_ =	sdelay $0x7  }
0xcf: {  	[tilespmem:v6+s26+$0x0] =	vst.idx.msk $0xffff, v4  }
0xd0: {  	[tilespmem:v41+s26+$0x0] =	vst.idx.msk $0xffff, v1;
	v1 =	vld [tilespmem:$0x1FD70];
	_ =	sdelay $0x2  }
0xd1: {  	[tilespmem:v56+s26+$0x0] =	vst.idx.msk $0xffff, v15  }
0xd2: {  	[tilespmem:v48+s26+$0x0] =	vst.idx.msk $0xffff, v2;
	v2 =	vld [tilespmem:$0x1FD80];
	_ =	sdelay $0x3  }
0xd3: {  	[tilespmem:v1+s26+$0x0] =	vst.idx.msk $0xffff, v9  }
0xd4: {  	v4 =	vld [tilespmem:$0x1FE70];
	[tilespmem:v44+s26+$0x0] =	vst.idx.msk $0xffff, v7  }
0xd5: {  	s12 =	smov.u32 s11;
	[tilespmem:v39+s26+$0x0] =	vst.idx.msk $0xffff, v16  }
0xd6: {  	v12 =	vmul.f32 v31, v57;
	v1 =	vmov s12;
	[tilespmem:v50+s26+$0x0] =	vst.idx.msk $0xffff, v5  }
0xd7: {  	v17 =	vmul.f32 v31, v61;
	v11 =	vmul.f32 v31, v53;
	v1 =	vshll.u32 v1, $0x5;
	[tilespmem:v2+s26+$0x0] =	vst.idx.msk $0xffff, v10  }
0xd8: {  	v13 =	vmul.f32 v31, v58;
	v31 =	vor.u32 v54, v1;
	[tilespmem:v45+s26+$0x0] =	vst.idx.msk $0xffff, v3  }
0xd9: {  	[tilespmem:v40+s26+$0x0] =	vst.idx.msk $0xffff, v8;
	v8 =	vor.u32 v4, v31;
	v4 =	vld [tilespmem:$0x1FE80];
	_ =	sdelay $0x4  }
0xda: {  	v5 =	vor.u32 v4, v31;
	v4 =	vld [tilespmem:$0x1FEC0];
	_ =	sdelay $0x3  }
0xdb: {  	v1 =	vld [tilespmem:$0x1FE30]  }
0xdc: {  	v9 =	vor.u32 v4, v31;
	v4 =	vld [tilespmem:$0x1FFB0]  }
0xdd: {  	v28 =	vld [tilespmem:$0x1FEF0]  }
0xde: {  	v57 =	vld [tilespmem:$0x1FF80]  }
0xdf: {  	v35 =	vld [tilespmem:$0x1FF60]  }
0xe0: {  	v63 =	vor.u32 v1, v31;
	v1 =	vld [tilespmem:$0x1FE50]  }
0xe1: {  	v7 =	vor.u32 v4, v31;
	v4 =	vld [tilespmem:$0x1FEA0]  }
0xe2: {  	v36 =	vld [tilespmem:$0x1FFC0]  }
0xe3: {  	v54 =	vld [tilespmem:$0x1FF30]  }
0xe4: {  	v43 =	vor.u32 v28, v31;
	v28 =	vld [tilespmem:$0x1FF90]  }
0xe5: {  	v59 =	vor.u32 v1, v31;
	v1 =	vld [tilespmem:$0x1FE60]  }
0xe6: {  	[tilespmem:v52+s26+$0x0] =	vst.idx.msk $0xffff, v0;
	v62 =	vor.u32 v4, v31;
	v4 =	vld [tilespmem:$0x1FEB0]  }
0xe7: {  	v50 =	vor.u32 v35, v31;
	v35 =	vld [tilespmem:$0x1FFD0];
	[tilespmem:v46+s26+$0x0] =	vst.idx.msk $0xffff, v11  }
0xe8: {  	v0 =	vld [tilespmem:$0x1FE20];
	[tilespmem:v49+s26+$0x0] =	vst.idx.msk $0xffff, v12  }
0xe9: {  	v11 =	vld [tilespmem:$0x1FF20];
	[tilespmem:v51+s26+$0x0] =	vst.idx.msk $0xffff, v13  }
0xea: {  	[tilespmem:v47+s26+$0x0] =	vst.idx.msk $0xffff, v17;
	v6 =	vor.u32 v1, v31;
	v1 =	vld [tilespmem:$0x1FE40]  }
0xeb: {  	v60 =	vor.u32 v4, v31;
	v4 =	vld.idx.msk [tilespmem:v7+s10+$0x0], $0xffff  }
0xec: {  	[tilespmem:$0x1FD50] =	vst v7;
	v7 =	vld [tilespmem:$0x1FF10]  }
0xed: {  	v46 =	vor.u32 v36, v31;
	v36 =	vld [tilespmem:$0x1FFF0]  }
0xee: {  	v3 =	vor.u32 v37, v31;
	v49 =	vor.u32 v35, v31;
	v35 =	vld [tilespmem:$0x1FFE0]  }
0xef: {  	v10 =	vld.idx.msk [tilespmem:v8+s10+$0x0], $0xffff  }
0xf0: {  	v19 =	vld.idx.msk [tilespmem:v63+s10+$0x0], $0xffff;
	v1 =	vor.u32 v1, v31  }
0xf1: {  	v16 =	vor.u32 v7, v31;
	v7 =	vld [tilespmem:$0x1FEE0]  }
0xf2: {  	v56 =	vor.u32 v11, v31;
	v11 =	vld [tilespmem:$0x1FF50]  }
0xf3: {  	v0 =	vor.u32 v0, v31;
	v12 =	vld.idx.msk [tilespmem:v3+s10+$0x0], $0xffff  }
0xf4: {  	[tilespmem:$0x1FD30] =	vst v8;
	v8 =	vld.idx.msk [tilespmem:v5+s10+$0x0], $0xffff  }
0xf5: {  	v13 =	vld.idx.msk [tilespmem:v1+s10+$0x0], $0xffff  }
0xf6: {  	v38 =	vor.u32 v7, v31;
	v7 =	vld [tilespmem:$0x1FF70]  }
0xf7: {  	v20 =	vmul.f32 v10, v10;
	v27 =	vmul.f32 v19, v19;
	v39 =	vor.u32 v11, v31;
	v11 =	vld [tilespmem:$0x1FF00]  }
0xf8: {  	v18 =	vld.idx.msk [tilespmem:v0+s10+$0x0], $0xffff  }
0xf9: {  	[tilespmem:$0x1FD40] =	vst v5;
	v33 =	vadd.f32 v20, v27;
	v20 =	vld [tilespmem:$0x1FF40]  }
0xfa: {  	v2 =	vor.u32 v55, v31;
	v5 =	vmul.f32 v12, v12;
	[tilespmem:$0x1FD60] =	vst v9;
	v9 =	vld.idx.msk [tilespmem:v9+s10+$0x0], $0xffff  }
0xfb: {  	[tilespmem:$0x1FD20] =	vst v6;
	v6 =	vld.idx.msk [tilespmem:v6+s10+$0x0], $0xffff;
	v23 =	vor.u32 v7, v31;
	v7 =	vmul.f32 v13, v13  }
0xfc: {  	v41 =	vor.u32 v11, v31;
	v11 =	vld [tilespmem:$0x1FED0]  }
0xfd: {  	v17 =	vadd.f32 v7, v5;
	v5 =	vld [tilespmem:$0x1FE90]  }
0xfe: {  	v21 =	vmul.f32 v8, v8;
	v15 =	vld.idx.msk [tilespmem:v62+s10+$0x0], $0xffff  }
0xff: {  	v7 =	vld.idx.msk [tilespmem:v16+s10+$0x0], $0xffff  }
0x100: {  	v40 =	vor.u32 v28, v31;
	v14 =	vld.idx.msk [tilespmem:v2+s10+$0x0], $0xffff;
	v25 =	vmul.f32 v9, v9;
	v21 =	vadd.f32 v21, v17  }
0x101: {  	v52 =	vmul.f32 v18, v18;
	v22 =	vmul.f32 v6, v6;
	v42 =	vor.u32 v11, v31;
	v11 =	vld.idx.msk [tilespmem:v23+s10+$0x0], $0xffff  }
0x102: {  	v24 =	vld.idx.msk [tilespmem:v59+s10+$0x0], $0xffff;
	v26 =	vmul.f32 v4, v4;
	v53 =	vadd.f32 v25, v21;
	v5 =	vor.u32 v5, v31  }
0x103: {  	v22 =	vadd.f32 v22, v52;
	v28 =	vmul.f32 v15, v15;
	[tilespmem:$0x1FD70] =	vst v16;
	v16 =	vld.idx.msk [tilespmem:v38+s10+$0x0], $0xffff  }
0x104: {  	v44 =	vor.u32 v20, v31;
	v20 =	vld.idx.msk [tilespmem:v39+s10+$0x0], $0xffff;
	v29 =	vmul.f32 v7, v7;
	v26 =	vadd.f32 v26, v53  }
0x105: {  	v22 =	vadd.f32 v28, v22;
	v28 =	vld.idx.msk [tilespmem:v60+s10+$0x0], $0xffff  }
0x106: {  	v17 =	vld.idx.msk [tilespmem:v56+s10+$0x0], $0xffff;
	v27 =	vmul.f32 v11, v11;
	v61 =	vadd.f32 v29, v26  }
0x107: {  	[tilespmem:$0x1FD80] =	vst v23;
	v23 =	vld.idx.msk [tilespmem:v5+s10+$0x0], $0xffff  }
0x108: {  	v32 =	vmul.f32 v16, v16;
	v34 =	vadd.f32 v27, v61;
	v61 =	vld [tilespmem:$0x1FFA0]  }
0x109: {  	v45 =	vor.u32 v57, v31;
	v48 =	vor.u32 v54, v31;
	v25 =	vld.idx.msk [tilespmem:v42+s10+$0x0], $0xffff  }
0x10a: {  	v30 =	vmul.f32 v14, v14;
	v58 =	vmul.f32 v24, v24;
	v32 =	vadd.f32 v32, v22;
	v22 =	vld.idx.msk [tilespmem:v40+s10+$0x0], $0xffff  }
0x10b: {  	v29 =	vld.idx.msk [tilespmem:v43+s10+$0x0], $0xffff  }
0x10c: {  	v37 =	vadd.f32 v58, v30;
	v21 =	vld.idx.msk [tilespmem:v41+s10+$0x0], $0xffff;
	v55 =	vmul.f32 v17, v17;
	v51 =	vmul.f32 v23, v23  }
0x10d: {  	v47 =	vor.u32 v36, v31;
	v26 =	vld.idx.msk [tilespmem:v44+s10+$0x0], $0xffff;
	v52 =	vor.u32 v61, v31  }
0x10e: {  	v30 =	vld.idx.msk [tilespmem:v48+s10+$0x0], $0xffff;
	v57 =	vmul.f32 v20, v20;
	v32 =	vadd.f32 v55, v32;
	v53 =	vadd.f32 v51, v37  }
0x10f: {  	v27 =	vld.idx.msk [tilespmem:v45+s10+$0x0], $0xffff;
	v37 =	vmul.f32 v25, v25;
	v51 =	vor.u32 v35, v31;
	v31 =	vmul.f32 v28, v28  }
0x110: {  	v57 =	vadd.f32 v57, v32;
	v32 =	vld.idx.msk [tilespmem:v50+s10+$0x0], $0xffff;
	v36 =	vmul.f32 v29, v29;
	v35 =	vmul.f32 v22, v22  }
0x111: {  	v61 =	vmul.f32 v21, v21;
	v58 =	vadd.f32 v37, v53;
	v53 =	vld.idx.msk [tilespmem:v46+s10+$0x0], $0xffff;
	v31 =	vadd.f32 v31, v33  }
0x112: {  	v54 =	vmul.f32 v26, v26;
	v35 =	vadd.f32 v35, v57;
	v33 =	vld.idx.msk [tilespmem:v52+s10+$0x0], $0xffff  }
0x113: {  	v57 =	vld.idx.msk [tilespmem:v49+s10+$0x0], $0xffff;
	v61 =	vadd.f32 v61, v58;
	v31 =	vadd.f32 v36, v31;
	v36 =	vmul.f32 v30, v30  }
0x114: {  	v58 =	vld.idx.msk [tilespmem:v51+s10+$0x0], $0xffff  }
0x115: {  	v55 =	vmul.f32 v32, v32;
	v37 =	vadd.f32 v54, v61;
	v61 =	vld.idx.msk [tilespmem:v47+s10+$0x0], $0xffff;
	v31 =	vadd.f32 v36, v31  }
0x116: {  	v54 =	vmul.f32 v27, v27  }
0x117: {  	v31 =	vadd.f32 v55, v31;
	v36 =	vmul.f32 v33, v33  }
0x118: {  	v37 =	vadd.f32 v54, v37;
	v54 =	vmul.f32 v53, v53  }
0x119: {  	v55 =	vmul.f32 v57, v57;
	v31 =	vadd.f32 v36, v31  }
0x11a: {  	v34 =	vadd.f32 v54, v34;
	v36 =	vmul.f32 v58, v58;
	v54 =	vmul.f32 v61, v61  }
0x11b: {  	v37 =	vadd.f32 v55, v37  }
0x11c: {  	v35 =	vadd.f32 v36, v35;
	v31 =	vadd.f32 v54, v31;
	_ =	sdelay $0x1  }
0x11d: {  	v34 =	vadd.f32 v37, v34;
	v31 =	vadd.f32 v31, v35;
	_ =	sdelay $0x1  }
0x11e: {  	v31 =	vadd.f32 v31, v34;
	_ =	sdelay $0x1  }
0x11f: {  	v34 =	vshra.s32 v31, $0x1;
	v35 =	vmul.f32 $5.000000000e-01, v31  }
0x120: {  	v34 =	vsub.s32 $0x5F3759DF, v34  }
0x121: {  	v36 =	vmul.f32 v34, v35;
	_ =	sdelay $0x1  }
0x122: {  	v36 =	vmul.f32 v34, v36;
	_ =	sdelay $0x1  }
0x123: {  	v36 =	vsub.f32 $1.500000000e+00, v36;
	_ =	sdelay $0x1  }
0x124: {  	v34 =	vmul.f32 v34, v36;
	_ =	sdelay $0x1  }
0x125: {  	v35 =	vmul.f32 v34, v35;
	_ =	sdelay $0x1  }
0x126: {  	v35 =	vmul.f32 v35, v34;
	_ =	sdelay $0x1  }
0x127: {  	v35 =	vsub.f32 $1.500000000e+00, v35;
	_ =	sdelay $0x1  }
0x128: {  	v34 =	vmul.f32 v35, v34  }
0x129: {  	vm0 =	vgt.f32 v31, $1.000000000e+00  }
0x12a: {  	v31 =	vnsel vm0, $0x3F800000, v34  }
0x12b: {  	v12 =	vmul.f32 v31, v12  }
0x12c: {  	v14 =	vmul.f32 v31, v14  }
0x12d: {  	v18 =	vmul.f32 v31, v18;
	[tilespmem:v3+s26+$0x0] =	vst.idx.msk $0xffff, v12  }
0x12e: {  	v19 =	vmul.f32 v31, v19;
	[tilespmem:v2+s26+$0x0] =	vst.idx.msk $0xffff, v14  }
0x12f: {  	v3 =	vmul.f32 v31, v13;
	[tilespmem:v0+s26+$0x0] =	vst.idx.msk $0xffff, v18  }
0x130: {  	[tilespmem:v63+s26+$0x0] =	vst.idx.msk $0xffff, v19  }
0x131: {  	[tilespmem:v1+s26+$0x0] =	vst.idx.msk $0xffff, v3;
	v1 =	vld [tilespmem:$0x1FD20];
	_ =	sdelay $0x4  }
0x132: {  	v12 =	vmul.f32 v31, v24  }
0x133: {  	v2 =	vmul.f32 v31, v6  }
0x134: {  	[tilespmem:v59+s26+$0x0] =	vst.idx.msk $0xffff, v12  }
0x135: {  	[tilespmem:v1+s26+$0x0] =	vst.idx.msk $0xffff, v2;
	v2 =	vld [tilespmem:$0x1FD30]  }
0x136: {  	v3 =	vld [tilespmem:$0x1FD40]  }
0x137: {  	v10 =	vmul.f32 v31, v10  }
0x138: {  	v4 =	vmul.f32 v31, v4;
	v13 =	vmul.f32 v31, v25  }
0x139: {  	v14 =	vmul.f32 v31, v16;
	v6 =	vmul.f32 v31, v29  }
0x13a: {  	v16 =	vmul.f32 v31, v20;
	v0 =	vmul.f32 v31, v8  }
0x13b: {  	v8 =	vmul.f32 v31, v23;
	v18 =	vmul.f32 v31, v15  }
0x13c: {  	p0 =	sne.s32 s11, $0x1F0;
	v15 =	vmul.f32 v31, v17;
	v63 =	vmul.f32 v31, v28  }
.Ltmp2:
0x13d: {  	v19 =	vmul.f32 v31, v9;
	v9 =	vmul.f32 v31, v7;
	[tilespmem:v2+s26+$0x0] =	vst.idx.msk $0xffff, v10;
	(pc) =	sbr.rel @p0 .LBB2_3-.Ltmp2, $4  }
0x13e: {  	v7 =	vmul.f32 v31, v26;
	v1 =	vmul.f32 v31, v21;
	[tilespmem:v3+s26+$0x0] =	vst.idx.msk $0xffff, v0  }
0x13f: {  	v2 =	vmul.f32 v31, v30;
	v10 =	vmul.f32 v31, v11;
	[tilespmem:v5+s26+$0x0] =	vst.idx.msk $0xffff, v8  }
0x140: {  	v55 =	vld [tilespmem:$0x1FE10];
	v3 =	vmul.f32 v31, v27;
	v0 =	vmul.f32 v31, v33;
	[tilespmem:v62+s26+$0x0] =	vst.idx.msk $0xffff, v18  }
0x141: {  	s11 =	sadd.s32 $0x10, s11;
	v37 =	vlaneseq.u32;
	v54 =	vld [tilespmem:$0x1FE00];
	v5 =	vmul.f32 v31, v32;
	v8 =	vmul.f32 v31, v22;
	[tilespmem:v60+s26+$0x0] =	vst.idx.msk $0xffff, v63  }
0x142: {  	v11 =	vld [tilespmem:$0x1FD60];
	_ =	sdelay $0x7  }
0x143: {  	[tilespmem:v11+s26+$0x0] =	vst.idx.msk $0xffff, v19  }
0x144: {  	[tilespmem:v42+s26+$0x0] =	vst.idx.msk $0xffff, v13  }
0x145: {  	[tilespmem:v38+s26+$0x0] =	vst.idx.msk $0xffff, v14  }
0x146: {  	[tilespmem:v43+s26+$0x0] =	vst.idx.msk $0xffff, v6;
	v6 =	vld [tilespmem:$0x1FD50];
	_ =	sdelay $0x7  }
0x147: {  	[tilespmem:v6+s26+$0x0] =	vst.idx.msk $0xffff, v4  }
0x148: {  	[tilespmem:v41+s26+$0x0] =	vst.idx.msk $0xffff, v1;
	v1 =	vld [tilespmem:$0x1FD70];
	_ =	sdelay $0x5  }
0x149: {  	[tilespmem:v56+s26+$0x0] =	vst.idx.msk $0xffff, v15  }
0x14a: {  	[tilespmem:v48+s26+$0x0] =	vst.idx.msk $0xffff, v2  }
0x14b: {  	[tilespmem:v1+s26+$0x0] =	vst.idx.msk $0xffff, v9;
	v1 =	vld [tilespmem:$0x1FD80];
	_ =	sdelay $0x4  }
0x14c: {  	[tilespmem:v44+s26+$0x0] =	vst.idx.msk $0xffff, v7  }
0x14d: {  	[tilespmem:v39+s26+$0x0] =	vst.idx.msk $0xffff, v16  }
0x14e: {  	[tilespmem:v50+s26+$0x0] =	vst.idx.msk $0xffff, v5  }
0x14f: {  	[tilespmem:v1+s26+$0x0] =	vst.idx.msk $0xffff, v10  }
0x150: {  	[tilespmem:v45+s26+$0x0] =	vst.idx.msk $0xffff, v3  }
0x151: {  	v1 =	vmul.f32 v31, v53;
	[tilespmem:v40+s26+$0x0] =	vst.idx.msk $0xffff, v8  }
0x152: {  	v2 =	vmul.f32 v31, v57;
	[tilespmem:v52+s26+$0x0] =	vst.idx.msk $0xffff, v0  }
0x153: {  	s11 =	sshll.u32 s0, $0xF;
	v0 =	vmul.f32 v31, v58;
	[tilespmem:v46+s26+$0x0] =	vst.idx.msk $0xffff, v1  }
0x154: {  	s11 =	sadd.s32 s6, s11;
	v1 =	vmul.f32 v31, v61;
	[tilespmem:v49+s26+$0x0] =	vst.idx.msk $0xffff, v2  }
0x155: {  	s11 =	sshrl.u32 s11, $0x3;
	[tilespmem:v51+s26+$0x0] =	vst.idx.msk $0xffff, v0  }
0x156: {  	p0 =	seq.s32 s0, $0xC;
	s11 =	sadd.s32 s2, s11;
	[tilespmem:v47+s26+$0x0] =	vst.idx.msk $0xffff, v1  }
0x157: {  	[hbm4b:s11+s3] =	stream.linear.scatter [tilespmem:s26], [sflag:$0x3], $0x4000, $0x38;
	[tilespmem:$0x13400] =	vst v63  }
0x158: {  	s11 =	sshll.u32 @!p0 s0, $0xA  }
0x159: {  	s11 =	sand.u32 @!p0 $0x3FFFFC00, s11  }
0x15a: {  	s13 =	simm.s32 @!p0 $0x80;
	s14 =	simm.s32 @!p0 $0x3400;
	s12 =	sadd.s32 @!p0 $0x400, s11  }
0x15b: {  	[tilespmem:s14], [sflag:$0x1] =	stream.indirect.gather @!p0 [hbm4b:s4+s13], $0x20, s12, s13, $0xb8;
	[tilespmem:$0x13400] =	vst v63  }
0x15c: {  	s12 =	sadd.s32 @!p0 $0x480, s11;
	s14 =	simm.s32 @!p0 $0x4400  }
0x15d: {  	[tilespmem:s14], [sflag:$0x1] =	stream.indirect.gather @!p0 [hbm4b:s4+s13], $0x20, s12, s13, $0xb8;
	[tilespmem:$0x13400] =	vst v63  }
0x15e: {  	p1 =	seq.s32 @!p0 s0, $0x0;
	s12 =	sadd.s32 @!p0 $0x500, s11;
	s14 =	simm.s32 @!p0 $0x5400  }
0x15f: {  	[tilespmem:s14], [sflag:$0x1] =	stream.indirect.gather @!p0 [hbm4b:s4+s13], $0x20, s12, s13, $0xb8;
	[tilespmem:$0x13400] =	vst v63  }
0x160: {  	p1 =	por p0, !p1;
	s11 =	sadd.s32 @!p0 $0x580, s11;
	s12 =	simm.s32 @!p0 $0x6400  }
0x161: {  	[tilespmem:s12], [sflag:$0x1] =	stream.indirect.gather @!p0 [hbm4b:s4+s13], $0x20, s11, s13, $0xb8;
	[tilespmem:$0x13400] =	vst v63  }
0x162: {  	_ =	swait.ge @p1 [sflag:s31], $0x4000  }
0x163: {  	[sflag:s31] =	ssyncset.done @p1 $0x0  }
0x164: {  	[sflag:s31] =	ssyncadd.s32 @p1 $0xFFFFC000  }
0x165: {  	_ =	swait.ge [sflag:s28], $0x1000  }
0x166: {  	[sflag:s28] =	ssyncset.done $0x0  }
0x167: {  	[sflag:s28] =	ssyncadd.s32 $0xFFFFF000  }
0x168: {  	s14 =	simm.s32 $0x0;
	_ =	swait.ge [sflag:s28], $0x1000  }
0x169: {  	v0 =	vmov s14;
	[sflag:s28] =	ssyncset.done $0x0  }
0x16a: {  	v0 =	vshll.u32 v0, $0x5;
	[sflag:s28] =	ssyncadd.s32 $0xFFFFF000  }
0x16b: {  	v24 =	vor.u32 v54, v0;
	_ =	swait.ge [sflag:s28], $0x1000  }
0x16c: {  	v3 =	vor.u32 v55, v24;
	[sflag:s28] =	ssyncset.done $0x0  }
0x16d: {  	[tilespmem:$0x1FCB0] =	vst v3;
	[sflag:s28] =	ssyncadd.s32 $0xFFFFF000  }
0x16e: {  	_ =	swait.ge [sflag:s28], $0x1000  }
0x16f: {  	v0 =	vld [tilespmem:$0x1FE60];
	_ =	sdelay $0x4  }
0x170: {  	v4 =	vor.u32 v0, v24;
	v0 =	vld [tilespmem:$0x1FE40];
	_ =	sdelay $0x4  }
0x171: {  	v7 =	vor.u32 v0, v24;
	v0 =	vld [tilespmem:$0x1FE70];
	_ =	sdelay $0x4  }
0x172: {  	v5 =	vor.u32 v0, v24;
	v0 =	vld [tilespmem:$0x1FE80];
	_ =	sdelay $0x4  }
0x173: {  	v2 =	vor.u32 v0, v24;
	v0 =	vld [tilespmem:$0x1FFB0];
	_ =	sdelay $0x4  }
0x174: {  	v1 =	vor.u32 v0, v24;
	v0 =	vld [tilespmem:$0x1FEC0];
	_ =	sdelay $0x1  }
0x175: {  	[sflag:s28] =	ssyncset.done $0x0  }
0x176: {  	[sflag:s28] =	ssyncadd.s32 $0xFFFFF000  }
0x177: {  	v20 =	vld.idx.msk [tilespmem:v3+s16+$0x0], $0xffff  }
0x178: {  	v3 =	vor.u32 v0, v24;
	v0 =	vld [tilespmem:$0x1FE20];
	_ =	sdelay $0x4  }
0x179: {  	v13 =	vor.u32 v0, v24;
	v0 =	vld [tilespmem:$0x1FE30];
	_ =	sdelay $0x3  }
0x17a: {  	v14 =	vld.idx.msk [tilespmem:v4+s16+$0x0], $0xffff  }
0x17b: {  	[tilespmem:$0x1FCD0] =	vst v4;
	v4 =	vor.u32 v0, v24;
	v0 =	vld [tilespmem:$0x1FEA0];
	_ =	sdelay $0x3  }
0x17c: {  	v17 =	vld.idx.msk [tilespmem:v5+s16+$0x0], $0xffff  }
0x17d: {  	[tilespmem:$0x1FCE0] =	vst v5;
	v5 =	vor.u32 v0, v24;
	v0 =	vld [tilespmem:$0x1FF10];
	_ =	sdelay $0x3  }
0x17e: {  	v16 =	vld.idx.msk [tilespmem:v2+s16+$0x0], $0xffff  }
0x17f: {  	[tilespmem:$0x1FCF0] =	vst v2;
	v2 =	vor.u32 v0, v24;
	v0 =	vld [tilespmem:$0x1FEE0];
	_ =	sdelay $0x4  }
0x180: {  	v38 =	vor.u32 v0, v24;
	v0 =	vld [tilespmem:$0x1FF70];
	_ =	sdelay $0x2  }
0x181: {  	v21 =	vld.idx.msk [tilespmem:v7+s16+$0x0], $0xffff  }
0x182: {  	[tilespmem:$0x1FCC0] =	vst v7;
	v7 =	vld.idx.msk [tilespmem:v1+s16+$0x0], $0xffff  }
0x183: {  	[tilespmem:$0x1FC70] =	vst v1;
	v1 =	vor.u32 v0, v24;
	v0 =	vld [tilespmem:$0x1FF20];
	_ =	sdelay $0x4  }
0x184: {  	v56 =	vor.u32 v0, v24;
	v0 =	vld [tilespmem:$0x1FE50];
	_ =	sdelay $0x4  }
0x185: {  	v18 =	vor.u32 v0, v24;
	v0 =	vld [tilespmem:$0x1FE90];
	_ =	sdelay $0x3  }
0x186: {  	v15 =	vld.idx.msk [tilespmem:v3+s16+$0x0], $0xffff  }
0x187: {  	[tilespmem:$0x1FC80] =	vst v3;
	v3 =	vor.u32 v0, v24;
	v0 =	vld [tilespmem:$0x1FF00];
	_ =	sdelay $0x4  }
0x188: {  	v41 =	vor.u32 v0, v24;
	v0 =	vld [tilespmem:$0x1FF50];
	_ =	sdelay $0x4  }
0x189: {  	v39 =	vor.u32 v0, v24;
	v0 =	vld [tilespmem:$0x1FED0];
	_ =	sdelay $0x4  }
0x18a: {  	v42 =	vor.u32 v0, v24;
	v0 =	vld [tilespmem:$0x1FEB0];
	_ =	sdelay $0x4  }
0x18b: {  	v12 =	vor.u32 v0, v24;
	v0 =	vld [tilespmem:$0x1FF90];
	_ =	sdelay $0x4  }
0x18c: {  	v40 =	vor.u32 v0, v24;
	v0 =	vld [tilespmem:$0x1FEF0];
	_ =	sdelay $0x4  }
0x18d: {  	v43 =	vor.u32 v0, v24;
	v0 =	vld [tilespmem:$0x1FF40];
	_ =	sdelay $0x4  }
0x18e: {  	v44 =	vor.u32 v0, v24;
	v0 =	vld [tilespmem:$0x1FF30];
	_ =	sdelay $0x4  }
0x18f: {  	v48 =	vor.u32 v0, v24;
	v0 =	vld [tilespmem:$0x1FF80];
	_ =	sdelay $0x4  }
0x190: {  	v45 =	vor.u32 v0, v24;
	v0 =	vld [tilespmem:$0x1FF60];
	_ =	sdelay $0x1  }
0x191: {  	v6 =	vor.u32 v37, v24;
	_ =	sdelay $0x2  }
0x192: {  	v50 =	vor.u32 v0, v24;
	v0 =	vld [tilespmem:$0x1FFC0];
	_ =	sdelay $0x1  }
0x193: {  	v19 =	vld.idx.msk [tilespmem:v6+s16+$0x0], $0xffff  }
0x194: {  	v25 =	vld.idx.msk [tilespmem:v13+s16+$0x0], $0xffff  }
0x195: {  	v26 =	vld.idx.msk [tilespmem:v4+s16+$0x0], $0xffff  }
0x196: {  	v46 =	vor.u32 v0, v24;
	v0 =	vld [tilespmem:$0x1FFA0]  }
0x197: {  	v27 =	vld.idx.msk [tilespmem:v5+s16+$0x0], $0xffff  }
0x198: {  	v9 =	vld.idx.msk [tilespmem:v2+s16+$0x0], $0xffff  }
0x199: {  	v22 =	vld.idx.msk [tilespmem:v38+s16+$0x0], $0xffff  }
0x19a: {  	v10 =	vld.idx.msk [tilespmem:v1+s16+$0x0], $0xffff  }
0x19b: {  	v28 =	vmul.f32 v19, v19;
	v29 =	vmul.f32 v21, v21;
	v51 =	vor.u32 v0, v24;
	v0 =	vld [tilespmem:$0x1FFD0]  }
0x19c: {  	v23 =	vld.idx.msk [tilespmem:v56+s16+$0x0], $0xffff  }
0x19d: {  	v28 =	vadd.f32 v29, v28;
	v31 =	vmul.f32 v16, v16;
	v30 =	vld.idx.msk [tilespmem:v18+s16+$0x0], $0xffff  }
0x19e: {  	v33 =	vld.idx.msk [tilespmem:v3+s16+$0x0], $0xffff  }
0x19f: {  	v28 =	vadd.f32 v31, v28;
	v61 =	vmul.f32 v15, v15;
	v34 =	vld.idx.msk [tilespmem:v41+s16+$0x0], $0xffff  }
0x1a0: {  	v49 =	vor.u32 v0, v24;
	v0 =	vld [tilespmem:$0x1FFE0]  }
0x1a1: {  	v31 =	vmul.f32 v7, v7;
	v28 =	vadd.f32 v61, v28;
	v35 =	vld.idx.msk [tilespmem:v39+s16+$0x0], $0xffff  }
0x1a2: {  	v32 =	vmul.f32 v14, v14;
	v62 =	vmul.f32 v25, v25;
	v36 =	vld.idx.msk [tilespmem:v42+s16+$0x0], $0xffff  }
0x1a3: {  	v52 =	vmul.f32 v20, v20;
	v28 =	vadd.f32 v31, v28;
	v31 =	vmul.f32 v30, v30;
	v59 =	vld.idx.msk [tilespmem:v12+s16+$0x0], $0xffff  }
0x1a4: {  	v29 =	vmul.f32 v17, v17;
	v32 =	vadd.f32 v32, v62;
	v53 =	vmul.f32 v27, v27;
	v60 =	vld.idx.msk [tilespmem:v40+s16+$0x0], $0xffff  }
0x1a5: {  	v63 =	vmul.f32 v26, v26;
	v31 =	vadd.f32 v31, v52;
	v52 =	vor.u32 v0, v24;
	v0 =	vld [tilespmem:$0x1FFF0]  }
0x1a6: {  	[tilespmem:$0x1FD10] =	vst v5;
	v32 =	vadd.f32 v53, v32;
	v58 =	vmul.f32 v22, v22;
	v61 =	vld.idx.msk [tilespmem:v43+s16+$0x0], $0xffff  }
0x1a7: {  	[tilespmem:$0x1FC90] =	vst v2;
	v29 =	vadd.f32 v29, v63;
	v63 =	vld.idx.msk [tilespmem:v44+s16+$0x0], $0xffff  }
0x1a8: {  	[tilespmem:$0x1FCA0] =	vst v1;
	v32 =	vadd.f32 v58, v32;
	v57 =	vmul.f32 v23, v23;
	v5 =	vld.idx.msk [tilespmem:v48+s16+$0x0], $0xffff  }
0x1a9: {  	[tilespmem:$0x1FD00] =	vst v3;
	v58 =	vmul.f32 v33, v33;
	v8 =	vld.idx.msk [tilespmem:v45+s16+$0x0], $0xffff  }
0x1aa: {  	v32 =	vadd.f32 v57, v32;
	v62 =	vmul.f32 v59, v59;
	v3 =	vld.idx.msk [tilespmem:v50+s16+$0x0], $0xffff;
	v47 =	vor.u32 v0, v24  }
0x1ab: {  	v57 =	vmul.f32 v9, v9;
	v31 =	vadd.f32 v58, v31;
	v58 =	vmul.f32 v36, v36;
	v53 =	vld.idx.msk [tilespmem:v46+s16+$0x0], $0xffff  }
0x1ac: {  	v11 =	vld.idx.msk [tilespmem:v51+s16+$0x0], $0xffff;
	v24 =	vadd.f32 v62, v29;
	v29 =	vmul.f32 v35, v35;
	v62 =	vmul.f32 v61, v61  }
0x1ad: {  	v28 =	vadd.f32 v57, v28;
	v31 =	vadd.f32 v58, v31;
	v57 =	vld.idx.msk [tilespmem:v49+s16+$0x0], $0xffff;
	v0 =	vmul.f32 v34, v34  }
0x1ae: {  	v58 =	vld.idx.msk [tilespmem:v52+s16+$0x0], $0xffff;
	v29 =	vadd.f32 v29, v32;
	v24 =	vadd.f32 v62, v24;
	v32 =	vmul.f32 v5, v5  }
0x1af: {  	v1 =	vmul.f32 v63, v63;
	v2 =	vadd.f32 v0, v31;
	v31 =	vmul.f32 v10, v10;
	v62 =	vld.idx.msk [tilespmem:v47+s16+$0x0], $0xffff  }
0x1b0: {  	v0 =	vmul.f32 v3, v3;
	v24 =	vadd.f32 v32, v24;
	v32 =	vmul.f32 v60, v60  }
0x1b1: {  	v28 =	vadd.f32 v31, v28;
	v1 =	vadd.f32 v1, v2;
	v2 =	vmul.f32 v8, v8  }
0x1b2: {  	v31 =	vmul.f32 v57, v57;
	v0 =	vadd.f32 v0, v24;
	v24 =	vmul.f32 v11, v11  }
0x1b3: {  	v29 =	vadd.f32 v32, v29;
	v1 =	vadd.f32 v2, v1;
	v2 =	vmul.f32 v53, v53  }
0x1b4: {  	v0 =	vadd.f32 v24, v0;
	v24 =	vmul.f32 v58, v58;
	v32 =	vmul.f32 v62, v62  }
0x1b5: {  	v2 =	vadd.f32 v2, v28;
	v1 =	vadd.f32 v31, v1  }
0x1b6: {  	v24 =	vadd.f32 v24, v29;
	v0 =	vadd.f32 v32, v0;
	_ =	sdelay $0x1  }
0x1b7: {  	v1 =	vadd.f32 v1, v2;
	v0 =	vadd.f32 v0, v24;
	_ =	sdelay $0x1  }
0x1b8: {  	v0 =	vadd.f32 v0, v1;
	_ =	sdelay $0x1  }
0x1b9: {  	v1 =	vshra.s32 v0, $0x1;
	v2 =	vmul.f32 $5.000000000e-01, v0  }
0x1ba: {  	v1 =	vsub.s32 $0x5F3759DF, v1  }
0x1bb: {  	v32 =	vmul.f32 v1, v2;
	_ =	sdelay $0x1  }
0x1bc: {  	v24 =	vmul.f32 v1, v32;
	_ =	sdelay $0x1  }
0x1bd: {  	v24 =	vsub.f32 $1.500000000e+00, v24;
	_ =	sdelay $0x1  }
0x1be: {  	v1 =	vmul.f32 v1, v24;
	_ =	sdelay $0x1  }
0x1bf: {  	v2 =	vmul.f32 v1, v2;
	_ =	sdelay $0x1  }
0x1c0: {  	v2 =	vmul.f32 v2, v1;
	_ =	sdelay $0x1  }
0x1c1: {  	v2 =	vsub.f32 $1.500000000e+00, v2;
	_ =	sdelay $0x1  }
0x1c2: {  	v1 =	vmul.f32 v2, v1  }
0x1c3: {  	vm0 =	vgt.f32 v0, $1.000000000e+00  }
0x1c4: {  	v31 =	vnsel vm0, $0x3F800000, v1  }
0x1c5: {  	v1 =	vmul.f32 v31, v20;
	v20 =	vld [tilespmem:$0x1FCB0];
	_ =	sdelay $0x4  }
0x1c6: {  	v0 =	vmul.f32 v31, v19;
	_ =	sdelay $0x1  }
0x1c7: {  	v2 =	vmul.f32 v31, v25;
	[tilespmem:v6+s29+$0x0] =	vst.idx.msk $0xffff, v0  }
0x1c8: {  	[tilespmem:v20+s29+$0x0] =	vst.idx.msk $0xffff, v1  }
0x1c9: {  	[tilespmem:v13+s29+$0x0] =	vst.idx.msk $0xffff, v2;
	v2 =	vld [tilespmem:$0x1FCC0];
	_ =	sdelay $0x4  }
0x1ca: {  	v19 =	vmul.f32 v31, v26  }
0x1cb: {  	v0 =	vmul.f32 v31, v21  }
0x1cc: {  	[tilespmem:v4+s29+$0x0] =	vst.idx.msk $0xffff, v19  }
0x1cd: {  	[tilespmem:v2+s29+$0x0] =	vst.idx.msk $0xffff, v0;
	v0 =	vld [tilespmem:$0x1FCD0];
	_ =	sdelay $0x4  }
0x1ce: {  	v6 =	vmul.f32 v31, v30  }
0x1cf: {  	v1 =	vmul.f32 v31, v14  }
0x1d0: {  	[tilespmem:v18+s29+$0x0] =	vst.idx.msk $0xffff, v6  }
0x1d1: {  	[tilespmem:v0+s29+$0x0] =	vst.idx.msk $0xffff, v1;
	v0 =	vld [tilespmem:$0x1FCE0];
	_ =	sdelay $0x5  }
0x1d2: {  	v17 =	vmul.f32 v31, v17;
	_ =	sdelay $0x1  }
0x1d3: {  	[tilespmem:v0+s29+$0x0] =	vst.idx.msk $0xffff, v17;
	v0 =	vld [tilespmem:$0x1FCF0];
	_ =	sdelay $0x5  }
0x1d4: {  	v16 =	vmul.f32 v31, v16;
	_ =	sdelay $0x1  }
0x1d5: {  	[tilespmem:v0+s29+$0x0] =	vst.idx.msk $0xffff, v16;
	v0 =	vld [tilespmem:$0x1FD00];
	_ =	sdelay $0x5  }
0x1d6: {  	v20 =	vmul.f32 v31, v33;
	_ =	sdelay $0x1  }
0x1d7: {  	[tilespmem:v0+s29+$0x0] =	vst.idx.msk $0xffff, v20;
	v0 =	vld [tilespmem:$0x1FD10]  }
0x1d8: {  	v59 =	vmul.f32 v31, v59;
	v9 =	vmul.f32 v31, v9  }
0x1d9: {  	v10 =	vmul.f32 v31, v10;
	v33 =	vmul.f32 v31, v27  }
0x1da: {  	v14 =	vmul.f32 v31, v22;
	v13 =	vmul.f32 v31, v36  }
0x1db: {  	v19 =	vmul.f32 v31, v15;
	v4 =	vmul.f32 v31, v7  }
0x1dc: {  	v15 =	vmul.f32 v31, v23;
	v7 =	vmul.f32 v31, v63  }
0x1dd: {  	v2 =	vmul.f32 v31, v5;
	v5 =	vmul.f32 v31, v3  }
0x1de: {  	v3 =	vmul.f32 v31, v8;
	v8 =	vmul.f32 v31, v60  }
0x1df: {  	v6 =	vmul.f32 v31, v61;
	v1 =	vmul.f32 v31, v34;
	[tilespmem:v0+s29+$0x0] =	vst.idx.msk $0xffff, v33  }
0x1e0: {  	s11 =	simm.s32 $0x10;
	v16 =	vmul.f32 v31, v35;
	v0 =	vmul.f32 v31, v11;
	[tilespmem:v12+s29+$0x0] =	vst.idx.msk $0xffff, v59  }
.LBB2_5:
0x1e1: {  	v11 =	vld [tilespmem:$0x1FC80];
	_ =	sdelay $0x7  }
0x1e2: {  	[tilespmem:v11+s29+$0x0] =	vst.idx.msk $0xffff, v19  }
0x1e3: {  	[tilespmem:v42+s29+$0x0] =	vst.idx.msk $0xffff, v13  }
0x1e4: {  	[tilespmem:v38+s29+$0x0] =	vst.idx.msk $0xffff, v14  }
0x1e5: {  	[tilespmem:v43+s29+$0x0] =	vst.idx.msk $0xffff, v6;
	v6 =	vld [tilespmem:$0x1FC70];
	_ =	sdelay $0x7  }
0x1e6: {  	[tilespmem:v6+s29+$0x0] =	vst.idx.msk $0xffff, v4  }
0x1e7: {  	[tilespmem:v41+s29+$0x0] =	vst.idx.msk $0xffff, v1;
	v1 =	vld [tilespmem:$0x1FC90];
	_ =	sdelay $0x2  }
0x1e8: {  	[tilespmem:v56+s29+$0x0] =	vst.idx.msk $0xffff, v15  }
0x1e9: {  	[tilespmem:v48+s29+$0x0] =	vst.idx.msk $0xffff, v2;
	v2 =	vld [tilespmem:$0x1FCA0];
	_ =	sdelay $0x3  }
0x1ea: {  	[tilespmem:v1+s29+$0x0] =	vst.idx.msk $0xffff, v9  }
0x1eb: {  	v4 =	vld [tilespmem:$0x1FE70];
	[tilespmem:v44+s29+$0x0] =	vst.idx.msk $0xffff, v7  }
0x1ec: {  	s12 =	smov.u32 s11;
	[tilespmem:v39+s29+$0x0] =	vst.idx.msk $0xffff, v16  }
0x1ed: {  	v12 =	vmul.f32 v31, v57;
	v1 =	vmov s12;
	[tilespmem:v50+s29+$0x0] =	vst.idx.msk $0xffff, v5  }
0x1ee: {  	v17 =	vmul.f32 v31, v62;
	v11 =	vmul.f32 v31, v53;
	v1 =	vshll.u32 v1, $0x5;
	[tilespmem:v2+s29+$0x0] =	vst.idx.msk $0xffff, v10  }
0x1ef: {  	v13 =	vmul.f32 v31, v58;
	v31 =	vor.u32 v54, v1;
	[tilespmem:v45+s29+$0x0] =	vst.idx.msk $0xffff, v3  }
0x1f0: {  	[tilespmem:v40+s29+$0x0] =	vst.idx.msk $0xffff, v8;
	v8 =	vor.u32 v4, v31;
	v4 =	vld [tilespmem:$0x1FE80];
	_ =	sdelay $0x4  }
0x1f1: {  	v5 =	vor.u32 v4, v31;
	v4 =	vld [tilespmem:$0x1FEC0];
	_ =	sdelay $0x3  }
0x1f2: {  	v1 =	vld [tilespmem:$0x1FE30]  }
0x1f3: {  	v9 =	vor.u32 v4, v31;
	v4 =	vld [tilespmem:$0x1FFB0]  }
0x1f4: {  	v28 =	vld [tilespmem:$0x1FEF0]  }
0x1f5: {  	v36 =	vld [tilespmem:$0x1FF30]  }
0x1f6: {  	v57 =	vld [tilespmem:$0x1FF80]  }
0x1f7: {  	v63 =	vor.u32 v1, v31;
	v1 =	vld [tilespmem:$0x1FE50]  }
0x1f8: {  	v7 =	vor.u32 v4, v31;
	v4 =	vld [tilespmem:$0x1FEA0]  }
0x1f9: {  	v35 =	vld [tilespmem:$0x1FF60]  }
0x1fa: {  	v43 =	vor.u32 v28, v31;
	v28 =	vld [tilespmem:$0x1FF90]  }
0x1fb: {  	v48 =	vor.u32 v36, v31;
	v36 =	vld [tilespmem:$0x1FFC0]  }
0x1fc: {  	v59 =	vor.u32 v1, v31;
	v1 =	vld [tilespmem:$0x1FE60]  }
0x1fd: {  	[tilespmem:v51+s29+$0x0] =	vst.idx.msk $0xffff, v0;
	v61 =	vor.u32 v4, v31;
	v4 =	vld [tilespmem:$0x1FEB0]  }
0x1fe: {  	v50 =	vor.u32 v35, v31;
	v35 =	vld [tilespmem:$0x1FFD0];
	[tilespmem:v46+s29+$0x0] =	vst.idx.msk $0xffff, v11  }
0x1ff: {  	v0 =	vld [tilespmem:$0x1FE20];
	[tilespmem:v49+s29+$0x0] =	vst.idx.msk $0xffff, v12  }
0x200: {  	v11 =	vld [tilespmem:$0x1FF20];
	[tilespmem:v52+s29+$0x0] =	vst.idx.msk $0xffff, v13  }
0x201: {  	[tilespmem:v47+s29+$0x0] =	vst.idx.msk $0xffff, v17;
	v6 =	vor.u32 v1, v31;
	v1 =	vld [tilespmem:$0x1FE40]  }
0x202: {  	v60 =	vor.u32 v4, v31;
	v4 =	vld.idx.msk [tilespmem:v7+s16+$0x0], $0xffff  }
0x203: {  	[tilespmem:$0x1FC70] =	vst v7;
	v7 =	vld [tilespmem:$0x1FF10]  }
0x204: {  	v46 =	vor.u32 v36, v31;
	v36 =	vld [tilespmem:$0x1FFF0]  }
0x205: {  	v3 =	vor.u32 v37, v31;
	v49 =	vor.u32 v35, v31;
	v35 =	vld [tilespmem:$0x1FFE0]  }
0x206: {  	v10 =	vld.idx.msk [tilespmem:v8+s16+$0x0], $0xffff  }
0x207: {  	v19 =	vld.idx.msk [tilespmem:v63+s16+$0x0], $0xffff;
	v1 =	vor.u32 v1, v31  }
0x208: {  	v16 =	vor.u32 v7, v31;
	v7 =	vld [tilespmem:$0x1FEE0]  }
0x209: {  	v56 =	vor.u32 v11, v31;
	v11 =	vld [tilespmem:$0x1FF50]  }
0x20a: {  	v0 =	vor.u32 v0, v31;
	v12 =	vld.idx.msk [tilespmem:v3+s16+$0x0], $0xffff  }
0x20b: {  	[tilespmem:$0x1FC50] =	vst v8;
	v8 =	vld.idx.msk [tilespmem:v5+s16+$0x0], $0xffff  }
0x20c: {  	v13 =	vld.idx.msk [tilespmem:v1+s16+$0x0], $0xffff  }
0x20d: {  	v38 =	vor.u32 v7, v31;
	v7 =	vld [tilespmem:$0x1FF70]  }
0x20e: {  	v20 =	vmul.f32 v10, v10;
	v27 =	vmul.f32 v19, v19;
	v39 =	vor.u32 v11, v31;
	v11 =	vld [tilespmem:$0x1FF00]  }
0x20f: {  	v18 =	vld.idx.msk [tilespmem:v0+s16+$0x0], $0xffff  }
0x210: {  	[tilespmem:$0x1FC60] =	vst v5;
	v33 =	vadd.f32 v20, v27;
	v20 =	vld [tilespmem:$0x1FF40]  }
0x211: {  	v2 =	vor.u32 v55, v31;
	v5 =	vmul.f32 v12, v12;
	[tilespmem:$0x1FC80] =	vst v9;
	v9 =	vld.idx.msk [tilespmem:v9+s16+$0x0], $0xffff  }
0x212: {  	[tilespmem:$0x1FC40] =	vst v6;
	v6 =	vld.idx.msk [tilespmem:v6+s16+$0x0], $0xffff;
	v23 =	vor.u32 v7, v31;
	v7 =	vmul.f32 v13, v13  }
0x213: {  	v41 =	vor.u32 v11, v31;
	v11 =	vld [tilespmem:$0x1FED0]  }
0x214: {  	v17 =	vadd.f32 v7, v5;
	v5 =	vld [tilespmem:$0x1FE90]  }
0x215: {  	v21 =	vmul.f32 v8, v8;
	v15 =	vld.idx.msk [tilespmem:v61+s16+$0x0], $0xffff  }
0x216: {  	v7 =	vld.idx.msk [tilespmem:v16+s16+$0x0], $0xffff  }
0x217: {  	v40 =	vor.u32 v28, v31;
	v14 =	vld.idx.msk [tilespmem:v2+s16+$0x0], $0xffff;
	v25 =	vmul.f32 v9, v9;
	v21 =	vadd.f32 v21, v17  }
0x218: {  	v58 =	vmul.f32 v18, v18;
	v22 =	vmul.f32 v6, v6;
	v42 =	vor.u32 v11, v31;
	v11 =	vld.idx.msk [tilespmem:v23+s16+$0x0], $0xffff  }
0x219: {  	v24 =	vld.idx.msk [tilespmem:v59+s16+$0x0], $0xffff;
	v26 =	vmul.f32 v4, v4;
	v62 =	vadd.f32 v25, v21;
	v5 =	vor.u32 v5, v31  }
0x21a: {  	v44 =	vor.u32 v20, v31;
	v22 =	vadd.f32 v22, v58;
	[tilespmem:$0x1FC90] =	vst v16;
	v16 =	vld.idx.msk [tilespmem:v38+s16+$0x0], $0xffff  }
0x21b: {  	v20 =	vld.idx.msk [tilespmem:v39+s16+$0x0], $0xffff;
	v28 =	vmul.f32 v15, v15;
	v29 =	vmul.f32 v7, v7;
	v26 =	vadd.f32 v26, v62  }
0x21c: {  	v17 =	vld.idx.msk [tilespmem:v56+s16+$0x0], $0xffff  }
0x21d: {  	v22 =	vadd.f32 v28, v22;
	v28 =	vld.idx.msk [tilespmem:v60+s16+$0x0], $0xffff;
	v27 =	vmul.f32 v11, v11;
	v62 =	vadd.f32 v29, v26  }
0x21e: {  	[tilespmem:$0x1FCA0] =	vst v23;
	v23 =	vld.idx.msk [tilespmem:v5+s16+$0x0], $0xffff  }
0x21f: {  	v32 =	vmul.f32 v16, v16;
	v34 =	vadd.f32 v27, v62;
	v62 =	vld [tilespmem:$0x1FFA0]  }
0x220: {  	v45 =	vor.u32 v57, v31;
	v30 =	vmul.f32 v14, v14;
	v25 =	vld.idx.msk [tilespmem:v42+s16+$0x0], $0xffff  }
0x221: {  	v58 =	vmul.f32 v24, v24;
	v32 =	vadd.f32 v32, v22;
	v37 =	vmul.f32 v17, v17;
	v22 =	vld.idx.msk [tilespmem:v40+s16+$0x0], $0xffff  }
0x222: {  	v29 =	vld.idx.msk [tilespmem:v43+s16+$0x0], $0xffff  }
0x223: {  	v21 =	vld.idx.msk [tilespmem:v41+s16+$0x0], $0xffff;
	v32 =	vadd.f32 v37, v32;
	v37 =	vadd.f32 v58, v30;
	v52 =	vmul.f32 v23, v23  }
0x224: {  	v26 =	vld.idx.msk [tilespmem:v44+s16+$0x0], $0xffff;
	v51 =	vor.u32 v62, v31  }
0x225: {  	v47 =	vor.u32 v36, v31;
	v57 =	vmul.f32 v20, v20;
	v30 =	vld.idx.msk [tilespmem:v48+s16+$0x0], $0xffff;
	v53 =	vadd.f32 v52, v37  }
0x226: {  	v27 =	vld.idx.msk [tilespmem:v45+s16+$0x0], $0xffff;
	v37 =	vmul.f32 v25, v25;
	v52 =	vor.u32 v35, v31;
	v31 =	vmul.f32 v28, v28  }
0x227: {  	v57 =	vadd.f32 v57, v32;
	v32 =	vld.idx.msk [tilespmem:v50+s16+$0x0], $0xffff;
	v36 =	vmul.f32 v29, v29;
	v35 =	vmul.f32 v22, v22  }
0x228: {  	v62 =	vmul.f32 v21, v21;
	v58 =	vadd.f32 v37, v53;
	v53 =	vld.idx.msk [tilespmem:v46+s16+$0x0], $0xffff;
	v31 =	vadd.f32 v31, v33  }
0x229: {  	v54 =	vmul.f32 v26, v26;
	v35 =	vadd.f32 v35, v57;
	v33 =	vld.idx.msk [tilespmem:v51+s16+$0x0], $0xffff  }
0x22a: {  	v57 =	vld.idx.msk [tilespmem:v49+s16+$0x0], $0xffff;
	v62 =	vadd.f32 v62, v58;
	v31 =	vadd.f32 v36, v31;
	v36 =	vmul.f32 v30, v30  }
0x22b: {  	v58 =	vld.idx.msk [tilespmem:v52+s16+$0x0], $0xffff  }
0x22c: {  	v55 =	vmul.f32 v32, v32;
	v37 =	vadd.f32 v54, v62;
	v62 =	vld.idx.msk [tilespmem:v47+s16+$0x0], $0xffff;
	v31 =	vadd.f32 v36, v31  }
0x22d: {  	v54 =	vmul.f32 v27, v27  }
0x22e: {  	v31 =	vadd.f32 v55, v31;
	v36 =	vmul.f32 v33, v33  }
0x22f: {  	v37 =	vadd.f32 v54, v37;
	v54 =	vmul.f32 v53, v53  }
0x230: {  	v55 =	vmul.f32 v57, v57;
	v31 =	vadd.f32 v36, v31  }
0x231: {  	v34 =	vadd.f32 v54, v34;
	v36 =	vmul.f32 v58, v58;
	v54 =	vmul.f32 v62, v62  }
0x232: {  	v37 =	vadd.f32 v55, v37  }
0x233: {  	v35 =	vadd.f32 v36, v35;
	v31 =	vadd.f32 v54, v31;
	_ =	sdelay $0x1  }
0x234: {  	v34 =	vadd.f32 v37, v34;
	v31 =	vadd.f32 v31, v35;
	_ =	sdelay $0x1  }
0x235: {  	v31 =	vadd.f32 v31, v34;
	_ =	sdelay $0x1  }
0x236: {  	v34 =	vshra.s32 v31, $0x1;
	v35 =	vmul.f32 $5.000000000e-01, v31  }
0x237: {  	v34 =	vsub.s32 $0x5F3759DF, v34  }
0x238: {  	v36 =	vmul.f32 v34, v35;
	_ =	sdelay $0x1  }
0x239: {  	v36 =	vmul.f32 v34, v36;
	_ =	sdelay $0x1  }
0x23a: {  	v36 =	vsub.f32 $1.500000000e+00, v36;
	_ =	sdelay $0x1  }
0x23b: {  	v34 =	vmul.f32 v34, v36;
	_ =	sdelay $0x1  }
0x23c: {  	v35 =	vmul.f32 v34, v35;
	_ =	sdelay $0x1  }
0x23d: {  	v35 =	vmul.f32 v35, v34;
	_ =	sdelay $0x1  }
0x23e: {  	v35 =	vsub.f32 $1.500000000e+00, v35;
	_ =	sdelay $0x1  }
0x23f: {  	v34 =	vmul.f32 v35, v34  }
0x240: {  	vm0 =	vgt.f32 v31, $1.000000000e+00  }
0x241: {  	v31 =	vnsel vm0, $0x3F800000, v34  }
0x242: {  	v12 =	vmul.f32 v31, v12  }
0x243: {  	v14 =	vmul.f32 v31, v14  }
0x244: {  	v18 =	vmul.f32 v31, v18;
	[tilespmem:v3+s29+$0x0] =	vst.idx.msk $0xffff, v12  }
0x245: {  	v19 =	vmul.f32 v31, v19;
	[tilespmem:v2+s29+$0x0] =	vst.idx.msk $0xffff, v14  }
0x246: {  	v3 =	vmul.f32 v31, v13;
	[tilespmem:v0+s29+$0x0] =	vst.idx.msk $0xffff, v18  }
0x247: {  	[tilespmem:v63+s29+$0x0] =	vst.idx.msk $0xffff, v19  }
0x248: {  	[tilespmem:v1+s29+$0x0] =	vst.idx.msk $0xffff, v3;
	v1 =	vld [tilespmem:$0x1FC40];
	_ =	sdelay $0x4  }
0x249: {  	v12 =	vmul.f32 v31, v24  }
0x24a: {  	v2 =	vmul.f32 v31, v6  }
0x24b: {  	[tilespmem:v59+s29+$0x0] =	vst.idx.msk $0xffff, v12  }
0x24c: {  	[tilespmem:v1+s29+$0x0] =	vst.idx.msk $0xffff, v2;
	v2 =	vld [tilespmem:$0x1FC50]  }
0x24d: {  	v3 =	vld [tilespmem:$0x1FC60]  }
0x24e: {  	v10 =	vmul.f32 v31, v10  }
0x24f: {  	v4 =	vmul.f32 v31, v4;
	v13 =	vmul.f32 v31, v25  }
0x250: {  	v14 =	vmul.f32 v31, v16;
	v6 =	vmul.f32 v31, v29  }
0x251: {  	v16 =	vmul.f32 v31, v20;
	v0 =	vmul.f32 v31, v8  }
0x252: {  	v8 =	vmul.f32 v31, v23;
	v18 =	vmul.f32 v31, v15  }
0x253: {  	p1 =	sne.s32 s11, $0x1F0;
	v15 =	vmul.f32 v31, v17;
	v63 =	vmul.f32 v31, v28  }
.Ltmp3:
0x254: {  	v19 =	vmul.f32 v31, v9;
	v9 =	vmul.f32 v31, v7;
	[tilespmem:v2+s29+$0x0] =	vst.idx.msk $0xffff, v10;
	(pc) =	sbr.rel @p1 .LBB2_5-.Ltmp3, $4  }
0x255: {  	v7 =	vmul.f32 v31, v26;
	v1 =	vmul.f32 v31, v21;
	[tilespmem:v3+s29+$0x0] =	vst.idx.msk $0xffff, v0  }
0x256: {  	v2 =	vmul.f32 v31, v30;
	v10 =	vmul.f32 v31, v11;
	[tilespmem:v5+s29+$0x0] =	vst.idx.msk $0xffff, v8  }
0x257: {  	v55 =	vld [tilespmem:$0x1FE10];
	v3 =	vmul.f32 v31, v27;
	v0 =	vmul.f32 v31, v33;
	[tilespmem:v61+s29+$0x0] =	vst.idx.msk $0xffff, v18  }
0x258: {  	s11 =	sadd.s32 $0x10, s11;
	v37 =	vlaneseq.u32;
	v54 =	vld [tilespmem:$0x1FE00];
	v5 =	vmul.f32 v31, v32;
	v8 =	vmul.f32 v31, v22;
	[tilespmem:v60+s29+$0x0] =	vst.idx.msk $0xffff, v63  }
0x259: {  	v11 =	vld [tilespmem:$0x1FC80];
	_ =	sdelay $0x7  }
0x25a: {  	[tilespmem:v11+s29+$0x0] =	vst.idx.msk $0xffff, v19  }
0x25b: {  	[tilespmem:v42+s29+$0x0] =	vst.idx.msk $0xffff, v13  }
0x25c: {  	[tilespmem:v38+s29+$0x0] =	vst.idx.msk $0xffff, v14  }
0x25d: {  	[tilespmem:v43+s29+$0x0] =	vst.idx.msk $0xffff, v6;
	v43 =	vld [tilespmem:$0x1FC70];
	_ =	sdelay $0x7  }
0x25e: {  	[tilespmem:v43+s29+$0x0] =	vst.idx.msk $0xffff, v4  }
0x25f: {  	[tilespmem:v41+s29+$0x0] =	vst.idx.msk $0xffff, v1  }
0x260: {  	[tilespmem:v56+s29+$0x0] =	vst.idx.msk $0xffff, v15  }
0x261: {  	[tilespmem:v48+s29+$0x0] =	vst.idx.msk $0xffff, v2;
	v48 =	vld [tilespmem:$0x1FC90];
	_ =	sdelay $0x3  }
0x262: {  	v56 =	vld [tilespmem:$0x1FCA0];
	_ =	sdelay $0x3  }
0x263: {  	[tilespmem:v48+s29+$0x0] =	vst.idx.msk $0xffff, v9  }
0x264: {  	[tilespmem:v44+s29+$0x0] =	vst.idx.msk $0xffff, v7  }
0x265: {  	[tilespmem:v39+s29+$0x0] =	vst.idx.msk $0xffff, v16  }
0x266: {  	[tilespmem:v50+s29+$0x0] =	vst.idx.msk $0xffff, v5  }
0x267: {  	[tilespmem:v56+s29+$0x0] =	vst.idx.msk $0xffff, v10  }
0x268: {  	[tilespmem:v45+s29+$0x0] =	vst.idx.msk $0xffff, v3  }
0x269: {  	v59 =	vmul.f32 v31, v53;
	[tilespmem:v40+s29+$0x0] =	vst.idx.msk $0xffff, v8  }
0x26a: {  	v60 =	vmul.f32 v31, v57;
	[tilespmem:v51+s29+$0x0] =	vst.idx.msk $0xffff, v0  }
.Ltmp4:
0x26b: {  	v61 =	vmul.f32 v31, v58;
	[tilespmem:v46+s29+$0x0] =	vst.idx.msk $0xffff, v59;
	(pc) =	sbr.rel @p0 .LBB2_8-.Ltmp4, $4  }
0x26c: {  	v63 =	vmul.f32 v31, v62;
	[tilespmem:v49+s29+$0x0] =	vst.idx.msk $0xffff, v60  }
0x26d: {  	s11 =	sshll.u32 s0, $0xC;
	[tilespmem:v52+s29+$0x0] =	vst.idx.msk $0xffff, v61  }
0x26e: {  	s12 =	sadd.s32 s8, s11;
	[tilespmem:v47+s29+$0x0] =	vst.idx.msk $0xffff, v63  }
0x26f: {  	[hbm4b:s12+s3] =	stream.linear.scatter [tilespmem:s29], [sflag:$0x4], $0x4000, $0x38;
	[tilespmem:$0x13400] =	vst v63  }
0x270: {  	v21 =	vld [tilespmem:$0x1FE20]  }
0x271: {  	v22 =	vld [tilespmem:$0x1FE30]  }
0x272: {  	v19 =	vld [tilespmem:$0x1FE40]  }
0x273: {  	v23 =	vld [tilespmem:$0x1FE50]  }
0x274: {  	v20 =	vld [tilespmem:$0x1FE60]  }
0x275: {  	v25 =	vld [tilespmem:$0x1FE70]  }
0x276: {  	v26 =	vld [tilespmem:$0x1FE80]  }
0x277: {  	v28 =	vld [tilespmem:$0x1FE90]  }
0x278: {  	v27 =	vld [tilespmem:$0x1FEA0]  }
0x279: {  	v30 =	vld [tilespmem:$0x1FEB0]  }
0x27a: {  	v29 =	vld [tilespmem:$0x1FEC0]  }
0x27b: {  	v31 =	vld [tilespmem:$0x1FED0]  }
0x27c: {  	v32 =	vld [tilespmem:$0x1FEE0]  }
0x27d: {  	v34 =	vld [tilespmem:$0x1FEF0]  }
0x27e: {  	v33 =	vld [tilespmem:$0x1FF00]  }
0x27f: {  	v35 =	vld [tilespmem:$0x1FF10]  }
0x280: {  	v18 =	vld [tilespmem:$0x1FF20]  }
0x281: {  	v48 =	vld [tilespmem:$0x1FF30]  }
0x282: {  	v36 =	vld [tilespmem:$0x1FF40]  }
0x283: {  	v12 =	vld [tilespmem:$0x1FF50]  }
0x284: {  	s11 =	sshra.s32 s11, $0x2;
	v50 =	vld [tilespmem:$0x1FF60]  }
0x285: {  	v9 =	vld [tilespmem:$0x1FF70];
	s12 =	sadd.s32 $0x600, s11  }
0x286: {  	v52 =	vld [tilespmem:$0x1FF80];
	[tilespmem:s16], [sflag:$0x2] =	stream.indirect.gather [hbm4b:s4+s17], $0x20, s12, s17, $0xb8  }
0x287: {  	v40 =	vld [tilespmem:$0x1FF90];
	s13 =	sadd.s32 $0x680, s11  }
0x288: {  	v1 =	vld [tilespmem:$0x1FFA0];
	[tilespmem:s19], [sflag:$0x2] =	stream.indirect.gather [hbm4b:s4+s17], $0x20, s13, s17, $0xb8  }
.Ltmp5:
0x289: {  	v10 =	vld [tilespmem:$0x1FFB0];
	(pc) =	sbr.rel .LBB2_2-.Ltmp5, $4  }
0x28a: {  	v11 =	vld [tilespmem:$0x1FFC0];
	s14 =	sadd.s32 $0x700, s11  }
0x28b: {  	v2 =	vld [tilespmem:$0x1FFD0];
	[tilespmem:s22], [sflag:$0x2] =	stream.indirect.gather [hbm4b:s4+s17], $0x20, s14, s17, $0xb8  }
0x28c: {  	s0 =	sadd.s32 $0x1, s0;
	v3 =	vld [tilespmem:$0x1FFE0];
	s11 =	sadd.s32 $0x780, s11  }
0x28d: {  	v57 =	vld [tilespmem:$0x1FFF0];
	[tilespmem:s24], [sflag:$0x2] =	stream.indirect.gather [hbm4b:s4+s17], $0x20, s11, s17, $0xb8  }
.LBB2_9:
0x28e: {  	_ =	sfence.sel $0x180000  }
0x28f: {  	[bflag:$0x0] =	sbarrier.arrive $0xFFFF  }
0x290: {  	_ =	strace $0x90000047  }
0x291: {  	s0 =	stileid.u32;
	[bflag:$0x2] =	sbarrier.arrive $0xFFFF  }
0x292: {  	p0 =	sne.s32 s0, $0x0;
	s0 =	rddreg [dreg:$0x2]  }
0x293: {  	s0 =	sadd.s32 @!p0 $0x100000, s0  }
0x294: {  	[sflag:s0] =	ssyncadd.tile.s32 @!p0 $0x1;
	_ =	shalt  }
.Lfunc_end2:
_tile_overlayer_lowered:
.L_overlay_start_2:
0x295: {  	(tag) =	ssettag $0x2  }
0x296: {  	s0 =	rddreg [dreg:$0x0];
	s2 =	stileid.u32  }
0x297: {  	s1 =	rddreg [dreg:$0x1];
	p0 =	sne.s32 s2, $0x0  }
0x298: {  	s3 =	rddreg [dreg:$0x2];
	[bflag:$0x3] =	sbarrier.arrive $0xFFFF;
	s2 =	simm.s32 @!p0 $0x1C05  }
0x299: {  	[timem:s3], [sflag:s2] =	dma.local @!p0 [hbm:s0], s1  }
0x29a: {  	s0 =	simm.s32 @!p0 $0x5  }
0x29b: {  	_ =	swait.ge @!p0 [sflag:s0], s1  }
0x29c: {  	s1 =	ssub.s32 @!p0 $0x0, s1;
	[sflag:s0] =	ssyncset.done @!p0 $0x0  }
0x29d: {  	[sflag:s0] =	ssyncadd.s32 @!p0 s1  }
0x29e: {  	[bflag:$0x3] =	sbarrier.arrive $0xFFFF  }
0x29f: {  	_ =	shalt  }

// kernel: sparse-core-data-format-call.cloned.1.call-start
scs
called_computation_lowered:
.L_overlay_start_0:
0x0: {  	s2 =	sld [smem:$0x3FD9]  }
0x1: {  	s3 =	sld [smem:$0x3FFE];
	_ =	sdelay $0x1  }
0x2: {  	s1 =	srdreg.scid  }
0x3: {  	s0 =	sand.u32 $0x1, s1  }
0x4: {  	s18 =	sshll.u32 s0, $0xA;
	s2 =	sadd.s32 s3, s2  }
0x5: {  	s2 =	sadd.s32 s2, s18  }
0x6: {  	[smem:$0x3FC6] =	sst s2  }
0x7: {  	_ = 	snop  }
0x8: {  	s2 =	sld [smem:$0x3FD0];
	(tm) =	ssettm $0x1  }
0x9: {  	s19 =	sld [smem:$0x3FFB];
	_ =	sdelay $0x3  }
0xa: {  	_ =	strace s19  }
0xb: {  	s3 =	sld [smem:$0x3FFC];
	_ =	sdelay $0x3  }
0xc: {  	_ =	strace s3  }
0xd: {  	s3 =	sld [smem:$0x3FFD];
	_ =	sdelay $0x3  }
0xe: {  	_ =	strace s3  }
0xf: {  	_ =	strace $0x8FFFFFFF  }
0x10: {  	s20 =	sld [smem:$0x3FDB];
	_ =	sdelay $0x1  }
0x11: {  	s4 =	simm.s32 $_scs_section_size  }
0x12: {  	s5 =	simm.s32 $_size__tile_overlayer_lowered;
	s6 =	simm.s32 $_tile_overlayer_lowered  }
0x13: {  	s23 =	simm.s32 $0x1BFF;
	s22 =	sshll.u32 s6, $0x1;
	s3 =	sadd.s32 s4, s20  }
0x14: {  	s7 =	simm.s32 $0x0;
	s21 =	sshll.u32 s5, $0x1;
	s5 =	sadd.s32 s22, s3  }
0x15: {  	[timem:s7], [sflag:s23] =	dma.local [hbm:s5], s21  }
0x16: {  	_ =	swait.ge [sflag:s23], s21  }
0x17: {  	s4 =	ssub.s32 $0x0, s21;
	[sflag:s23] =	ssyncset.done $0x0  }
0x18: {  	[sflag:s23] =	ssyncadd.s32 s4;
	_ =	sdelay $0x1  }
0x19: {  	s24 =	simm.s32 $0x1B8B  }
0x1a: {  	_ =	swait.ge [sflag:s24], $0x1  }
0x1b: {  	[sflag:s24] =	ssyncset.done $0x0  }
0x1c: {  	s26 =	simm.s32 $0x1B8E;
	s25 =	sld [smem:$0x3FFE];
	[sflag:s24] =	ssyncadd.s32 $0xFFFFFFFF  }
0x1d: {  	s27 =	simm.s32 $execute0_lowered;
	[smem:$0x3FD2] =	sst s26  }
0x1e: {  	s5 =	sshll.u32 s27, $0x1;
	_ =	strace $0x80000049;
	[dreg:$0x1] =	wrdreg $0xFFFFFFFF  }
0x1f: {  	s28 =	simm.s32 $_size_execute0_lowered;
	s3 =	sadd.s32 s3, s5;
	[dreg:$0x0] =	wrdreg $0x0  }
0x20: {  	s5 =	sshll.u32 s28, $0x1;
	[dreg:$0x2] =	wrdreg s3  }
0x21: {  	[dreg:$0x3] =	wrdreg s5  }
0x22: {  	[dreg:$0x4] =	wrdreg $0xC0  }
0x23: {  	_ =	task [dreg:s7], $0x5FFFF  }
0x24: {  	[dreg:$0x1] =	wrdreg $0xFFFFFFFF  }
0x25: {  	[dreg:$0x0] =	wrdreg $0x60  }
0x26: {  	[dreg:$0x2] =	wrdreg s25  }
0x27: {  	[dreg:$0x3] =	wrdreg s2  }
0x28: {  	[dreg:$0x4] =	wrdreg $0x9  }
0x29: {  	_ =	task.clear_ibuf [dreg:s7], $0x5FFFF;
	_ =	strace $0x90000049  }
0x2a: {  	s29 =	simm.s32 $0x9;
	_ =	strace $0x8000004B  }
0x2b: {  	_ =	swait.ge [sflag:s29], $0x1  }
0x2c: {  	[sflag:s29] =	ssyncadd.s32 $0xFFFFFFFF  }
0x2d: {  	_ =	strace $0x9000004B  }
0x2e: {  	_ =	sfence  }
0x2f: {  	s30 =	sld [smem:$0x0];
	_ =	sdelay $0x2  }
0x30: {  	s31 =	sshll.u32 s1, $0xD;
	s1 =	sshrl.u32 s1, $0x2  }
0x31: {  	s3 =	sand.u32 $0x4000, s31;
	s1 =	sadd.s32 s1, s30  }
0x32: {  	s0 =	sor.u32 s3, s0;
	s1 =	sshll.u32 s1, $0x11  }
0x33: {  	s0 =	sor.u32 s1, s0  }
0x34: {  	s0 =	sadd.s32 $0x8F2B, s0  }
0x35: {  	[sflag:s0] =	ssyncadd.remote.s32 $0x1  }
0x36: {  	_ =	sfence.sel $0xFFFF  }
0x37: {  	[dreg:$0x0] =	wrdreg $0xFFFFFFFF;
	(pc) =	sbr.abs _section_cstart, $3  }
0x38: {  	[dreg:$0x1] =	wrdreg $0xFFFFFFFF  }
0x39: {  	_ =	task.clear_ibuf [dreg:s7], $0x2FFFF;
	_ =	strace $0x9FFFFFFF  }
0x3a: {  	(tm) =	ssettm $0x7FFFFFFF  }
0x3b: {  	_ =	shalt  }
tec
execute0_lowered:
.L_overlay_start_1:
0x0: {  	(tag) =	ssettag $0x1  }
0x1: {  	s0 =	srdreg.scid  }
0x2: {  	s1 =	sshll.u32 s0, $0x4  }
0x3: {  	s0 =	stileid.u32;
	s1 =	sand.u32 $0x10, s1  }
0x4: {  	s1 =	sor.u32 s0, s1  }
0x5: {  	s6 =	rddreg [dreg:$0x0];
	s4 =	simm.s32 $0x1;
	s2 =	sshll.u32 s1, $0x7  }
0x6: {  	s7 =	simm.s32 $0x2;
	s12 =	simm.s32 $0x0;
	s1 =	ssub.s32 $0x4000, s2  }
0x7: {  	s8 =	simm.s32 $0x20000;
	s13 =	simm.s32 $0x0;
	s3 =	sand.u32 $0xF80, s1  }
0x8: {  	s9 =	simm.s32 $0x0;
	s5 =	sshrl.u32 s1, $0xC;
	p0 =	sne.s32 s3, $0x0  }
.Ltmp0:
0x9: {  	s1 =	rddreg [dreg:$0x2];
	s4 =	simm.s32 @!p0 $0x0;
	(pc) =	sbr.rel .LBB1_1-.Ltmp0, $4  }
0xa: {  	s11 =	simm.s32 $0x0;
	s3 =	rddreg [dreg:$0x1];
	s5 =	sadd.s32 s4, s5  }
0xb: {  	_ =	strace $0x8000004A;
	s4 =	simm.s32 $0x1;
	s5 =	smul.u32 $0x1A, s5  }
0xc: {  	s6 =	sadd.s32 $0xA00, s6;
	s10 =	smov.u32 s2;
	[sflag:s4] =	ssyncpa.u1 $0x0  }
0xd: {  	p0 =	por $0x0, $0x0;
	[sflag:s7] =	ssyncpa.u1 $0x0;
	s7 =	sor.u32 $0x1, s5  }
.LBB1_4:
0xe: {  	s16 =	sshll.u32 s13, $0x3;
	s17 =	sand.u32 $0x78, s13  }
0xf: {  	s30 =	sand.u32 $0xF800, s13;
	s12 =	sshll.u32 s12, $0x10;
	s16 =	sand.u32 $0x3C00, s16  }
0x10: {  	s31 =	sand.u32 $0x7, s13;
	s16 =	sor.u32 s17, s16;
	s17 =	sadd.s32 s3, s30  }
0x11: {  	s13 =	sshll.u32 s31, $0x12;
	s16 =	sshrl.u32 s16, $0x3;
	s12 =	sadd.s32 s12, s17  }
0x12: {  	[tilespmem:s15+$0x0 ss:$0x81] =	vst.msk $0xffff, v0;
	s13 =	sor.u32 $0x400, s13;
	s12 =	sadd.s32 s16, s12  }
0x13: {  	[hbm4b:s12+s13] =	stream.strided.scatter [tilespmem:s14], [sflag:$0x2], $0x1000, s8, s13, $0x20;
	[tilespmem:$0x4040] =	vst v63  }
.LBB1_5:
0x14: {  	s14 =	sadd.s32 $0x1, s9  }
0x15: {  	s12 =	sadd.s32 $0x1000, s10;
	s16 =	smov.u32 s10;
	p2 =	sgt.s32 s14, $0x19  }
0x16: {  	s16 =	smov.u32 @p2 s12  }
0x17: {  	s14 =	simm.s32 @p2 $0x0;
	p2 =	sgt.s32 s16, $0x3FFF  }
0x18: {  	s16 =	smov.u32 @p2 s2;
	p2 =	sne.s32 s11, s7  }
.Ltmp1:
0x19: {  	p1 =	slt.u32 s11, $0x2;
	(pc) =	sbr.rel @!p2 .LBB1_6-.Ltmp1, $4  }
0x1a: {  	s15 =	simm.s32 @!p1 $0x2  }
0x1b: {  	s13 =	smov.u32 s10;
	p0 =	por !p0, !p0;
	_ =	swait.ge @!p1 [sflag:s15], $0x1000  }
0x1c: {  	s12 =	smov.u32 s9;
	[sflag:s15] =	ssyncset.done @!p1 $0x0;
	s9 =	smov.u32 s14  }
0x1d: {  	s11 =	sadd.s32 $0x1, s11;
	[sflag:s15] =	ssyncadd.s32 @!p1 $0xFFFFF000;
	s10 =	smov.u32 s16  }
.LBB1_1:
0x1e: {  	p1 =	sge.u32 s11, s5  }
0x1f: {  	s31 =	sadd.s32 $0xFFFFFFFF, s11;
	s14 =	sxor.u32 @!p1 $0xFFFFFFFF, s11  }
0x20: {  	s15 =	sshll.u32 @!p1 s10, $0x9;
	s16 =	sshll.u32 @!p1 s9, $0x4;
	s17 =	simm.s32 @!p1 $0x1000  }
0x21: {  	s14 =	sshll.u32 @!p1 s14, $0xC;
	s16 =	sand.u32 @!p1 $0x1F0, s16;
	s15 =	sadd.s32 @!p1 s6, s15  }
0x22: {  	s14 =	sand.u32 @!p1 $0x1000, s14;
	s15 =	sadd.s32 @!p1 s16, s15;
	s16 =	simm.s32 @!p1 $0x20  }
0x23: {  	[tilespmem:s14], [sflag:$0x1] =	stream.strided.gather @!p1 [hbm4b:s15+s16], $0x1000, s17, s16, $0x38;
	[tilespmem:$0x4040] =	vst v63  }
0x24: {  	p1 =	sge.u32 s31, s5  }
.Ltmp2:
0x25: {  	_ = 	snop;
	(pc) =	sbr.rel @p1 .LBB1_5-.Ltmp2, $1  }
0x26: {  	_ =	sdelay $0x3  }
0x27: {  	s14 =	simm.s32 $0x1  }
0x28: {  	_ =	swait.ge [sflag:s4], $0x1000;
	s14 =	simm.s32 @!p0 $0x0  }
0x29: {  	[sflag:s4] =	ssyncset.done $0x0;
	s15 =	sshll.u32 s14, $0xC  }
0x2a: {  	[sflag:s4] =	ssyncadd.s32 $0xFFFFF000;
	s18 =	sor.u32 $0x10, s15  }
0x2b: {  	s14 =	smul.u32 $0x4080, s14;
	v1 =	vld [tilespmem:s18+$0x0]  }
0x2c: {  	s30 =	sand.u32 $0x1, s11;
	v0 =	vld [tilespmem:s18+$0xFFFFFFF0]  }
0x2d: {  	s15 =	smul.u32 $0x4080, s30;
	s14 =	sshrl.u32 s14, $0x2  }
0x2e: {  	s16 =	sor.u32 $0x2000, s14  }
0x2f: {  	s31 =	sshrl.u32 s15, $0x2;
	s15 =	sadd.s32 $0x0, s16  }
0x30: {  	s17 =	simm.s32 $0x4;
	s18 =	sadd.s32 $0x20, s18;
	s14 =	sor.u32 $0x2000, s31;
	[tilespmem:s15+$0x810 ss:$0x81] =	vst.msk $0xffff, v1  }
.LBB1_3:
0x31: {  	v1 =	vld [tilespmem:s18+$0x0];
	p1 =	sne.s32 s17, $0x1FC;
	[tilespmem:s15+$0x0 ss:$0x81] =	vst.msk $0xffff, v0;
	s15 =	smov.u32 s17;
	s17 =	sadd.s32 $0x4, s17  }
.Ltmp3:
0x32: {  	v0 =	vld [tilespmem:s18+$0xFFFFFFF0];
	(pc) =	sbr.rel @p1 .LBB1_3-.Ltmp3, $4  }
0x33: {  	_ = 	snop  }
0x34: {  	s15 =	sshra.s32 s15, $0x2  }
0x35: {  	s15 =	sadd.s32 s15, s16  }
0x36: {  	s18 =	sadd.s32 $0x20, s18;
	[tilespmem:s15+$0x810 ss:$0x81] =	vst.msk $0xffff, v1  }
.Ltmp4:
0x37: {  	_ = 	snop;
	(pc) =	sbr.rel .LBB1_4-.Ltmp4, $1  }
0x38: {  	_ =	sdelay $0x3  }
.LBB1_6:
0x39: {  	_ =	sfence.sel $0x180000  }
0x3a: {  	s2 =	simm.s32 $0x1;
	[bflag:$0x0] =	sbarrier.arrive $0xFFFF  }
0x3b: {  	s31 =	simm.s32 $0x2;
	[sflag:s2] =	ssyncpa.u1 $0x1  }
0x3c: {  	[sflag:s31] =	ssyncpa.u1 $0x1  }
0x3d: {  	p0 =	sne.s32 s0, $0x0;
	_ =	strace $0x9000004A  }
0x3e: {  	s0 =	sadd.s32 @!p0 $0x100000, s1;
	[bflag:$0x2] =	sbarrier.arrive $0xFFFF  }
0x3f: {  	[sflag:s0] =	ssyncadd.tile.s32 @!p0 $0x1;
	_ =	shalt  }
.Lfunc_end1:
_tile_overlayer_lowered:
.L_overlay_start_2:
0x40: {  	(tag) =	ssettag $0x2  }
0x41: {  	s0 =	rddreg [dreg:$0x0];
	s2 =	stileid.u32  }
0x42: {  	s1 =	rddreg [dreg:$0x1];
	p0 =	sne.s32 s2, $0x0  }
0x43: {  	s3 =	rddreg [dreg:$0x2];
	[bflag:$0x3] =	sbarrier.arrive $0xFFFF;
	s2 =	simm.s32 @!p0 $0x1C01  }
0x44: {  	[timem:s3], [sflag:s2] =	dma.local @!p0 [hbm:s0], s1  }
0x45: {  	s0 =	simm.s32 @!p0 $0x1  }
0x46: {  	_ =	swait.ge @!p0 [sflag:s0], s1  }
0x47: {  	s1 =	ssub.s32 @!p0 $0x0, s1;
	[sflag:s0] =	ssyncset.done @!p0 $0x0  }
0x48: {  	[sflag:s0] =	ssyncadd.s32 @!p0 s1  }
0x49: {  	[bflag:$0x3] =	sbarrier.arrive $0xFFFF  }
0x4a: {  	_ =	shalt  }

</sc_bundles>
